<compile_context>
chip_gen: v7x
topology: tpu7x:2x2x1
jax: 0.10.2.dev20260603
libtpu: 0.0.44.dev20260713+nightly
codegen_flags: <defaults>
</compile_context>

<pallas_src>
import jax
import jax.numpy as jnp
from jax import lax
from jax.experimental import pallas as pl
from jax.experimental.pallas import tpu as pltpu
from jax.experimental.pallas import tpu_sc as plsc

VOCAB = 50257
H = 1280
S = 1024
B = 32

NUM_CORES = 2
NUM_SUBCORES = 16
NW = NUM_CORES * NUM_SUBCORES
SCHUNK = S // NW
LANES = 16
GROUPS = H // LANES


def _body(ids_hbm, wte_hbm, wpe_hbm, out_hbm,
          idx_all, wpe_v, rows0, rows1, gsem0, gsem1, wsem0, wsem1):
  wid = lax.axis_index("s") * NUM_CORES + lax.axis_index("c")
  s0 = wid * SCHUNK
  bufs = (rows0, rows1)
  gsems = (gsem0, gsem1)
  wsems = (wsem0, wsem1)

  def g_start(b, p):
    pltpu.async_copy(wte_hbm.at[idx_all.at[pl.ds(b * SCHUNK, SCHUNK)]],
                     bufs[p], gsems[p])

  def g_wait(b, p):
    pltpu.make_async_copy(wte_hbm.at[idx_all.at[pl.ds(b * SCHUNK, SCHUNK)]],
                          bufs[p], gsems[p]).wait()

  def w_start(b, p):
    pltpu.async_copy(bufs[p], out_hbm.at[pl.ds(b * S + s0, SCHUNK)],
                     wsems[p])

  def w_wait(b, p):
    pltpu.make_async_copy(
        bufs[p], out_hbm.at[pl.ds(b * S + s0, SCHUNK)], wsems[p]).wait()

  def add_chunk(p):
    buf = bufs[p]

    @pl.loop(0, SCHUNK)
    def _(r):
      for j in range(GROUPS):
        plsc.addupdate(buf.at[r, pl.ds(j * LANES, LANES)],
                       wpe_v[r, pl.ds(j * LANES, LANES)])

  pltpu.sync_copy(ids_hbm.at[pl.ds(wid * B * SCHUNK, B * SCHUNK)], idx_all)
  pltpu.sync_copy(wpe_hbm.at[pl.ds(s0, SCHUNK)], wpe_v)

  g_start(0, 0)

  @pl.loop(0, B // 2)
  def _(t):
    for j in range(2):
      b = 2 * t + j
      p = j
      g_wait(b, p)
      if j == 0:
        @pl.when(t > 0)
        def _():
          w_wait(b - 1, 1 - p)
        g_start(b + 1, 1 - p)
      else:
        @pl.when(t < B // 2 - 1)
        def _():
          w_wait(b - 1, 1 - p)
          g_start(b + 1, 1 - p)
      add_chunk(p)
      w_start(b, p)

  w_wait(B - 2, 0)
  w_wait(B - 1, 1)


@jax.jit
def kernel(input_ids, wte, wpe):
  ids = (input_ids.astype(jnp.int32)
         .reshape(B, NW, SCHUNK).swapaxes(0, 1).reshape(-1))
  mesh = plsc.VectorSubcoreMesh(core_axis_name="c", subcore_axis_name="s")
  run = pl.kernel(
      _body,
      out_type=jax.ShapeDtypeStruct((B * S, H), jnp.float32),
      mesh=mesh,
      scratch_types=[
          pltpu.VMEM((B * SCHUNK,), jnp.int32),
          pltpu.VMEM((SCHUNK, H), jnp.float32),
          pltpu.VMEM((SCHUNK, H), jnp.float32),
          pltpu.VMEM((SCHUNK, H), jnp.float32),
          pltpu.SemaphoreType.DMA,
          pltpu.SemaphoreType.DMA,
          pltpu.SemaphoreType.DMA,
          pltpu.SemaphoreType.DMA,
      ],
  )
  out = run(ids, wte, wpe)
  return out.reshape(B, S, H)

# --- scband reference (transcript-rebuilt; emitter-appended) ---
"""Pipeline reference for scband-gpt2-embeddings-506806141195 (READ-ONLY COPY).

The authoritative reference and input builder live on the scoring server;
editing this copy changes nothing except your own understanding.
"""

import jax, jax.numpy as jnp
import numpy as np

VOCAB_SIZE = 50257
HIDDEN = 1280
SEQ_LEN = 1024
BATCH = 32

def setup_inputs(seed: int = 0) -> dict:
    key = jax.random.key(seed)
    k1, k2, k3 = jax.random.split(key, 3)
    input_ids = jax.random.randint(k1, (BATCH, SEQ_LEN), 0, VOCAB_SIZE, dtype=jnp.int64 if jax.config.jax_enable_x64 else jnp.int32)
    wte = jax.random.normal(k2, (VOCAB_SIZE, HIDDEN), dtype=jnp.float32) * 0.02
    wpe = jax.random.normal(k3, (SEQ_LEN, HIDDEN), dtype=jnp.float32) * 0.02
    return {"input_ids": input_ids, "wte": wte, "wpe": wpe}

def reference(input_ids, wte, wpe):
    # GPT2Embeddings.forward: token embedding gather + positional embedding gather + add.
    # Dropout is identity in eval/reference mode.
    B, S = input_ids.shape
    pos = jnp.arange(S)[None, :]  # [1, S]
    tok_emb = jnp.take(wte, input_ids, axis=0)   # [B, S, HIDDEN]
    pos_emb = jnp.take(wpe, pos, axis=0)          # [1, S, HIDDEN]
    return tok_emb + pos_emb

if __name__ == "__main__":
    import jax
    _d = setup_inputs()
    print(jax.jit(kernel)(*tuple(_d.values())))

</pallas_src>

<mosaic_0001>
#map = affine_map<(d0, d1) -> (0)>
#map1 = affine_map<(d0, d1) -> (0, 0)>
module attributes {stable_mosaic.version = 14 : i64} {
  func.func @_body(%arg0: i32, %arg1: i32, %arg2: memref<32768xi32, #tpu.memory_space<hbm>>, %arg3: memref<50257x1280xf32, #tpu.memory_space<hbm>>, %arg4: memref<1024x1280xf32, #tpu.memory_space<hbm>>, %arg5: memref<32768x1280xf32, #tpu.memory_space<hbm>>, %arg6: memref<1024xi32, #tpu.memory_space<vmem>>, %arg7: memref<32x1280xf32, #tpu.memory_space<vmem>>, %arg8: memref<32x1280xf32, #tpu.memory_space<vmem>>, %arg9: memref<32x1280xf32, #tpu.memory_space<vmem>>, %arg10: memref<!tpu.dma_semaphore, #tpu.memory_space<semaphore_mem>>, %arg11: memref<!tpu.dma_semaphore, #tpu.memory_space<semaphore_mem>>, %arg12: memref<!tpu.dma_semaphore, #tpu.memory_space<semaphore_mem>>, %arg13: memref<!tpu.dma_semaphore, #tpu.memory_space<semaphore_mem>>) attributes {dimension_semantics = [#tpu.dimension_semantics<core_parallel>, #tpu.dimension_semantics<subcore_parallel>], iteration_bounds = array<i64: 2, 16>, scalar_prefetch = 0 : i64, scratch_operands = 8 : i64, tpu.core_type = #tpu.core_type<sc_vector_subcore>, window_params = [{transform_indices = #map}, {transform_indices = #map1}, {transform_indices = #map1}, {transform_indices = #map1}]} {
    %mul3A = arith.constant 2 : i32
    %mul3A_0 = arith.muli %arg1, %mul3A : i32
    %add3A = arith.addi %mul3A_0, %arg0 : i32
    %mul3A_1 = arith.constant 32 : i32
    %mul3A_2 = arith.muli %add3A, %mul3A_1 : i32
    %mul3A_3 = arith.constant 32 : i32
    %mul3A_4 = arith.muli %add3A, %mul3A_3 : i32
    %mul3A_5 = arith.constant 32 : i32
    %mul3A_6 = arith.muli %mul3A_4, %mul3A_5 : i32
    "tpu.region"() ({
      %run_scoped3A = tpu.sem_alloc : memref<!tpu.dma_semaphore, #tpu.memory_space<semaphore_mem>>
      %dma_start3A_26 = tpu.memref_slice %arg2[%mul3A_6] : memref<32768xi32, #tpu.memory_space<hbm>> -> memref<1024xi32, #tpu.memory_space<hbm>>
      %dma_start3A_27 = tpu.memref_slice %arg2[%mul3A_6] : memref<32768xi32, #tpu.memory_space<hbm>> -> memref<1024xi32, #tpu.memory_space<hbm>>
      tpu.enqueue_dma source(%dma_start3A_27 : memref<1024xi32, #tpu.memory_space<hbm>>) target(%arg6 : memref<1024xi32, #tpu.memory_space<vmem>>) target_semaphore(%run_scoped3A : memref<!tpu.dma_semaphore, #tpu.memory_space<semaphore_mem>>)
      %dma_wait3A_28 = tpu.memref_slice %arg2[%mul3A_6] : memref<32768xi32, #tpu.memory_space<hbm>> -> memref<1024xi32, #tpu.memory_space<hbm>>
      %dma_wait3A_29 = tpu.memref_slice %arg2[%mul3A_6] : memref<32768xi32, #tpu.memory_space<hbm>> -> memref<1024xi32, #tpu.memory_space<hbm>>
      tpu.wait_dma2 semaphore(%run_scoped3A : memref<!tpu.dma_semaphore, #tpu.memory_space<semaphore_mem>>) src(%dma_wait3A_29 : memref<1024xi32, #tpu.memory_space<hbm>>) dst(%arg6 : memref<1024xi32, #tpu.memory_space<vmem>>)
      tpu.yield
    }) : () -> ()
    "tpu.region"() ({
      %run_scoped3A = tpu.sem_alloc : memref<!tpu.dma_semaphore, #tpu.memory_space<semaphore_mem>>
      %dma_start3A_26 = arith.constant 0 : i32
      %dma_start3A_27 = tpu.memref_slice %arg4[%mul3A_2, %dma_start3A_26] : memref<1024x1280xf32, #tpu.memory_space<hbm>> -> memref<32x1280xf32, #tpu.memory_space<hbm>>
      %dma_start3A_28 = arith.constant 0 : i32
      %dma_start3A_29 = tpu.memref_slice %arg4[%mul3A_2, %dma_start3A_28] : memref<1024x1280xf32, #tpu.memory_space<hbm>> -> memref<32x1280xf32, #tpu.memory_space<hbm>>
      tpu.enqueue_dma source(%dma_start3A_29 : memref<32x1280xf32, #tpu.memory_space<hbm>>) target(%arg7 : memref<32x1280xf32, #tpu.memory_space<vmem>>) target_semaphore(%run_scoped3A : memref<!tpu.dma_semaphore, #tpu.memory_space<semaphore_mem>>)
      %dma_wait3A_30 = arith.constant 0 : i32
      %dma_wait3A_31 = tpu.memref_slice %arg4[%mul3A_2, %dma_wait3A_30] : memref<1024x1280xf32, #tpu.memory_space<hbm>> -> memref<32x1280xf32, #tpu.memory_space<hbm>>
      %dma_wait3A_32 = arith.constant 0 : i32
      %dma_wait3A_33 = tpu.memref_slice %arg4[%mul3A_2, %dma_wait3A_32] : memref<1024x1280xf32, #tpu.memory_space<hbm>> -> memref<32x1280xf32, #tpu.memory_space<hbm>>
      tpu.wait_dma2 semaphore(%run_scoped3A : memref<!tpu.dma_semaphore, #tpu.memory_space<semaphore_mem>>) src(%dma_wait3A_33 : memref<32x1280xf32, #tpu.memory_space<hbm>>) dst(%arg7 : memref<32x1280xf32, #tpu.memory_space<vmem>>)
      tpu.yield
    }) : () -> ()
    %dma_start3A = arith.constant 0 : i32
    %dma_start3A_7 = tpu.memref_slice %arg6[%dma_start3A] : memref<1024xi32, #tpu.memory_space<vmem>> -> memref<32xi32, #tpu.memory_space<vmem>>
    %dma_start3A_8 = arith.constant 0 : i32
    %dma_start3A_9 = arith.constant 0 : i32
    %dma_start3A_10 = tpu.memref_slice %arg3[%dma_start3A_8, %dma_start3A_9] : memref<50257x1280xf32, #tpu.memory_space<hbm>> -> memref<50257x1280xf32, #tpu.memory_space<hbm>>
    tpu.enqueue_indirect_dma source(%dma_start3A_10 : memref<50257x1280xf32, #tpu.memory_space<hbm>>) target(%arg8 : memref<32x1280xf32, #tpu.memory_space<vmem>>) offsets(%dma_start3A_7 : memref<32xi32, #tpu.memory_space<vmem>>) semaphore(%arg10 : memref<!tpu.dma_semaphore, #tpu.memory_space<semaphore_mem>>)
    %scan3A = arith.constant 0 : i32
    %scan3A_11 = arith.constant 16 : i32
    %scan3A_12 = arith.addi %scan3A, %scan3A_11 : i32
    %scan3A_13 = arith.constant 1 : i32
    scf.for %scan3A_26 = %scan3A to %scan3A_12 step %scan3A_13  : i32 {
      %mul3A_27 = arith.constant 1 : i32
      %mul3A_28 = arith.muli %scan3A_26, %mul3A_27 : i32
      %add3A_29 = arith.constant 0 : i32
      %add3A_30 = arith.addi %add3A_29, %mul3A_28 : i32
      %mul3A_31 = arith.constant 2 : i32
      %mul3A_32 = arith.muli %mul3A_31, %add3A_30 : i32
      %add3A_33 = arith.constant 0 : i32
      %add3A_34 = arith.addi %mul3A_32, %add3A_33 : i32
      %mul3A_35 = arith.constant 32 : i32
      %mul3A_36 = arith.muli %add3A_34, %mul3A_35 : i32
      %dma_wait3A_37 = tpu.memref_slice %arg6[%mul3A_36] : memref<1024xi32, #tpu.memory_space<vmem>> -> memref<32xi32, #tpu.memory_space<vmem>>
      %dma_wait3A_38 = arith.constant 0 : i32
      %dma_wait3A_39 = arith.constant 0 : i32
      %dma_wait3A_40 = tpu.memref_slice %arg3[%dma_wait3A_38, %dma_wait3A_39] : memref<50257x1280xf32, #tpu.memory_space<hbm>> -> memref<50257x1280xf32, #tpu.memory_space<hbm>>
      tpu.wait_indirect_dma semaphore(%arg10 : memref<!tpu.dma_semaphore, #tpu.memory_space<semaphore_mem>>) src(%dma_wait3A_40 : memref<50257x1280xf32, #tpu.memory_space<hbm>>) dst(%arg8 : memref<32x1280xf32, #tpu.memory_space<vmem>>)
      %gt3A = arith.constant 0 : i32
      %gt3A_41 = arith.cmpi sgt, %add3A_30, %gt3A : i32
      %convert_element_type3A = arith.extui %gt3A_41 : i1 to i32
      %cond3A = arith.constant 0 : i32
      %cond3A_42 = arith.cmpi ne, %convert_element_type3A, %cond3A : i32
      scf.if %cond3A_42 {
        %sub3A = arith.constant 1 : i32
        %sub3A_89 = arith.subi %add3A_34, %sub3A : i32
        %mul3A_90 = arith.constant 1024 : i32
        %mul3A_91 = arith.muli %sub3A_89, %mul3A_90 : i32
        %add3A_92 = arith.addi %mul3A_91, %mul3A_2 : i32
        %dma_wait3A_93 = arith.constant 0 : i32
        %dma_wait3A_94 = tpu.memref_slice %arg5[%add3A_92, %dma_wait3A_93] : memref<32768x1280xf32, #tpu.memory_space<hbm>> -> memref<32x1280xf32, #tpu.memory_space<hbm>>
        %dma_wait3A_95 = arith.constant 0 : i32
        %dma_wait3A_96 = tpu.memref_slice %arg5[%add3A_92, %dma_wait3A_95] : memref<32768x1280xf32, #tpu.memory_space<hbm>> -> memref<32x1280xf32, #tpu.memory_space<hbm>>
        tpu.wait_dma2 semaphore(%arg13 : memref<!tpu.dma_semaphore, #tpu.memory_space<semaphore_mem>>) src(%arg9 : memref<32x1280xf32, #tpu.memory_space<vmem>>) dst(%dma_wait3A_96 : memref<32x1280xf32, #tpu.memory_space<hbm>>)
      } else {
      }
      %add3A_43 = arith.constant 1 : i32
      %add3A_44 = arith.addi %add3A_34, %add3A_43 : i32
      %mul3A_45 = arith.constant 32 : i32
      %mul3A_46 = arith.muli %add3A_44, %mul3A_45 : i32
      %dma_start3A_47 = tpu.memref_slice %arg6[%mul3A_46] : memref<1024xi32, #tpu.memory_space<vmem>> -> memref<32xi32, #tpu.memory_space<vmem>>
      %dma_start3A_48 = arith.constant 0 : i32
      %dma_start3A_49 = arith.constant 0 : i32
      %dma_start3A_50 = tpu.memref_slice %arg3[%dma_start3A_48, %dma_start3A_49] : memref<50257x1280xf32, #tpu.memory_space<hbm>> -> memref<50257x1280xf32, #tpu.memory_space<hbm>>
      tpu.enqueue_indirect_dma source(%dma_start3A_50 : memref<50257x1280xf32, #tpu.memory_space<hbm>>) target(%arg9 : memref<32x1280xf32, #tpu.memory_space<vmem>>) offsets(%dma_start3A_47 : memref<32xi32, #tpu.memory_space<vmem>>) semaphore(%arg11 : memref<!tpu.dma_semaphore, #tpu.memory_space<semaphore_mem>>)
      %scan3A_51 = arith.constant 0 : i32
      %scan3A_52 = arith.constant 32 : i32
      %scan3A_53 = arith.addi %scan3A_51, %scan3A_52 : i32
      %scan3A_54 = arith.constant 1 : i32
      scf.for %scan3A_89 = %scan3A_51 to %scan3A_53 step %scan3A_54  : i32 {
        %mul3A_90 = arith.constant 1 : i32
        %mul3A_91 = arith.muli %scan3A_89, %mul3A_90 : i32
        %add3A_92 = arith.constant 0 : i32
        %add3A_93 = arith.addi %add3A_92, %mul3A_91 : i32
        %get3A = arith.index_cast %add3A_93 : i32 to index
        %get3A_94 = arith.constant 0 : index
        %get3A_95 = tpu.vector_load %arg7[%get3A, %get3A_94] {strides = array<i32>} : memref<32x1280xf32, #tpu.memory_space<vmem>>, vector<1x16xf32>,
        %get3A_96 = vector.shape_cast %get3A_95 : vector<1x16xf32> to vector<16xf32>
        %swap3A = arith.index_cast %add3A_93 : i32 to index
        %swap3A_97 = arith.constant 0 : index
        %swap3A_98 = tpu.vector_load %arg8[%swap3A, %swap3A_97] {strides = array<i32>} : memref<32x1280xf32, #tpu.memory_space<vmem>>, vector<1x16xf32>,
        %swap3A_99 = vector.shape_cast %swap3A_98 : vector<1x16xf32> to vector<16xf32>
        %swap3A_100 = vector.shape_cast %get3A_96 : vector<16xf32> to vector<1x16xf32>
        tpu.vector_store %arg8[%swap3A, %swap3A_97], %swap3A_100 {add = true, strides = array<i32>} : memref<32x1280xf32, #tpu.memory_space<vmem>>, vector<1x16xf32>,
        %get3A_101 = arith.index_cast %add3A_93 : i32 to index
        %get3A_102 = arith.constant 16 : index
        %get3A_103 = tpu.vector_load %arg7[%get3A_101, %get3A_102] {strides = array<i32>} : memref<32x1280xf32, #tpu.memory_space<vmem>>, vector<1x16xf32>,
        %get3A_104 = vector.shape_cast %get3A_103 : vector<1x16xf32> to vector<16xf32>
        %swap3A_105 = arith.index_cast %add3A_93 : i32 to index
        %swap3A_106 = arith.constant 16 : index
        %swap3A_107 = tpu.vector_load %arg8[%swap3A_105, %swap3A_106] {strides = array<i32>} : memref<32x1280xf32, #tpu.memory_space<vmem>>, vector<1x16xf32>,
        %swap3A_108 = vector.shape_cast %swap3A_107 : vector<1x16xf32> to vector<16xf32>
        %swap3A_109 = vector.shape_cast %get3A_104 : vector<16xf32> to vector<1x16xf32>
        tpu.vector_store %arg8[%swap3A_105, %swap3A_106], %swap3A_109 {add = true, strides = array<i32>} : memref<32x1280xf32, #tpu.memory_space<vmem>>, vector<1x16xf32>,
        %get3A_110 = arith.index_cast %add3A_93 : i32 to index
        %get3A_111 = arith.constant 32 : index
        %get3A_112 = tpu.vector_load %arg7[%get3A_110, %get3A_111] {strides = array<i32>} : memref<32x1280xf32, #tpu.memory_space<vmem>>, vector<1x16xf32>,
        %get3A_113 = vector.shape_cast %get3A_112 : vector<1x16xf32> to vector<16xf32>
        %swap3A_114 = arith.index_cast %add3A_93 : i32 to index
        %swap3A_115 = arith.constant 32 : index
        %swap3A_116 = tpu.vector_load %arg8[%swap3A_114, %swap3A_115] {strides = array<i32>} : memref<32x1280xf32, #tpu.memory_space<vmem>>, vector<1x16xf32>,
        %swap3A_117 = vector.shape_cast %swap3A_116 : vector<1x16xf32> to vector<16xf32>
        %swap3A_118 = vector.shape_cast %get3A_113 : vector<16xf32> to vector<1x16xf32>
        tpu.vector_store %arg8[%swap3A_114, %swap3A_115], %swap3A_118 {add = true, strides = array<i32>} : memref<32x1280xf32, #tpu.memory_space<vmem>>, vector<1x16xf32>,
        %get3A_119 = arith.index_cast %add3A_93 : i32 to index
        %get3A_120 = arith.constant 48 : index
        %get3A_121 = tpu.vector_load %arg7[%get3A_119, %get3A_120] {strides = array<i32>} : memref<32x1280xf32, #tpu.memory_space<vmem>>, vector<1x16xf32>,
        %get3A_122 = vector.shape_cast %get3A_121 : vector<1x16xf32> to vector<16xf32>
        %swap3A_123 = arith.index_cast %add3A_93 : i32 to index
        %swap3A_124 = arith.constant 48 : index
        %swap3A_125 = tpu.vector_load %arg8[%swap3A_123, %swap3A_124] {strides = array<i32>} : memref<32x1280xf32, #tpu.memory_space<vmem>>, vector<1x16xf32>,
        %swap3A_126 = vector.shape_cast %swap3A_125 : vector<1x16xf32> to vector<16xf32>
        %swap3A_127 = vector.shape_cast %get3A_122 : vector<16xf32> to vector<1x16xf32>
        tpu.vector_store %arg8[%swap3A_123, %swap3A_124], %swap3A_127 {add = true, strides = array<i32>} : memref<32x1280xf32, #tpu.memory_space<vmem>>, vector<1x16xf32>,
        %get3A_128 = arith.index_cast %add3A_93 : i32 to index
        %get3A_129 = arith.constant 64 : index
        %get3A_130 = tpu.vector_load %arg7[%get3A_128, %get3A_129] {strides = array<i32>} : memref<32x1280xf32, #tpu.memory_space<vmem>>, vector<1x16xf32>,
        %get3A_131 = vector.shape_cast %get3A_130 : vector<1x16xf32> to vector<16xf32>
        %swap3A_132 = arith.index_cast %add3A_93 : i32 to index
        %swap3A_133 = arith.constant 64 : index
        %swap3A_134 = tpu.vector_load %arg8[%swap3A_132, %swap3A_133] {strides = array<i32>} : memref<32x1280xf32, #tpu.memory_space<vmem>>, vector<1x16xf32>,
        %swap3A_135 = vector.shape_cast %swap3A_134 : vector<1x16xf32> to vector<16xf32>
        %swap3A_136 = vector.shape_cast %get3A_131 : vector<16xf32> to vector<1x16xf32>
        tpu.vector_store %arg8[%swap3A_132, %swap3A_133], %swap3A_136 {add = true, strides = array<i32>} : memref<32x1280xf32, #tpu.memory_space<vmem>>, vector<1x16xf32>,
        %get3A_137 = arith.index_cast %add3A_93 : i32 to index
        %get3A_138 = arith.constant 80 : index
        %get3A_139 = tpu.vector_load %arg7[%get3A_137, %get3A_138] {strides = array<i32>} : memref<32x1280xf32, #tpu.memory_space<vmem>>, vector<1x16xf32>,
        %get3A_140 = vector.shape_cast %get3A_139 : vector<1x16xf32> to vector<16xf32>
        %swap3A_141 = arith.index_cast %add3A_93 : i32 to index
        %swap3A_142 = arith.constant 80 : index
        %swap3A_143 = tpu.vector_load %arg8[%swap3A_141, %swap3A_142] {strides = array<i32>} : memref<32x1280xf32, #tpu.memory_space<vmem>>, vector<1x16xf32>,
        %swap3A_144 = vector.shape_cast %swap3A_143 : vector<1x16xf32> to vector<16xf32>
        %swap3A_145 = vector.shape_cast %get3A_140 : vector<16xf32> to vector<1x16xf32>
        tpu.vector_store %arg8[%swap3A_141, %swap3A_142], %swap3A_145 {add = true, strides = array<i32>} : memref<32x1280xf32, #tpu.memory_space<vmem>>, vector<1x16xf32>,
        %get3A_146 = arith.index_cast %add3A_93 : i32 to index
        %get3A_147 = arith.constant 96 : index
        %get3A_148 = tpu.vector_load %arg7[%get3A_146, %get3A_147] {strides = array<i32>} : memref<32x1280xf32, #tpu.memory_space<vmem>>, vector<1x16xf32>,
        %get3A_149 = vector.shape_cast %get3A_148 : vector<1x16xf32> to vector<16xf32>
        %swap3A_150 = arith.index_cast %add3A_93 : i32 to index
        %swap3A_151 = arith.constant 96 : index
        %swap3A_152 = tpu.vector_load %arg8[%swap3A_150, %swap3A_151] {strides = array<i32>} : memref<32x1280xf32, #tpu.memory_space<vmem>>, vector<1x16xf32>,
        %swap3A_153 = vector.shape_cast %swap3A_152 : vector<1x16xf32> to vector<16xf32>
        %swap3A_154 = vector.shape_cast %get3A_149 : vector<16xf32> to vector<1x16xf32>
        tpu.vector_store %arg8[%swap3A_150, %swap3A_151], %swap3A_154 {add = true, strides = array<i32>} : memref<32x1280xf32, #tpu.memory_space<vmem>>, vector<1x16xf32>,
        %get3A_155 = arith.index_cast %add3A_93 : i32 to index
        %get3A_156 = arith.constant 112 : index
        %get3A_157 = tpu.vector_load %arg7[%get3A_155, %get3A_156] {strides = array<i32>} : memref<32x1280xf32, #tpu.memory_space<vmem>>, vector<1x16xf32>,
        %get3A_158 = vector.shape_cast %get3A_157 : vector<1x16xf32> to vector<16xf32>
        %swap3A_159 = arith.index_cast %add3A_93 : i32 to index
        %swap3A_160 = arith.constant 112 : index
        %swap3A_161 = tpu.vector_load %arg8[%swap3A_159, %swap3A_160] {strides = array<i32>} : memref<32x1280xf32, #tpu.memory_space<vmem>>, vector<1x16xf32>,
        %swap3A_162 = vector.shape_cast %swap3A_161 : vector<1x16xf32> to vector<16xf32>
        %swap3A_163 = vector.shape_cast %get3A_158 : vector<16xf32> to vector<1x16xf32>
        tpu.vector_store %arg8[%swap3A_159, %swap3A_160], %swap3A_163 {add = true, strides = array<i32>} : memref<32x1280xf32, #tpu.memory_space<vmem>>, vector<1x16xf32>,
        %get3A_164 = arith.index_cast %add3A_93 : i32 to index
        %get3A_165 = arith.constant 128 : index
        %get3A_166 = tpu.vector_load %arg7[%get3A_164, %get3A_165] {strides = array<i32>} : memref<32x1280xf32, #tpu.memory_space<vmem>>, vector<1x16xf32>,
        %get3A_167 = vector.shape_cast %get3A_166 : vector<1x16xf32> to vector<16xf32>
        %swap3A_168 = arith.index_cast %add3A_93 : i32 to index
        %swap3A_169 = arith.constant 128 : index
        %swap3A_170 = tpu.vector_load %arg8[%swap3A_168, %swap3A_169] {strides = array<i32>} : memref<32x1280xf32, #tpu.memory_space<vmem>>, vector<1x16xf32>,
        %swap3A_171 = vector.shape_cast %swap3A_170 : vector<1x16xf32> to vector<16xf32>
        %swap3A_172 = vector.shape_cast %get3A_167 : vector<16xf32> to vector<1x16xf32>
        tpu.vector_store %arg8[%swap3A_168, %swap3A_169], %swap3A_172 {add = true, strides = array<i32>} : memref<32x1280xf32, #tpu.memory_space<vmem>>, vector<1x16xf32>,
        %get3A_173 = arith.index_cast %add3A_93 : i32 to index
        %get3A_174 = arith.constant 144 : index
        %get3A_175 = tpu.vector_load %arg7[%get3A_173, %get3A_174] {strides = array<i32>} : memref<32x1280xf32, #tpu.memory_space<vmem>>, vector<1x16xf32>,
        %get3A_176 = vector.shape_cast %get3A_175 : vector<1x16xf32> to vector<16xf32>
        %swap3A_177 = arith.index_cast %add3A_93 : i32 to index
        %swap3A_178 = arith.constant 144 : index
        %swap3A_179 = tpu.vector_load %arg8[%swap3A_177, %swap3A_178] {strides = array<i32>} : memref<32x1280xf32, #tpu.memory_space<vmem>>, vector<1x16xf32>,
        %swap3A_180 = vector.shape_cast %swap3A_179 : vector<1x16xf32> to vector<16xf32>
        %swap3A_181 = vector.shape_cast %get3A_176 : vector<16xf32> to vector<1x16xf32>
        tpu.vector_store %arg8[%swap3A_177, %swap3A_178], %swap3A_181 {add = true, strides = array<i32>} : memref<32x1280xf32, #tpu.memory_space<vmem>>, vector<1x16xf32>,
        %get3A_182 = arith.index_cast %add3A_93 : i32 to index
        %get3A_183 = arith.constant 160 : index
        %get3A_184 = tpu.vector_load %arg7[%get3A_182, %get3A_183] {strides = array<i32>} : memref<32x1280xf32, #tpu.memory_space<vmem>>, vector<1x16xf32>,
        %get3A_185 = vector.shape_cast %get3A_184 : vector<1x16xf32> to vector<16xf32>
        %swap3A_186 = arith.index_cast %add3A_93 : i32 to index
        %swap3A_187 = arith.constant 160 : index
        %swap3A_188 = tpu.vector_load %arg8[%swap3A_186, %swap3A_187] {strides = array<i32>} : memref<32x1280xf32, #tpu.memory_space<vmem>>, vector<1x16xf32>,
        %swap3A_189 = vector.shape_cast %swap3A_188 : vector<1x16xf32> to vector<16xf32>
        %swap3A_190 = vector.shape_cast %get3A_185 : vector<16xf32> to vector<1x16xf32>
        tpu.vector_store %arg8[%swap3A_186, %swap3A_187], %swap3A_190 {add = true, strides = array<i32>} : memref<32x1280xf32, #tpu.memory_space<vmem>>, vector<1x16xf32>,
        %get3A_191 = arith.index_cast %add3A_93 : i32 to index
        %get3A_192 = arith.constant 176 : index
        %get3A_193 = tpu.vector_load %arg7[%get3A_191, %get3A_192] {strides = array<i32>} : memref<32x1280xf32, #tpu.memory_space<vmem>>, vector<1x16xf32>,
        %get3A_194 = vector.shape_cast %get3A_193 : vector<1x16xf32> to vector<16xf32>
        %swap3A_195 = arith.index_cast %add3A_93 : i32 to index
        %swap3A_196 = arith.constant 176 : index
        %swap3A_197 = tpu.vector_load %arg8[%swap3A_195, %swap3A_196] {strides = array<i32>} : memref<32x1280xf32, #tpu.memory_space<vmem>>, vector<1x16xf32>,
        %swap3A_198 = vector.shape_cast %swap3A_197 : vector<1x16xf32> to vector<16xf32>
        %swap3A_199 = vector.shape_cast %get3A_194 : vector<16xf32> to vector<1x16xf32>
        tpu.vector_store %arg8[%swap3A_195, %swap3A_196], %swap3A_199 {add = true, strides = array<i32>} : memref<32x1280xf32, #tpu.memory_space<vmem>>, vector<1x16xf32>,
        %get3A_200 = arith.index_cast %add3A_93 : i32 to index
        %get3A_201 = arith.constant 192 : index
        %get3A_202 = tpu.vector_load %arg7[%get3A_200, %get3A_201] {strides = array<i32>} : memref<32x1280xf32, #tpu.memory_space<vmem>>, vector<1x16xf32>,
        %get3A_203 = vector.shape_cast %get3A_202 : vector<1x16xf32> to vector<16xf32>
        %swap3A_204 = arith.index_cast %add3A_93 : i32 to index
        %swap3A_205 = arith.constant 192 : index
        %swap3A_206 = tpu.vector_load %arg8[%swap3A_204, %swap3A_205] {strides = array<i32>} : memref<32x1280xf32, #tpu.memory_space<vmem>>, vector<1x16xf32>,
        %swap3A_207 = vector.shape_cast %swap3A_206 : vector<1x16xf32> to vector<16xf32>
        %swap3A_208 = vector.shape_cast %get3A_203 : vector<16xf32> to vector<1x16xf32>
        tpu.vector_store %arg8[%swap3A_204, %swap3A_205], %swap3A_208 {add = true, strides = array<i32>} : memref<32x1280xf32, #tpu.memory_space<vmem>>, vector<1x16xf32>,
        %get3A_209 = arith.index_cast %add3A_93 : i32 to index
        %get3A_210 = arith.constant 208 : index
        %get3A_211 = tpu.vector_load %arg7[%get3A_209, %get3A_210] {strides = array<i32>} : memref<32x1280xf32, #tpu.memory_space<vmem>>, vector<1x16xf32>,
        %get3A_212 = vector.shape_cast %get3A_211 : vector<1x16xf32> to vector<16xf32>
        %swap3A_213 = arith.index_cast %add3A_93 : i32 to index
        %swap3A_214 = arith.constant 208 : index
        %swap3A_215 = tpu.vector_load %arg8[%swap3A_213, %swap3A_214] {strides = array<i32>} : memref<32x1280xf32, #tpu.memory_space<vmem>>, vector<1x16xf32>,
        %swap3A_216 = vector.shape_cast %swap3A_215 : vector<1x16xf32> to vector<16xf32>
        %swap3A_217 = vector.shape_cast %get3A_212 : vector<16xf32> to vector<1x16xf32>
        tpu.vector_store %arg8[%swap3A_213, %swap3A_214], %swap3A_217 {add = true, strides = array<i32>} : memref<32x1280xf32, #tpu.memory_space<vmem>>, vector<1x16xf32>,
        %get3A_218 = arith.index_cast %add3A_93 : i32 to index
        %get3A_219 = arith.constant 224 : index
        %get3A_220 = tpu.vector_load %arg7[%get3A_218, %get3A_219] {strides = array<i32>} : memref<32x1280xf32, #tpu.memory_space<vmem>>, vector<1x16xf32>,
        %get3A_221 = vector.shape_cast %get3A_220 : vector<1x16xf32> to vector<16xf32>
        %swap3A_222 = arith.index_cast %add3A_93 : i32 to index
        %swap3A_223 = arith.constant 224 : index
        %swap3A_224 = tpu.vector_load %arg8[%swap3A_222, %swap3A_223] {strides = array<i32>} : memref<32x1280xf32, #tpu.memory_space<vmem>>, vector<1x16xf32>,
        %swap3A_225 = vector.shape_cast %swap3A_224 : vector<1x16xf32> to vector<16xf32>
        %swap3A_226 = vector.shape_cast %get3A_221 : vector<16xf32> to vector<1x16xf32>
        tpu.vector_store %arg8[%swap3A_222, %swap3A_223], %swap3A_226 {add = true, strides = array<i32>} : memref<32x1280xf32, #tpu.memory_space<vmem>>, vector<1x16xf32>,
        %get3A_227 = arith.index_cast %add3A_93 : i32 to index
        %get3A_228 = arith.constant 240 : index
        %get3A_229 = tpu.vector_load %arg7[%get3A_227, %get3A_228] {strides = array<i32>} : memref<32x1280xf32, #tpu.memory_space<vmem>>, vector<1x16xf32>,
        %get3A_230 = vector.shape_cast %get3A_229 : vector<1x16xf32> to vector<16xf32>
        %swap3A_231 = arith.index_cast %add3A_93 : i32 to index
        %swap3A_232 = arith.constant 240 : index
        %swap3A_233 = tpu.vector_load %arg8[%swap3A_231, %swap3A_232] {strides = array<i32>} : memref<32x1280xf32, #tpu.memory_space<vmem>>, vector<1x16xf32>,
        %swap3A_234 = vector.shape_cast %swap3A_233 : vector<1x16xf32> to vector<16xf32>
        %swap3A_235 = vector.shape_cast %get3A_230 : vector<16xf32> to vector<1x16xf32>
        tpu.vector_store %arg8[%swap3A_231, %swap3A_232], %swap3A_235 {add = true, strides = array<i32>} : memref<32x1280xf32, #tpu.memory_space<vmem>>, vector<1x16xf32>,
        %get3A_236 = arith.index_cast %add3A_93 : i32 to index
        %get3A_237 = arith.constant 256 : index
        %get3A_238 = tpu.vector_load %arg7[%get3A_236, %get3A_237] {strides = array<i32>} : memref<32x1280xf32, #tpu.memory_space<vmem>>, vector<1x16xf32>,
        %get3A_239 = vector.shape_cast %get3A_238 : vector<1x16xf32> to vector<16xf32>
        %swap3A_240 = arith.index_cast %add3A_93 : i32 to index
        %swap3A_241 = arith.constant 256 : index
        %swap3A_242 = tpu.vector_load %arg8[%swap3A_240, %swap3A_241] {strides = array<i32>} : memref<32x1280xf32, #tpu.memory_space<vmem>>, vector<1x16xf32>,
        %swap3A_243 = vector.shape_cast %swap3A_242 : vector<1x16xf32> to vector<16xf32>
        %swap3A_244 = vector.shape_cast %get3A_239 : vector<16xf32> to vector<1x16xf32>
        tpu.vector_store %arg8[%swap3A_240, %swap3A_241], %swap3A_244 {add = true, strides = array<i32>} : memref<32x1280xf32, #tpu.memory_space<vmem>>, vector<1x16xf32>,
        %get3A_245 = arith.index_cast %add3A_93 : i32 to index
        %get3A_246 = arith.constant 272 : index
        %get3A_247 = tpu.vector_load %arg7[%get3A_245, %get3A_246] {strides = array<i32>} : memref<32x1280xf32, #tpu.memory_space<vmem>>, vector<1x16xf32>,
        %get3A_248 = vector.shape_cast %get3A_247 : vector<1x16xf32> to vector<16xf32>
        %swap3A_249 = arith.index_cast %add3A_93 : i32 to index
        %swap3A_250 = arith.constant 272 : index
        %swap3A_251 = tpu.vector_load %arg8[%swap3A_249, %swap3A_250] {strides = array<i32>} : memref<32x1280xf32, #tpu.memory_space<vmem>>, vector<1x16xf32>,
        %swap3A_252 = vector.shape_cast %swap3A_251 : vector<1x16xf32> to vector<16xf32>
        %swap3A_253 = vector.shape_cast %get3A_248 : vector<16xf32> to vector<1x16xf32>
        tpu.vector_store %arg8[%swap3A_249, %swap3A_250], %swap3A_253 {add = true, strides = array<i32>} : memref<32x1280xf32, #tpu.memory_space<vmem>>, vector<1x16xf32>,
        %get3A_254 = arith.index_cast %add3A_93 : i32 to index
        %get3A_255 = arith.constant 288 : index
        %get3A_256 = tpu.vector_load %arg7[%get3A_254, %get3A_255] {strides = array<i32>} : memref<32x1280xf32, #tpu.memory_space<vmem>>, vector<1x16xf32>,
        %get3A_257 = vector.shape_cast %get3A_256 : vector<1x16xf32> to vector<16xf32>
        %swap3A_258 = arith.index_cast %add3A_93 : i32 to index
        %swap3A_259 = arith.constant 288 : index
        %swap3A_260 = tpu.vector_load %arg8[%swap3A_258, %swap3A_259] {strides = array<i32>} : memref<32x1280xf32, #tpu.memory_space<vmem>>, vector<1x16xf32>,
        %swap3A_261 = vector.shape_cast %swap3A_260 : vector<1x16xf32> to vector<16xf32>
        %swap3A_262 = vector.shape_cast %get3A_257 : vector<16xf32> to vector<1x16xf32>
        tpu.vector_store %arg8[%swap3A_258, %swap3A_259], %swap3A_262 {add = true, strides = array<i32>} : memref<32x1280xf32, #tpu.memory_space<vmem>>, vector<1x16xf32>,
        %get3A_263 = arith.index_cast %add3A_93 : i32 to index
        %get3A_264 = arith.constant 304 : index
        %get3A_265 = tpu.vector_load %arg7[%get3A_263, %get3A_264] {strides = array<i32>} : memref<32x1280xf32, #tpu.memory_space<vmem>>, vector<1x16xf32>,
        %get3A_266 = vector.shape_cast %get3A_265 : vector<1x16xf32> to vector<16xf32>
        %swap3A_267 = arith.index_cast %add3A_93 : i32 to index
        %swap3A_268 = arith.constant 304 : index
        %swap3A_269 = tpu.vector_load %arg8[%swap3A_267, %swap3A_268] {strides = array<i32>} : memref<32x1280xf32, #tpu.memory_space<vmem>>, vector<1x16xf32>,
        %swap3A_270 = vector.shape_cast %swap3A_269 : vector<1x16xf32> to vector<16xf32>
        %swap3A_271 = vector.shape_cast %get3A_266 : vector<16xf32> to vector<1x16xf32>
        tpu.vector_store %arg8[%swap3A_267, %swap3A_268], %swap3A_271 {add = true, strides = array<i32>} : memref<32x1280xf32, #tpu.memory_space<vmem>>, vector<1x16xf32>,
        %get3A_272 = arith.index_cast %add3A_93 : i32 to index
        %get3A_273 = arith.constant 320 : index
        %get3A_274 = tpu.vector_load %arg7[%get3A_272, %get3A_273] {strides = array<i32>} : memref<32x1280xf32, #tpu.memory_space<vmem>>, vector<1x16xf32>,
        %get3A_275 = vector.shape_cast %get3A_274 : vector<1x16xf32> to vector<16xf32>
        %swap3A_276 = arith.index_cast %add3A_93 : i32 to index
        %swap3A_277 = arith.constant 320 : index
        %swap3A_278 = tpu.vector_load %arg8[%swap3A_276, %swap3A_277] {strides = array<i32>} : memref<32x1280xf32, #tpu.memory_space<vmem>>, vector<1x16xf32>,
        %swap3A_279 = vector.shape_cast %swap3A_278 : vector<1x16xf32> to vector<16xf32>
        %swap3A_280 = vector.shape_cast %get3A_275 : vector<16xf32> to vector<1x16xf32>
        tpu.vector_store %arg8[%swap3A_276, %swap3A_277], %swap3A_280 {add = true, strides = array<i32>} : memref<32x1280xf32, #tpu.memory_space<vmem>>, vector<1x16xf32>,
        %get3A_281 = arith.index_cast %add3A_93 : i32 to index
        %get3A_282 = arith.constant 336 : index
        %get3A_283 = tpu.vector_load %arg7[%get3A_281, %get3A_282] {strides = array<i32>} : memref<32x1280xf32, #tpu.memory_space<vmem>>, vector<1x16xf32>,
        %get3A_284 = vector.shape_cast %get3A_283 : vector<1x16xf32> to vector<16xf32>
        %swap3A_285 = arith.index_cast %add3A_93 : i32 to index
        %swap3A_286 = arith.constant 336 : index
        %swap3A_287 = tpu.vector_load %arg8[%swap3A_285, %swap3A_286] {strides = array<i32>} : memref<32x1280xf32, #tpu.memory_space<vmem>>, vector<1x16xf32>,
        %swap3A_288 = vector.shape_cast %swap3A_287 : vector<1x16xf32> to vector<16xf32>
        %swap3A_289 = vector.shape_cast %get3A_284 : vector<16xf32> to vector<1x16xf32>
        tpu.vector_store %arg8[%swap3A_285, %swap3A_286], %swap3A_289 {add = true, strides = array<i32>} : memref<32x1280xf32, #tpu.memory_space<vmem>>, vector<1x16xf32>,
        %get3A_290 = arith.index_cast %add3A_93 : i32 to index
        %get3A_291 = arith.constant 352 : index
        %get3A_292 = tpu.vector_load %arg7[%get3A_290, %get3A_291] {strides = array<i32>} : memref<32x1280xf32, #tpu.memory_space<vmem>>, vector<1x16xf32>,
        %get3A_293 = vector.shape_cast %get3A_292 : vector<1x16xf32> to vector<16xf32>
        %swap3A_294 = arith.index_cast %add3A_93 : i32 to index
        %swap3A_295 = arith.constant 352 : index
        %swap3A_296 = tpu.vector_load %arg8[%swap3A_294, %swap3A_295] {strides = array<i32>} : memref<32x1280xf32, #tpu.memory_space<vmem>>, vector<1x16xf32>,
        %swap3A_297 = vector.shape_cast %swap3A_296 : vector<1x16xf32> to vector<16xf32>
        %swap3A_298 = vector.shape_cast %get3A_293 : vector<16xf32> to vector<1x16xf32>
        tpu.vector_store %arg8[%swap3A_294, %swap3A_295], %swap3A_298 {add = true, strides = array<i32>} : memref<32x1280xf32, #tpu.memory_space<vmem>>, vector<1x16xf32>,
        %get3A_299 = arith.index_cast %add3A_93 : i32 to index
        %get3A_300 = arith.constant 368 : index
        %get3A_301 = tpu.vector_load %arg7[%get3A_299, %get3A_300] {strides = array<i32>} : memref<32x1280xf32, #tpu.memory_space<vmem>>, vector<1x16xf32>,
        %get3A_302 = vector.shape_cast %get3A_301 : vector<1x16xf32> to vector<16xf32>
        %swap3A_303 = arith.index_cast %add3A_93 : i32 to index
        %swap3A_304 = arith.constant 368 : index
        %swap3A_305 = tpu.vector_load %arg8[%swap3A_303, %swap3A_304] {strides = array<i32>} : memref<32x1280xf32, #tpu.memory_space<vmem>>, vector<1x16xf32>,
        %swap3A_306 = vector.shape_cast %swap3A_305 : vector<1x16xf32> to vector<16xf32>
        %swap3A_307 = vector.shape_cast %get3A_302 : vector<16xf32> to vector<1x16xf32>
        tpu.vector_store %arg8[%swap3A_303, %swap3A_304], %swap3A_307 {add = true, strides = array<i32>} : memref<32x1280xf32, #tpu.memory_space<vmem>>, vector<1x16xf32>,
        %get3A_308 = arith.index_cast %add3A_93 : i32 to index
        %get3A_309 = arith.constant 384 : index
        %get3A_310 = tpu.vector_load %arg7[%get3A_308, %get3A_309] {strides = array<i32>} : memref<32x1280xf32, #tpu.memory_space<vmem>>, vector<1x16xf32>,
        %get3A_311 = vector.shape_cast %get3A_310 : vector<1x16xf32> to vector<16xf32>
        %swap3A_312 = arith.index_cast %add3A_93 : i32 to index
        %swap3A_313 = arith.constant 384 : index
        %swap3A_314 = tpu.vector_load %arg8[%swap3A_312, %swap3A_313] {strides = array<i32>} : memref<32x1280xf32, #tpu.memory_space<vmem>>, vector<1x16xf32>,
        %swap3A_315 = vector.shape_cast %swap3A_314 : vector<1x16xf32> to vector<16xf32>
        %swap3A_316 = vector.shape_cast %get3A_311 : vector<16xf32> to vector<1x16xf32>
        tpu.vector_store %arg8[%swap3A_312, %swap3A_313], %swap3A_316 {add = true, strides = array<i32>} : memref<32x1280xf32, #tpu.memory_space<vmem>>, vector<1x16xf32>,
        %get3A_317 = arith.index_cast %add3A_93 : i32 to index
        %get3A_318 = arith.constant 400 : index
        %get3A_319 = tpu.vector_load %arg7[%get3A_317, %get3A_318] {strides = array<i32>} : memref<32x1280xf32, #tpu.memory_space<vmem>>, vector<1x16xf32>,
        %get3A_320 = vector.shape_cast %get3A_319 : vector<1x16xf32> to vector<16xf32>
        %swap3A_321 = arith.index_cast %add3A_93 : i32 to index
        %swap3A_322 = arith.constant 400 : index
        %swap3A_323 = tpu.vector_load %arg8[%swap3A_321, %swap3A_322] {strides = array<i32>} : memref<32x1280xf32, #tpu.memory_space<vmem>>, vector<1x16xf32>,
        %swap3A_324 = vector.shape_cast %swap3A_323 : vector<1x16xf32> to vector<16xf32>
        %swap3A_325 = vector.shape_cast %get3A_320 : vector<16xf32> to vector<1x16xf32>
        tpu.vector_store %arg8[%swap3A_321, %swap3A_322], %swap3A_325 {add = true, strides = array<i32>} : memref<32x1280xf32, #tpu.memory_space<vmem>>, vector<1x16xf32>,
        %get3A_326 = arith.index_cast %add3A_93 : i32 to index
        %get3A_327 = arith.constant 416 : index
        %get3A_328 = tpu.vector_load %arg7[%get3A_326, %get3A_327] {strides = array<i32>} : memref<32x1280xf32, #tpu.memory_space<vmem>>, vector<1x16xf32>,
        %get3A_329 = vector.shape_cast %get3A_328 : vector<1x16xf32> to vector<16xf32>
        %swap3A_330 = arith.index_cast %add3A_93 : i32 to index
        %swap3A_331 = arith.constant 416 : index
        %swap3A_332 = tpu.vector_load %arg8[%swap3A_330, %swap3A_331] {strides = array<i32>} : memref<32x1280xf32, #tpu.memory_space<vmem>>, vector<1x16xf32>,
        %swap3A_333 = vector.shape_cast %swap3A_332 : vector<1x16xf32> to vector<16xf32>
        %swap3A_334 = vector.shape_cast %get3A_329 : vector<16xf32> to vector<1x16xf32>
        tpu.vector_store %arg8[%swap3A_330, %swap3A_331], %swap3A_334 {add = true, strides = array<i32>} : memref<32x1280xf32, #tpu.memory_space<vmem>>, vector<1x16xf32>,
        %get3A_335 = arith.index_cast %add3A_93 : i32 to index
        %get3A_336 = arith.constant 432 : index
        %get3A_337 = tpu.vector_load %arg7[%get3A_335, %get3A_336] {strides = array<i32>} : memref<32x1280xf32, #tpu.memory_space<vmem>>, vector<1x16xf32>,
        %get3A_338 = vector.shape_cast %get3A_337 : vector<1x16xf32> to vector<16xf32>
        %swap3A_339 = arith.index_cast %add3A_93 : i32 to index
        %swap3A_340 = arith.constant 432 : index
        %swap3A_341 = tpu.vector_load %arg8[%swap3A_339, %swap3A_340] {strides = array<i32>} : memref<32x1280xf32, #tpu.memory_space<vmem>>, vector<1x16xf32>,
        %swap3A_342 = vector.shape_cast %swap3A_341 : vector<1x16xf32> to vector<16xf32>
        %swap3A_343 = vector.shape_cast %get3A_338 : vector<16xf32> to vector<1x16xf32>
        tpu.vector_store %arg8[%swap3A_339, %swap3A_340], %swap3A_343 {add = true, strides = array<i32>} : memref<32x1280xf32, #tpu.memory_space<vmem>>, vector<1x16xf32>,
        %get3A_344 = arith.index_cast %add3A_93 : i32 to index
        %get3A_345 = arith.constant 448 : index
        %get3A_346 = tpu.vector_load %arg7[%get3A_344, %get3A_345] {strides = array<i32>} : memref<32x1280xf32, #tpu.memory_space<vmem>>, vector<1x16xf32>,
        %get3A_347 = vector.shape_cast %get3A_346 : vector<1x16xf32> to vector<16xf32>
        %swap3A_348 = arith.index_cast %add3A_93 : i32 to index
        %swap3A_349 = arith.constant 448 : index
        %swap3A_350 = tpu.vector_load %arg8[%swap3A_348, %swap3A_349] {strides = array<i32>} : memref<32x1280xf32, #tpu.memory_space<vmem>>, vector<1x16xf32>,
        %swap3A_351 = vector.shape_cast %swap3A_350 : vector<1x16xf32> to vector<16xf32>
        %swap3A_352 = vector.shape_cast %get3A_347 : vector<16xf32> to vector<1x16xf32>
        tpu.vector_store %arg8[%swap3A_348, %swap3A_349], %swap3A_352 {add = true, strides = array<i32>} : memref<32x1280xf32, #tpu.memory_space<vmem>>, vector<1x16xf32>,
        %get3A_353 = arith.index_cast %add3A_93 : i32 to index
        %get3A_354 = arith.constant 464 : index
        %get3A_355 = tpu.vector_load %arg7[%get3A_353, %get3A_354] {strides = array<i32>} : memref<32x1280xf32, #tpu.memory_space<vmem>>, vector<1x16xf32>,
        %get3A_356 = vector.shape_cast %get3A_355 : vector<1x16xf32> to vector<16xf32>
        %swap3A_357 = arith.index_cast %add3A_93 : i32 to index
        %swap3A_358 = arith.constant 464 : index
        %swap3A_359 = tpu.vector_load %arg8[%swap3A_357, %swap3A_358] {strides = array<i32>} : memref<32x1280xf32, #tpu.memory_space<vmem>>, vector<1x16xf32>,
        %swap3A_360 = vector.shape_cast %swap3A_359 : vector<1x16xf32> to vector<16xf32>
        %swap3A_361 = vector.shape_cast %get3A_356 : vector<16xf32> to vector<1x16xf32>
        tpu.vector_store %arg8[%swap3A_357, %swap3A_358], %swap3A_361 {add = true, strides = array<i32>} : memref<32x1280xf32, #tpu.memory_space<vmem>>, vector<1x16xf32>,
        %get3A_362 = arith.index_cast %add3A_93 : i32 to index
        %get3A_363 = arith.constant 480 : index
        %get3A_364 = tpu.vector_load %arg7[%get3A_362, %get3A_363] {strides = array<i32>} : memref<32x1280xf32, #tpu.memory_space<vmem>>, vector<1x16xf32>,
        %get3A_365 = vector.shape_cast %get3A_364 : vector<1x16xf32> to vector<16xf32>
        %swap3A_366 = arith.index_cast %add3A_93 : i32 to index
        %swap3A_367 = arith.constant 480 : index
        %swap3A_368 = tpu.vector_load %arg8[%swap3A_366, %swap3A_367] {strides = array<i32>} : memref<32x1280xf32, #tpu.memory_space<vmem>>, vector<1x16xf32>,
        %swap3A_369 = vector.shape_cast %swap3A_368 : vector<1x16xf32> to vector<16xf32>
        %swap3A_370 = vector.shape_cast %get3A_365 : vector<16xf32> to vector<1x16xf32>
        tpu.vector_store %arg8[%swap3A_366, %swap3A_367], %swap3A_370 {add = true, strides = array<i32>} : memref<32x1280xf32, #tpu.memory_space<vmem>>, vector<1x16xf32>,
        %get3A_371 = arith.index_cast %add3A_93 : i32 to index
        %get3A_372 = arith.constant 496 : index
        %get3A_373 = tpu.vector_load %arg7[%get3A_371, %get3A_372] {strides = array<i32>} : memref<32x1280xf32, #tpu.memory_space<vmem>>, vector<1x16xf32>,
        %get3A_374 = vector.shape_cast %get3A_373 : vector<1x16xf32> to vector<16xf32>
        %swap3A_375 = arith.index_cast %add3A_93 : i32 to index
        %swap3A_376 = arith.constant 496 : index
        %swap3A_377 = tpu.vector_load %arg8[%swap3A_375, %swap3A_376] {strides = array<i32>} : memref<32x1280xf32, #tpu.memory_space<vmem>>, vector<1x16xf32>,
        %swap3A_378 = vector.shape_cast %swap3A_377 : vector<1x16xf32> to vector<16xf32>
        %swap3A_379 = vector.shape_cast %get3A_374 : vector<16xf32> to vector<1x16xf32>
        tpu.vector_store %arg8[%swap3A_375, %swap3A_376], %swap3A_379 {add = true, strides = array<i32>} : memref<32x1280xf32, #tpu.memory_space<vmem>>, vector<1x16xf32>,
        %get3A_380 = arith.index_cast %add3A_93 : i32 to index
        %get3A_381 = arith.constant 512 : index
        %get3A_382 = tpu.vector_load %arg7[%get3A_380, %get3A_381] {strides = array<i32>} : memref<32x1280xf32, #tpu.memory_space<vmem>>, vector<1x16xf32>,
        %get3A_383 = vector.shape_cast %get3A_382 : vector<1x16xf32> to vector<16xf32>
        %swap3A_384 = arith.index_cast %add3A_93 : i32 to index
        %swap3A_385 = arith.constant 512 : index
        %swap3A_386 = tpu.vector_load %arg8[%swap3A_384, %swap3A_385] {strides = array<i32>} : memref<32x1280xf32, #tpu.memory_space<vmem>>, vector<1x16xf32>,
        %swap3A_387 = vector.shape_cast %swap3A_386 : vector<1x16xf32> to vector<16xf32>
        %swap3A_388 = vector.shape_cast %get3A_383 : vector<16xf32> to vector<1x16xf32>
        tpu.vector_store %arg8[%swap3A_384, %swap3A_385], %swap3A_388 {add = true, strides = array<i32>} : memref<32x1280xf32, #tpu.memory_space<vmem>>, vector<1x16xf32>,
        %get3A_389 = arith.index_cast %add3A_93 : i32 to index
        %get3A_390 = arith.constant 528 : index
        %get3A_391 = tpu.vector_load %arg7[%get3A_389, %get3A_390] {strides = array<i32>} : memref<32x1280xf32, #tpu.memory_space<vmem>>, vector<1x16xf32>,
        %get3A_392 = vector.shape_cast %get3A_391 : vector<1x16xf32> to vector<16xf32>
        %swap3A_393 = arith.index_cast %add3A_93 : i32 to index
        %swap3A_394 = arith.constant 528 : index
        %swap3A_395 = tpu.vector_load %arg8[%swap3A_393, %swap3A_394] {strides = array<i32>} : memref<32x1280xf32, #tpu.memory_space<vmem>>, vector<1x16xf32>,
        %swap3A_396 = vector.shape_cast %swap3A_395 : vector<1x16xf32> to vector<16xf32>
        %swap3A_397 = vector.shape_cast %get3A_392 : vector<16xf32> to vector<1x16xf32>
        tpu.vector_store %arg8[%swap3A_393, %swap3A_394], %swap3A_397 {add = true, strides = array<i32>} : memref<32x1280xf32, #tpu.memory_space<vmem>>, vector<1x16xf32>,
        %get3A_398 = arith.index_cast %add3A_93 : i32 to index
        %get3A_399 = arith.constant 544 : index
        %get3A_400 = tpu.vector_load %arg7[%get3A_398, %get3A_399] {strides = array<i32>} : memref<32x1280xf32, #tpu.memory_space<vmem>>, vector<1x16xf32>,
        %get3A_401 = vector.shape_cast %get3A_400 : vector<1x16xf32> to vector<16xf32>
        %swap3A_402 = arith.index_cast %add3A_93 : i32 to index
        %swap3A_403 = arith.constant 544 : index
        %swap3A_404 = tpu.vector_load %arg8[%swap3A_402, %swap3A_403] {strides = array<i32>} : memref<32x1280xf32, #tpu.memory_space<vmem>>, vector<1x16xf32>,
        %swap3A_405 = vector.shape_cast %swap3A_404 : vector<1x16xf32> to vector<16xf32>
        %swap3A_406 = vector.shape_cast %get3A_401 : vector<16xf32> to vector<1x16xf32>
        tpu.vector_store %arg8[%swap3A_402, %swap3A_403], %swap3A_406 {add = true, strides = array<i32>} : memref<32x1280xf32, #tpu.memory_space<vmem>>, vector<1x16xf32>,
        %get3A_407 = arith.index_cast %add3A_93 : i32 to index
        %get3A_408 = arith.constant 560 : index
        %get3A_409 = tpu.vector_load %arg7[%get3A_407, %get3A_408] {strides = array<i32>} : memref<32x1280xf32, #tpu.memory_space<vmem>>, vector<1x16xf32>,
        %get3A_410 = vector.shape_cast %get3A_409 : vector<1x16xf32> to vector<16xf32>
        %swap3A_411 = arith.index_cast %add3A_93 : i32 to index
        %swap3A_412 = arith.constant 560 : index
        %swap3A_413 = tpu.vector_load %arg8[%swap3A_411, %swap3A_412] {strides = array<i32>} : memref<32x1280xf32, #tpu.memory_space<vmem>>, vector<1x16xf32>,
        %swap3A_414 = vector.shape_cast %swap3A_413 : vector<1x16xf32> to vector<16xf32>
        %swap3A_415 = vector.shape_cast %get3A_410 : vector<16xf32> to vector<1x16xf32>
        tpu.vector_store %arg8[%swap3A_411, %swap3A_412], %swap3A_415 {add = true, strides = array<i32>} : memref<32x1280xf32, #tpu.memory_space<vmem>>, vector<1x16xf32>,
        %get3A_416 = arith.index_cast %add3A_93 : i32 to index
        %get3A_417 = arith.constant 576 : index
        %get3A_418 = tpu.vector_load %arg7[%get3A_416, %get3A_417] {strides = array<i32>} : memref<32x1280xf32, #tpu.memory_space<vmem>>, vector<1x16xf32>,
        %get3A_419 = vector.shape_cast %get3A_418 : vector<1x16xf32> to vector<16xf32>
        %swap3A_420 = arith.index_cast %add3A_93 : i32 to index
        %swap3A_421 = arith.constant 576 : index
        %swap3A_422 = tpu.vector_load %arg8[%swap3A_420, %swap3A_421] {strides = array<i32>} : memref<32x1280xf32, #tpu.memory_space<vmem>>, vector<1x16xf32>,
        %swap3A_423 = vector.shape_cast %swap3A_422 : vector<1x16xf32> to vector<16xf32>
        %swap3A_424 = vector.shape_cast %get3A_419 : vector<16xf32> to vector<1x16xf32>
        tpu.vector_store %arg8[%swap3A_420, %swap3A_421], %swap3A_424 {add = true, strides = array<i32>} : memref<32x1280xf32, #tpu.memory_space<vmem>>, vector<1x16xf32>,
        %get3A_425 = arith.index_cast %add3A_93 : i32 to index
        %get3A_426 = arith.constant 592 : index
        %get3A_427 = tpu.vector_load %arg7[%get3A_425, %get3A_426] {strides = array<i32>} : memref<32x1280xf32, #tpu.memory_space<vmem>>, vector<1x16xf32>,
        %get3A_428 = vector.shape_cast %get3A_427 : vector<1x16xf32> to vector<16xf32>
        %swap3A_429 = arith.index_cast %add3A_93 : i32 to index
        %swap3A_430 = arith.constant 592 : index
        %swap3A_431 = tpu.vector_load %arg8[%swap3A_429, %swap3A_430] {strides = array<i32>} : memref<32x1280xf32, #tpu.memory_space<vmem>>, vector<1x16xf32>,
        %swap3A_432 = vector.shape_cast %swap3A_431 : vector<1x16xf32> to vector<16xf32>
        %swap3A_433 = vector.shape_cast %get3A_428 : vector<16xf32> to vector<1x16xf32>
        tpu.vector_store %arg8[%swap3A_429, %swap3A_430], %swap3A_433 {add = true, strides = array<i32>} : memref<32x1280xf32, #tpu.memory_space<vmem>>, vector<1x16xf32>,
        %get3A_434 = arith.index_cast %add3A_93 : i32 to index
        %get3A_435 = arith.constant 608 : index
        %get3A_436 = tpu.vector_load %arg7[%get3A_434, %get3A_435] {strides = array<i32>} : memref<32x1280xf32, #tpu.memory_space<vmem>>, vector<1x16xf32>,
        %get3A_437 = vector.shape_cast %get3A_436 : vector<1x16xf32> to vector<16xf32>
        %swap3A_438 = arith.index_cast %add3A_93 : i32 to index
        %swap3A_439 = arith.constant 608 : index
        %swap3A_440 = tpu.vector_load %arg8[%swap3A_438, %swap3A_439] {strides = array<i32>} : memref<32x1280xf32, #tpu.memory_space<vmem>>, vector<1x16xf32>,
        %swap3A_441 = vector.shape_cast %swap3A_440 : vector<1x16xf32> to vector<16xf32>
        %swap3A_442 = vector.shape_cast %get3A_437 : vector<16xf32> to vector<1x16xf32>
        tpu.vector_store %arg8[%swap3A_438, %swap3A_439], %swap3A_442 {add = true, strides = array<i32>} : memref<32x1280xf32, #tpu.memory_space<vmem>>, vector<1x16xf32>,
        %get3A_443 = arith.index_cast %add3A_93 : i32 to index
        %get3A_444 = arith.constant 624 : index
        %get3A_445 = tpu.vector_load %arg7[%get3A_443, %get3A_444] {strides = array<i32>} : memref<32x1280xf32, #tpu.memory_space<vmem>>, vector<1x16xf32>,
        %get3A_446 = vector.shape_cast %get3A_445 : vector<1x16xf32> to vector<16xf32>
        %swap3A_447 = arith.index_cast %add3A_93 : i32 to index
        %swap3A_448 = arith.constant 624 : index
        %swap3A_449 = tpu.vector_load %arg8[%swap3A_447, %swap3A_448] {strides = array<i32>} : memref<32x1280xf32, #tpu.memory_space<vmem>>, vector<1x16xf32>,
        %swap3A_450 = vector.shape_cast %swap3A_449 : vector<1x16xf32> to vector<16xf32>
        %swap3A_451 = vector.shape_cast %get3A_446 : vector<16xf32> to vector<1x16xf32>
        tpu.vector_store %arg8[%swap3A_447, %swap3A_448], %swap3A_451 {add = true, strides = array<i32>} : memref<32x1280xf32, #tpu.memory_space<vmem>>, vector<1x16xf32>,
        %get3A_452 = arith.index_cast %add3A_93 : i32 to index
        %get3A_453 = arith.constant 640 : index
        %get3A_454 = tpu.vector_load %arg7[%get3A_452, %get3A_453] {strides = array<i32>} : memref<32x1280xf32, #tpu.memory_space<vmem>>, vector<1x16xf32>,
        %get3A_455 = vector.shape_cast %get3A_454 : vector<1x16xf32> to vector<16xf32>
        %swap3A_456 = arith.index_cast %add3A_93 : i32 to index
        %swap3A_457 = arith.constant 640 : index
        %swap3A_458 = tpu.vector_load %arg8[%swap3A_456, %swap3A_457] {strides = array<i32>} : memref<32x1280xf32, #tpu.memory_space<vmem>>, vector<1x16xf32>,
        %swap3A_459 = vector.shape_cast %swap3A_458 : vector<1x16xf32> to vector<16xf32>
        %swap3A_460 = vector.shape_cast %get3A_455 : vector<16xf32> to vector<1x16xf32>
        tpu.vector_store %arg8[%swap3A_456, %swap3A_457], %swap3A_460 {add = true, strides = array<i32>} : memref<32x1280xf32, #tpu.memory_space<vmem>>, vector<1x16xf32>,
        %get3A_461 = arith.index_cast %add3A_93 : i32 to index
        %get3A_462 = arith.constant 656 : index
        %get3A_463 = tpu.vector_load %arg7[%get3A_461, %get3A_462] {strides = array<i32>} : memref<32x1280xf32, #tpu.memory_space<vmem>>, vector<1x16xf32>,
        %get3A_464 = vector.shape_cast %get3A_463 : vector<1x16xf32> to vector<16xf32>
        %swap3A_465 = arith.index_cast %add3A_93 : i32 to index
        %swap3A_466 = arith.constant 656 : index
        %swap3A_467 = tpu.vector_load %arg8[%swap3A_465, %swap3A_466] {strides = array<i32>} : memref<32x1280xf32, #tpu.memory_space<vmem>>, vector<1x16xf32>,
        %swap3A_468 = vector.shape_cast %swap3A_467 : vector<1x16xf32> to vector<16xf32>
        %swap3A_469 = vector.shape_cast %get3A_464 : vector<16xf32> to vector<1x16xf32>
        tpu.vector_store %arg8[%swap3A_465, %swap3A_466], %swap3A_469 {add = true, strides = array<i32>} : memref<32x1280xf32, #tpu.memory_space<vmem>>, vector<1x16xf32>,
        %get3A_470 = arith.index_cast %add3A_93 : i32 to index
        %get3A_471 = arith.constant 672 : index
        %get3A_472 = tpu.vector_load %arg7[%get3A_470, %get3A_471] {strides = array<i32>} : memref<32x1280xf32, #tpu.memory_space<vmem>>, vector<1x16xf32>,
        %get3A_473 = vector.shape_cast %get3A_472 : vector<1x16xf32> to vector<16xf32>
        %swap3A_474 = arith.index_cast %add3A_93 : i32 to index
        %swap3A_475 = arith.constant 672 : index
        %swap3A_476 = tpu.vector_load %arg8[%swap3A_474, %swap3A_475] {strides = array<i32>} : memref<32x1280xf32, #tpu.memory_space<vmem>>, vector<1x16xf32>,
        %swap3A_477 = vector.shape_cast %swap3A_476 : vector<1x16xf32> to vector<16xf32>
        %swap3A_478 = vector.shape_cast %get3A_473 : vector<16xf32> to vector<1x16xf32>
        tpu.vector_store %arg8[%swap3A_474, %swap3A_475], %swap3A_478 {add = true, strides = array<i32>} : memref<32x1280xf32, #tpu.memory_space<vmem>>, vector<1x16xf32>,
        %get3A_479 = arith.index_cast %add3A_93 : i32 to index
        %get3A_480 = arith.constant 688 : index
        %get3A_481 = tpu.vector_load %arg7[%get3A_479, %get3A_480] {strides = array<i32>} : memref<32x1280xf32, #tpu.memory_space<vmem>>, vector<1x16xf32>,
        %get3A_482 = vector.shape_cast %get3A_481 : vector<1x16xf32> to vector<16xf32>
        %swap3A_483 = arith.index_cast %add3A_93 : i32 to index
        %swap3A_484 = arith.constant 688 : index
        %swap3A_485 = tpu.vector_load %arg8[%swap3A_483, %swap3A_484] {strides = array<i32>} : memref<32x1280xf32, #tpu.memory_space<vmem>>, vector<1x16xf32>,
        %swap3A_486 = vector.shape_cast %swap3A_485 : vector<1x16xf32> to vector<16xf32>
        %swap3A_487 = vector.shape_cast %get3A_482 : vector<16xf32> to vector<1x16xf32>
        tpu.vector_store %arg8[%swap3A_483, %swap3A_484], %swap3A_487 {add = true, strides = array<i32>} : memref<32x1280xf32, #tpu.memory_space<vmem>>, vector<1x16xf32>,
        %get3A_488 = arith.index_cast %add3A_93 : i32 to index
        %get3A_489 = arith.constant 704 : index
        %get3A_490 = tpu.vector_load %arg7[%get3A_488, %get3A_489] {strides = array<i32>} : memref<32x1280xf32, #tpu.memory_space<vmem>>, vector<1x16xf32>,
        %get3A_491 = vector.shape_cast %get3A_490 : vector<1x16xf32> to vector<16xf32>
        %swap3A_492 = arith.index_cast %add3A_93 : i32 to index
        %swap3A_493 = arith.constant 704 : index
        %swap3A_494 = tpu.vector_load %arg8[%swap3A_492, %swap3A_493] {strides = array<i32>} : memref<32x1280xf32, #tpu.memory_space<vmem>>, vector<1x16xf32>,
        %swap3A_495 = vector.shape_cast %swap3A_494 : vector<1x16xf32> to vector<16xf32>
        %swap3A_496 = vector.shape_cast %get3A_491 : vector<16xf32> to vector<1x16xf32>
        tpu.vector_store %arg8[%swap3A_492, %swap3A_493], %swap3A_496 {add = true, strides = array<i32>} : memref<32x1280xf32, #tpu.memory_space<vmem>>, vector<1x16xf32>,
        %get3A_497 = arith.index_cast %add3A_93 : i32 to index
        %get3A_498 = arith.constant 720 : index
        %get3A_499 = tpu.vector_load %arg7[%get3A_497, %get3A_498] {strides = array<i32>} : memref<32x1280xf32, #tpu.memory_space<vmem>>, vector<1x16xf32>,
        %get3A_500 = vector.shape_cast %get3A_499 : vector<1x16xf32> to vector<16xf32>
        %swap3A_501 = arith.index_cast %add3A_93 : i32 to index
        %swap3A_502 = arith.constant 720 : index
        %swap3A_503 = tpu.vector_load %arg8[%swap3A_501, %swap3A_502] {strides = array<i32>} : memref<32x1280xf32, #tpu.memory_space<vmem>>, vector<1x16xf32>,
        %swap3A_504 = vector.shape_cast %swap3A_503 : vector<1x16xf32> to vector<16xf32>
        %swap3A_505 = vector.shape_cast %get3A_500 : vector<16xf32> to vector<1x16xf32>
        tpu.vector_store %arg8[%swap3A_501, %swap3A_502], %swap3A_505 {add = true, strides = array<i32>} : memref<32x1280xf32, #tpu.memory_space<vmem>>, vector<1x16xf32>,
        %get3A_506 = arith.index_cast %add3A_93 : i32 to index
        %get3A_507 = arith.constant 736 : index
        %get3A_508 = tpu.vector_load %arg7[%get3A_506, %get3A_507] {strides = array<i32>} : memref<32x1280xf32, #tpu.memory_space<vmem>>, vector<1x16xf32>,
        %get3A_509 = vector.shape_cast %get3A_508 : vector<1x16xf32> to vector<16xf32>
        %swap3A_510 = arith.index_cast %add3A_93 : i32 to index
        %swap3A_511 = arith.constant 736 : index
        %swap3A_512 = tpu.vector_load %arg8[%swap3A_510, %swap3A_511] {strides = array<i32>} : memref<32x1280xf32, #tpu.memory_space<vmem>>, vector<1x16xf32>,
        %swap3A_513 = vector.shape_cast %swap3A_512 : vector<1x16xf32> to vector<16xf32>
        %swap3A_514 = vector.shape_cast %get3A_509 : vector<16xf32> to vector<1x16xf32>
        tpu.vector_store %arg8[%swap3A_510, %swap3A_511], %swap3A_514 {add = true, strides = array<i32>} : memref<32x1280xf32, #tpu.memory_space<vmem>>, vector<1x16xf32>,
        %get3A_515 = arith.index_cast %add3A_93 : i32 to index
        %get3A_516 = arith.constant 752 : index
        %get3A_517 = tpu.vector_load %arg7[%get3A_515, %get3A_516] {strides = array<i32>} : memref<32x1280xf32, #tpu.memory_space<vmem>>, vector<1x16xf32>,
        %get3A_518 = vector.shape_cast %get3A_517 : vector<1x16xf32> to vector<16xf32>
        %swap3A_519 = arith.index_cast %add3A_93 : i32 to index
        %swap3A_520 = arith.constant 752 : index
        %swap3A_521 = tpu.vector_load %arg8[%swap3A_519, %swap3A_520] {strides = array<i32>} : memref<32x1280xf32, #tpu.memory_space<vmem>>, vector<1x16xf32>,
        %swap3A_522 = vector.shape_cast %swap3A_521 : vector<1x16xf32> to vector<16xf32>
        %swap3A_523 = vector.shape_cast %get3A_518 : vector<16xf32> to vector<1x16xf32>
        tpu.vector_store %arg8[%swap3A_519, %swap3A_520], %swap3A_523 {add = true, strides = array<i32>} : memref<32x1280xf32, #tpu.memory_space<vmem>>, vector<1x16xf32>,
        %get3A_524 = arith.index_cast %add3A_93 : i32 to index
        %get3A_525 = arith.constant 768 : index
        %get3A_526 = tpu.vector_load %arg7[%get3A_524, %get3A_525] {strides = array<i32>} : memref<32x1280xf32, #tpu.memory_space<vmem>>, vector<1x16xf32>,
        %get3A_527 = vector.shape_cast %get3A_526 : vector<1x16xf32> to vector<16xf32>
        %swap3A_528 = arith.index_cast %add3A_93 : i32 to index
        %swap3A_529 = arith.constant 768 : index
        %swap3A_530 = tpu.vector_load %arg8[%swap3A_528, %swap3A_529] {strides = array<i32>} : memref<32x1280xf32, #tpu.memory_space<vmem>>, vector<1x16xf32>,
        %swap3A_531 = vector.shape_cast %swap3A_530 : vector<1x16xf32> to vector<16xf32>
        %swap3A_532 = vector.shape_cast %get3A_527 : vector<16xf32> to vector<1x16xf32>
        tpu.vector_store %arg8[%swap3A_528, %swap3A_529], %swap3A_532 {add = true, strides = array<i32>} : memref<32x1280xf32, #tpu.memory_space<vmem>>, vector<1x16xf32>,
        %get3A_533 = arith.index_cast %add3A_93 : i32 to index
        %get3A_534 = arith.constant 784 : index
        %get3A_535 = tpu.vector_load %arg7[%get3A_533, %get3A_534] {strides = array<i32>} : memref<32x1280xf32, #tpu.memory_space<vmem>>, vector<1x16xf32>,
        %get3A_536 = vector.shape_cast %get3A_535 : vector<1x16xf32> to vector<16xf32>
        %swap3A_537 = arith.index_cast %add3A_93 : i32 to index
        %swap3A_538 = arith.constant 784 : index
        %swap3A_539 = tpu.vector_load %arg8[%swap3A_537, %swap3A_538] {strides = array<i32>} : memref<32x1280xf32, #tpu.memory_space<vmem>>, vector<1x16xf32>,
        %swap3A_540 = vector.shape_cast %swap3A_539 : vector<1x16xf32> to vector<16xf32>
        %swap3A_541 = vector.shape_cast %get3A_536 : vector<16xf32> to vector<1x16xf32>
        tpu.vector_store %arg8[%swap3A_537, %swap3A_538], %swap3A_541 {add = true, strides = array<i32>} : memref<32x1280xf32, #tpu.memory_space<vmem>>, vector<1x16xf32>,
        %get3A_542 = arith.index_cast %add3A_93 : i32 to index
        %get3A_543 = arith.constant 800 : index
        %get3A_544 = tpu.vector_load %arg7[%get3A_542, %get3A_543] {strides = array<i32>} : memref<32x1280xf32, #tpu.memory_space<vmem>>, vector<1x16xf32>,
        %get3A_545 = vector.shape_cast %get3A_544 : vector<1x16xf32> to vector<16xf32>
        %swap3A_546 = arith.index_cast %add3A_93 : i32 to index
        %swap3A_547 = arith.constant 800 : index
        %swap3A_548 = tpu.vector_load %arg8[%swap3A_546, %swap3A_547] {strides = array<i32>} : memref<32x1280xf32, #tpu.memory_space<vmem>>, vector<1x16xf32>,
        %swap3A_549 = vector.shape_cast %swap3A_548 : vector<1x16xf32> to vector<16xf32>
        %swap3A_550 = vector.shape_cast %get3A_545 : vector<16xf32> to vector<1x16xf32>
        tpu.vector_store %arg8[%swap3A_546, %swap3A_547], %swap3A_550 {add = true, strides = array<i32>} : memref<32x1280xf32, #tpu.memory_space<vmem>>, vector<1x16xf32>,
        %get3A_551 = arith.index_cast %add3A_93 : i32 to index
        %get3A_552 = arith.constant 816 : index
        %get3A_553 = tpu.vector_load %arg7[%get3A_551, %get3A_552] {strides = array<i32>} : memref<32x1280xf32, #tpu.memory_space<vmem>>, vector<1x16xf32>,
        %get3A_554 = vector.shape_cast %get3A_553 : vector<1x16xf32> to vector<16xf32>
        %swap3A_555 = arith.index_cast %add3A_93 : i32 to index
        %swap3A_556 = arith.constant 816 : index
        %swap3A_557 = tpu.vector_load %arg8[%swap3A_555, %swap3A_556] {strides = array<i32>} : memref<32x1280xf32, #tpu.memory_space<vmem>>, vector<1x16xf32>,
        %swap3A_558 = vector.shape_cast %swap3A_557 : vector<1x16xf32> to vector<16xf32>
        %swap3A_559 = vector.shape_cast %get3A_554 : vector<16xf32> to vector<1x16xf32>
        tpu.vector_store %arg8[%swap3A_555, %swap3A_556], %swap3A_559 {add = true, strides = array<i32>} : memref<32x1280xf32, #tpu.memory_space<vmem>>, vector<1x16xf32>,
        %get3A_560 = arith.index_cast %add3A_93 : i32 to index
        %get3A_561 = arith.constant 832 : index
        %get3A_562 = tpu.vector_load %arg7[%get3A_560, %get3A_561] {strides = array<i32>} : memref<32x1280xf32, #tpu.memory_space<vmem>>, vector<1x16xf32>,
        %get3A_563 = vector.shape_cast %get3A_562 : vector<1x16xf32> to vector<16xf32>
        %swap3A_564 = arith.index_cast %add3A_93 : i32 to index
        %swap3A_565 = arith.constant 832 : index
        %swap3A_566 = tpu.vector_load %arg8[%swap3A_564, %swap3A_565] {strides = array<i32>} : memref<32x1280xf32, #tpu.memory_space<vmem>>, vector<1x16xf32>,
        %swap3A_567 = vector.shape_cast %swap3A_566 : vector<1x16xf32> to vector<16xf32>
        %swap3A_568 = vector.shape_cast %get3A_563 : vector<16xf32> to vector<1x16xf32>
        tpu.vector_store %arg8[%swap3A_564, %swap3A_565], %swap3A_568 {add = true, strides = array<i32>} : memref<32x1280xf32, #tpu.memory_space<vmem>>, vector<1x16xf32>,
        %get3A_569 = arith.index_cast %add3A_93 : i32 to index
        %get3A_570 = arith.constant 848 : index
        %get3A_571 = tpu.vector_load %arg7[%get3A_569, %get3A_570] {strides = array<i32>} : memref<32x1280xf32, #tpu.memory_space<vmem>>, vector<1x16xf32>,
        %get3A_572 = vector.shape_cast %get3A_571 : vector<1x16xf32> to vector<16xf32>
        %swap3A_573 = arith.index_cast %add3A_93 : i32 to index
        %swap3A_574 = arith.constant 848 : index
        %swap3A_575 = tpu.vector_load %arg8[%swap3A_573, %swap3A_574] {strides = array<i32>} : memref<32x1280xf32, #tpu.memory_space<vmem>>, vector<1x16xf32>,
        %swap3A_576 = vector.shape_cast %swap3A_575 : vector<1x16xf32> to vector<16xf32>
        %swap3A_577 = vector.shape_cast %get3A_572 : vector<16xf32> to vector<1x16xf32>
        tpu.vector_store %arg8[%swap3A_573, %swap3A_574], %swap3A_577 {add = true, strides = array<i32>} : memref<32x1280xf32, #tpu.memory_space<vmem>>, vector<1x16xf32>,
        %get3A_578 = arith.index_cast %add3A_93 : i32 to index
        %get3A_579 = arith.constant 864 : index
        %get3A_580 = tpu.vector_load %arg7[%get3A_578, %get3A_579] {strides = array<i32>} : memref<32x1280xf32, #tpu.memory_space<vmem>>, vector<1x16xf32>,
        %get3A_581 = vector.shape_cast %get3A_580 : vector<1x16xf32> to vector<16xf32>
        %swap3A_582 = arith.index_cast %add3A_93 : i32 to index
        %swap3A_583 = arith.constant 864 : index
        %swap3A_584 = tpu.vector_load %arg8[%swap3A_582, %swap3A_583] {strides = array<i32>} : memref<32x1280xf32, #tpu.memory_space<vmem>>, vector<1x16xf32>,
        %swap3A_585 = vector.shape_cast %swap3A_584 : vector<1x16xf32> to vector<16xf32>
        %swap3A_586 = vector.shape_cast %get3A_581 : vector<16xf32> to vector<1x16xf32>
        tpu.vector_store %arg8[%swap3A_582, %swap3A_583], %swap3A_586 {add = true, strides = array<i32>} : memref<32x1280xf32, #tpu.memory_space<vmem>>, vector<1x16xf32>,
        %get3A_587 = arith.index_cast %add3A_93 : i32 to index
        %get3A_588 = arith.constant 880 : index
        %get3A_589 = tpu.vector_load %arg7[%get3A_587, %get3A_588] {strides = array<i32>} : memref<32x1280xf32, #tpu.memory_space<vmem>>, vector<1x16xf32>,
        %get3A_590 = vector.shape_cast %get3A_589 : vector<1x16xf32> to vector<16xf32>
        %swap3A_591 = arith.index_cast %add3A_93 : i32 to index
        %swap3A_592 = arith.constant 880 : index
        %swap3A_593 = tpu.vector_load %arg8[%swap3A_591, %swap3A_592] {strides = array<i32>} : memref<32x1280xf32, #tpu.memory_space<vmem>>, vector<1x16xf32>,
        %swap3A_594 = vector.shape_cast %swap3A_593 : vector<1x16xf32> to vector<16xf32>
        %swap3A_595 = vector.shape_cast %get3A_590 : vector<16xf32> to vector<1x16xf32>
        tpu.vector_store %arg8[%swap3A_591, %swap3A_592], %swap3A_595 {add = true, strides = array<i32>} : memref<32x1280xf32, #tpu.memory_space<vmem>>, vector<1x16xf32>,
        %get3A_596 = arith.index_cast %add3A_93 : i32 to index
        %get3A_597 = arith.constant 896 : index
        %get3A_598 = tpu.vector_load %arg7[%get3A_596, %get3A_597] {strides = array<i32>} : memref<32x1280xf32, #tpu.memory_space<vmem>>, vector<1x16xf32>,
        %get3A_599 = vector.shape_cast %get3A_598 : vector<1x16xf32> to vector<16xf32>
        %swap3A_600 = arith.index_cast %add3A_93 : i32 to index
        %swap3A_601 = arith.constant 896 : index
        %swap3A_602 = tpu.vector_load %arg8[%swap3A_600, %swap3A_601] {strides = array<i32>} : memref<32x1280xf32, #tpu.memory_space<vmem>>, vector<1x16xf32>,
        %swap3A_603 = vector.shape_cast %swap3A_602 : vector<1x16xf32> to vector<16xf32>
        %swap3A_604 = vector.shape_cast %get3A_599 : vector<16xf32> to vector<1x16xf32>
        tpu.vector_store %arg8[%swap3A_600, %swap3A_601], %swap3A_604 {add = true, strides = array<i32>} : memref<32x1280xf32, #tpu.memory_space<vmem>>, vector<1x16xf32>,
        %get3A_605 = arith.index_cast %add3A_93 : i32 to index
        %get3A_606 = arith.constant 912 : index
        %get3A_607 = tpu.vector_load %arg7[%get3A_605, %get3A_606] {strides = array<i32>} : memref<32x1280xf32, #tpu.memory_space<vmem>>, vector<1x16xf32>,
        %get3A_608 = vector.shape_cast %get3A_607 : vector<1x16xf32> to vector<16xf32>
        %swap3A_609 = arith.index_cast %add3A_93 : i32 to index
        %swap3A_610 = arith.constant 912 : index
        %swap3A_611 = tpu.vector_load %arg8[%swap3A_609, %swap3A_610] {strides = array<i32>} : memref<32x1280xf32, #tpu.memory_space<vmem>>, vector<1x16xf32>,
        %swap3A_612 = vector.shape_cast %swap3A_611 : vector<1x16xf32> to vector<16xf32>
        %swap3A_613 = vector.shape_cast %get3A_608 : vector<16xf32> to vector<1x16xf32>
        tpu.vector_store %arg8[%swap3A_609, %swap3A_610], %swap3A_613 {add = true, strides = array<i32>} : memref<32x1280xf32, #tpu.memory_space<vmem>>, vector<1x16xf32>,
        %get3A_614 = arith.index_cast %add3A_93 : i32 to index
        %get3A_615 = arith.constant 928 : index
        %get3A_616 = tpu.vector_load %arg7[%get3A_614, %get3A_615] {strides = array<i32>} : memref<32x1280xf32, #tpu.memory_space<vmem>>, vector<1x16xf32>,
        %get3A_617 = vector.shape_cast %get3A_616 : vector<1x16xf32> to vector<16xf32>
        %swap3A_618 = arith.index_cast %add3A_93 : i32 to index
        %swap3A_619 = arith.constant 928 : index
        %swap3A_620 = tpu.vector_load %arg8[%swap3A_618, %swap3A_619] {strides = array<i32>} : memref<32x1280xf32, #tpu.memory_space<vmem>>, vector<1x16xf32>,
        %swap3A_621 = vector.shape_cast %swap3A_620 : vector<1x16xf32> to vector<16xf32>
        %swap3A_622 = vector.shape_cast %get3A_617 : vector<16xf32> to vector<1x16xf32>
        tpu.vector_store %arg8[%swap3A_618, %swap3A_619], %swap3A_622 {add = true, strides = array<i32>} : memref<32x1280xf32, #tpu.memory_space<vmem>>, vector<1x16xf32>,
        %get3A_623 = arith.index_cast %add3A_93 : i32 to index
        %get3A_624 = arith.constant 944 : index
        %get3A_625 = tpu.vector_load %arg7[%get3A_623, %get3A_624] {strides = array<i32>} : memref<32x1280xf32, #tpu.memory_space<vmem>>, vector<1x16xf32>,
        %get3A_626 = vector.shape_cast %get3A_625 : vector<1x16xf32> to vector<16xf32>
        %swap3A_627 = arith.index_cast %add3A_93 : i32 to index
        %swap3A_628 = arith.constant 944 : index
        %swap3A_629 = tpu.vector_load %arg8[%swap3A_627, %swap3A_628] {strides = array<i32>} : memref<32x1280xf32, #tpu.memory_space<vmem>>, vector<1x16xf32>,
        %swap3A_630 = vector.shape_cast %swap3A_629 : vector<1x16xf32> to vector<16xf32>
        %swap3A_631 = vector.shape_cast %get3A_626 : vector<16xf32> to vector<1x16xf32>
        tpu.vector_store %arg8[%swap3A_627, %swap3A_628], %swap3A_631 {add = true, strides = array<i32>} : memref<32x1280xf32, #tpu.memory_space<vmem>>, vector<1x16xf32>,
        %get3A_632 = arith.index_cast %add3A_93 : i32 to index
        %get3A_633 = arith.constant 960 : index
        %get3A_634 = tpu.vector_load %arg7[%get3A_632, %get3A_633] {strides = array<i32>} : memref<32x1280xf32, #tpu.memory_space<vmem>>, vector<1x16xf32>,
        %get3A_635 = vector.shape_cast %get3A_634 : vector<1x16xf32> to vector<16xf32>
        %swap3A_636 = arith.index_cast %add3A_93 : i32 to index
        %swap3A_637 = arith.constant 960 : index
        %swap3A_638 = tpu.vector_load %arg8[%swap3A_636, %swap3A_637] {strides = array<i32>} : memref<32x1280xf32, #tpu.memory_space<vmem>>, vector<1x16xf32>,
        %swap3A_639 = vector.shape_cast %swap3A_638 : vector<1x16xf32> to vector<16xf32>
        %swap3A_640 = vector.shape_cast %get3A_635 : vector<16xf32> to vector<1x16xf32>
        tpu.vector_store %arg8[%swap3A_636, %swap3A_637], %swap3A_640 {add = true, strides = array<i32>} : memref<32x1280xf32, #tpu.memory_space<vmem>>, vector<1x16xf32>,
        %get3A_641 = arith.index_cast %add3A_93 : i32 to index
        %get3A_642 = arith.constant 976 : index
        %get3A_643 = tpu.vector_load %arg7[%get3A_641, %get3A_642] {strides = array<i32>} : memref<32x1280xf32, #tpu.memory_space<vmem>>, vector<1x16xf32>,
        %get3A_644 = vector.shape_cast %get3A_643 : vector<1x16xf32> to vector<16xf32>
        %swap3A_645 = arith.index_cast %add3A_93 : i32 to index
        %swap3A_646 = arith.constant 976 : index
        %swap3A_647 = tpu.vector_load %arg8[%swap3A_645, %swap3A_646] {strides = array<i32>} : memref<32x1280xf32, #tpu.memory_space<vmem>>, vector<1x16xf32>,
        %swap3A_648 = vector.shape_cast %swap3A_647 : vector<1x16xf32> to vector<16xf32>
        %swap3A_649 = vector.shape_cast %get3A_644 : vector<16xf32> to vector<1x16xf32>
        tpu.vector_store %arg8[%swap3A_645, %swap3A_646], %swap3A_649 {add = true, strides = array<i32>} : memref<32x1280xf32, #tpu.memory_space<vmem>>, vector<1x16xf32>,
        %get3A_650 = arith.index_cast %add3A_93 : i32 to index
        %get3A_651 = arith.constant 992 : index
        %get3A_652 = tpu.vector_load %arg7[%get3A_650, %get3A_651] {strides = array<i32>} : memref<32x1280xf32, #tpu.memory_space<vmem>>, vector<1x16xf32>,
        %get3A_653 = vector.shape_cast %get3A_652 : vector<1x16xf32> to vector<16xf32>
        %swap3A_654 = arith.index_cast %add3A_93 : i32 to index
        %swap3A_655 = arith.constant 992 : index
        %swap3A_656 = tpu.vector_load %arg8[%swap3A_654, %swap3A_655] {strides = array<i32>} : memref<32x1280xf32, #tpu.memory_space<vmem>>, vector<1x16xf32>,
        %swap3A_657 = vector.shape_cast %swap3A_656 : vector<1x16xf32> to vector<16xf32>
        %swap3A_658 = vector.shape_cast %get3A_653 : vector<16xf32> to vector<1x16xf32>
        tpu.vector_store %arg8[%swap3A_654, %swap3A_655], %swap3A_658 {add = true, strides = array<i32>} : memref<32x1280xf32, #tpu.memory_space<vmem>>, vector<1x16xf32>,
        %get3A_659 = arith.index_cast %add3A_93 : i32 to index
        %get3A_660 = arith.constant 1008 : index
        %get3A_661 = tpu.vector_load %arg7[%get3A_659, %get3A_660] {strides = array<i32>} : memref<32x1280xf32, #tpu.memory_space<vmem>>, vector<1x16xf32>,
        %get3A_662 = vector.shape_cast %get3A_661 : vector<1x16xf32> to vector<16xf32>
        %swap3A_663 = arith.index_cast %add3A_93 : i32 to index
        %swap3A_664 = arith.constant 1008 : index
        %swap3A_665 = tpu.vector_load %arg8[%swap3A_663, %swap3A_664] {strides = array<i32>} : memref<32x1280xf32, #tpu.memory_space<vmem>>, vector<1x16xf32>,
        %swap3A_666 = vector.shape_cast %swap3A_665 : vector<1x16xf32> to vector<16xf32>
        %swap3A_667 = vector.shape_cast %get3A_662 : vector<16xf32> to vector<1x16xf32>
        tpu.vector_store %arg8[%swap3A_663, %swap3A_664], %swap3A_667 {add = true, strides = array<i32>} : memref<32x1280xf32, #tpu.memory_space<vmem>>, vector<1x16xf32>,
        %get3A_668 = arith.index_cast %add3A_93 : i32 to index
        %get3A_669 = arith.constant 1024 : index
        %get3A_670 = tpu.vector_load %arg7[%get3A_668, %get3A_669] {strides = array<i32>} : memref<32x1280xf32, #tpu.memory_space<vmem>>, vector<1x16xf32>,
        %get3A_671 = vector.shape_cast %get3A_670 : vector<1x16xf32> to vector<16xf32>
        %swap3A_672 = arith.index_cast %add3A_93 : i32 to index
        %swap3A_673 = arith.constant 1024 : index
        %swap3A_674 = tpu.vector_load %arg8[%swap3A_672, %swap3A_673] {strides = array<i32>} : memref<32x1280xf32, #tpu.memory_space<vmem>>, vector<1x16xf32>,
        %swap3A_675 = vector.shape_cast %swap3A_674 : vector<1x16xf32> to vector<16xf32>
        %swap3A_676 = vector.shape_cast %get3A_671 : vector<16xf32> to vector<1x16xf32>
        tpu.vector_store %arg8[%swap3A_672, %swap3A_673], %swap3A_676 {add = true, strides = array<i32>} : memref<32x1280xf32, #tpu.memory_space<vmem>>, vector<1x16xf32>,
        %get3A_677 = arith.index_cast %add3A_93 : i32 to index
        %get3A_678 = arith.constant 1040 : index
        %get3A_679 = tpu.vector_load %arg7[%get3A_677, %get3A_678] {strides = array<i32>} : memref<32x1280xf32, #tpu.memory_space<vmem>>, vector<1x16xf32>,
        %get3A_680 = vector.shape_cast %get3A_679 : vector<1x16xf32> to vector<16xf32>
        %swap3A_681 = arith.index_cast %add3A_93 : i32 to index
        %swap3A_682 = arith.constant 1040 : index
        %swap3A_683 = tpu.vector_load %arg8[%swap3A_681, %swap3A_682] {strides = array<i32>} : memref<32x1280xf32, #tpu.memory_space<vmem>>, vector<1x16xf32>,
        %swap3A_684 = vector.shape_cast %swap3A_683 : vector<1x16xf32> to vector<16xf32>
        %swap3A_685 = vector.shape_cast %get3A_680 : vector<16xf32> to vector<1x16xf32>
        tpu.vector_store %arg8[%swap3A_681, %swap3A_682], %swap3A_685 {add = true, strides = array<i32>} : memref<32x1280xf32, #tpu.memory_space<vmem>>, vector<1x16xf32>,
        %get3A_686 = arith.index_cast %add3A_93 : i32 to index
        %get3A_687 = arith.constant 1056 : index
        %get3A_688 = tpu.vector_load %arg7[%get3A_686, %get3A_687] {strides = array<i32>} : memref<32x1280xf32, #tpu.memory_space<vmem>>, vector<1x16xf32>,
        %get3A_689 = vector.shape_cast %get3A_688 : vector<1x16xf32> to vector<16xf32>
        %swap3A_690 = arith.index_cast %add3A_93 : i32 to index
        %swap3A_691 = arith.constant 1056 : index
        %swap3A_692 = tpu.vector_load %arg8[%swap3A_690, %swap3A_691] {strides = array<i32>} : memref<32x1280xf32, #tpu.memory_space<vmem>>, vector<1x16xf32>,
        %swap3A_693 = vector.shape_cast %swap3A_692 : vector<1x16xf32> to vector<16xf32>
        %swap3A_694 = vector.shape_cast %get3A_689 : vector<16xf32> to vector<1x16xf32>
        tpu.vector_store %arg8[%swap3A_690, %swap3A_691], %swap3A_694 {add = true, strides = array<i32>} : memref<32x1280xf32, #tpu.memory_space<vmem>>, vector<1x16xf32>,
        %get3A_695 = arith.index_cast %add3A_93 : i32 to index
        %get3A_696 = arith.constant 1072 : index
        %get3A_697 = tpu.vector_load %arg7[%get3A_695, %get3A_696] {strides = array<i32>} : memref<32x1280xf32, #tpu.memory_space<vmem>>, vector<1x16xf32>,
        %get3A_698 = vector.shape_cast %get3A_697 : vector<1x16xf32> to vector<16xf32>
        %swap3A_699 = arith.index_cast %add3A_93 : i32 to index
        %swap3A_700 = arith.constant 1072 : index
        %swap3A_701 = tpu.vector_load %arg8[%swap3A_699, %swap3A_700] {strides = array<i32>} : memref<32x1280xf32, #tpu.memory_space<vmem>>, vector<1x16xf32>,
        %swap3A_702 = vector.shape_cast %swap3A_701 : vector<1x16xf32> to vector<16xf32>
        %swap3A_703 = vector.shape_cast %get3A_698 : vector<16xf32> to vector<1x16xf32>
        tpu.vector_store %arg8[%swap3A_699, %swap3A_700], %swap3A_703 {add = true, strides = array<i32>} : memref<32x1280xf32, #tpu.memory_space<vmem>>, vector<1x16xf32>,
        %get3A_704 = arith.index_cast %add3A_93 : i32 to index
        %get3A_705 = arith.constant 1088 : index
        %get3A_706 = tpu.vector_load %arg7[%get3A_704, %get3A_705] {strides = array<i32>} : memref<32x1280xf32, #tpu.memory_space<vmem>>, vector<1x16xf32>,
        %get3A_707 = vector.shape_cast %get3A_706 : vector<1x16xf32> to vector<16xf32>
        %swap3A_708 = arith.index_cast %add3A_93 : i32 to index
        %swap3A_709 = arith.constant 1088 : index
        %swap3A_710 = tpu.vector_load %arg8[%swap3A_708, %swap3A_709] {strides = array<i32>} : memref<32x1280xf32, #tpu.memory_space<vmem>>, vector<1x16xf32>,
        %swap3A_711 = vector.shape_cast %swap3A_710 : vector<1x16xf32> to vector<16xf32>
        %swap3A_712 = vector.shape_cast %get3A_707 : vector<16xf32> to vector<1x16xf32>
        tpu.vector_store %arg8[%swap3A_708, %swap3A_709], %swap3A_712 {add = true, strides = array<i32>} : memref<32x1280xf32, #tpu.memory_space<vmem>>, vector<1x16xf32>,
        %get3A_713 = arith.index_cast %add3A_93 : i32 to index
        %get3A_714 = arith.constant 1104 : index
        %get3A_715 = tpu.vector_load %arg7[%get3A_713, %get3A_714] {strides = array<i32>} : memref<32x1280xf32, #tpu.memory_space<vmem>>, vector<1x16xf32>,
        %get3A_716 = vector.shape_cast %get3A_715 : vector<1x16xf32> to vector<16xf32>
        %swap3A_717 = arith.index_cast %add3A_93 : i32 to index
        %swap3A_718 = arith.constant 1104 : index
        %swap3A_719 = tpu.vector_load %arg8[%swap3A_717, %swap3A_718] {strides = array<i32>} : memref<32x1280xf32, #tpu.memory_space<vmem>>, vector<1x16xf32>,
        %swap3A_720 = vector.shape_cast %swap3A_719 : vector<1x16xf32> to vector<16xf32>
        %swap3A_721 = vector.shape_cast %get3A_716 : vector<16xf32> to vector<1x16xf32>
        tpu.vector_store %arg8[%swap3A_717, %swap3A_718], %swap3A_721 {add = true, strides = array<i32>} : memref<32x1280xf32, #tpu.memory_space<vmem>>, vector<1x16xf32>,
        %get3A_722 = arith.index_cast %add3A_93 : i32 to index
        %get3A_723 = arith.constant 1120 : index
        %get3A_724 = tpu.vector_load %arg7[%get3A_722, %get3A_723] {strides = array<i32>} : memref<32x1280xf32, #tpu.memory_space<vmem>>, vector<1x16xf32>,
        %get3A_725 = vector.shape_cast %get3A_724 : vector<1x16xf32> to vector<16xf32>
        %swap3A_726 = arith.index_cast %add3A_93 : i32 to index
        %swap3A_727 = arith.constant 1120 : index
        %swap3A_728 = tpu.vector_load %arg8[%swap3A_726, %swap3A_727] {strides = array<i32>} : memref<32x1280xf32, #tpu.memory_space<vmem>>, vector<1x16xf32>,
        %swap3A_729 = vector.shape_cast %swap3A_728 : vector<1x16xf32> to vector<16xf32>
        %swap3A_730 = vector.shape_cast %get3A_725 : vector<16xf32> to vector<1x16xf32>
        tpu.vector_store %arg8[%swap3A_726, %swap3A_727], %swap3A_730 {add = true, strides = array<i32>} : memref<32x1280xf32, #tpu.memory_space<vmem>>, vector<1x16xf32>,
        %get3A_731 = arith.index_cast %add3A_93 : i32 to index
        %get3A_732 = arith.constant 1136 : index
        %get3A_733 = tpu.vector_load %arg7[%get3A_731, %get3A_732] {strides = array<i32>} : memref<32x1280xf32, #tpu.memory_space<vmem>>, vector<1x16xf32>,
        %get3A_734 = vector.shape_cast %get3A_733 : vector<1x16xf32> to vector<16xf32>
        %swap3A_735 = arith.index_cast %add3A_93 : i32 to index
        %swap3A_736 = arith.constant 1136 : index
        %swap3A_737 = tpu.vector_load %arg8[%swap3A_735, %swap3A_736] {strides = array<i32>} : memref<32x1280xf32, #tpu.memory_space<vmem>>, vector<1x16xf32>,
        %swap3A_738 = vector.shape_cast %swap3A_737 : vector<1x16xf32> to vector<16xf32>
        %swap3A_739 = vector.shape_cast %get3A_734 : vector<16xf32> to vector<1x16xf32>
        tpu.vector_store %arg8[%swap3A_735, %swap3A_736], %swap3A_739 {add = true, strides = array<i32>} : memref<32x1280xf32, #tpu.memory_space<vmem>>, vector<1x16xf32>,
        %get3A_740 = arith.index_cast %add3A_93 : i32 to index
        %get3A_741 = arith.constant 1152 : index
        %get3A_742 = tpu.vector_load %arg7[%get3A_740, %get3A_741] {strides = array<i32>} : memref<32x1280xf32, #tpu.memory_space<vmem>>, vector<1x16xf32>,
        %get3A_743 = vector.shape_cast %get3A_742 : vector<1x16xf32> to vector<16xf32>
        %swap3A_744 = arith.index_cast %add3A_93 : i32 to index
        %swap3A_745 = arith.constant 1152 : index
        %swap3A_746 = tpu.vector_load %arg8[%swap3A_744, %swap3A_745] {strides = array<i32>} : memref<32x1280xf32, #tpu.memory_space<vmem>>, vector<1x16xf32>,
        %swap3A_747 = vector.shape_cast %swap3A_746 : vector<1x16xf32> to vector<16xf32>
        %swap3A_748 = vector.shape_cast %get3A_743 : vector<16xf32> to vector<1x16xf32>
        tpu.vector_store %arg8[%swap3A_744, %swap3A_745], %swap3A_748 {add = true, strides = array<i32>} : memref<32x1280xf32, #tpu.memory_space<vmem>>, vector<1x16xf32>,
        %get3A_749 = arith.index_cast %add3A_93 : i32 to index
        %get3A_750 = arith.constant 1168 : index
        %get3A_751 = tpu.vector_load %arg7[%get3A_749, %get3A_750] {strides = array<i32>} : memref<32x1280xf32, #tpu.memory_space<vmem>>, vector<1x16xf32>,
        %get3A_752 = vector.shape_cast %get3A_751 : vector<1x16xf32> to vector<16xf32>
        %swap3A_753 = arith.index_cast %add3A_93 : i32 to index
        %swap3A_754 = arith.constant 1168 : index
        %swap3A_755 = tpu.vector_load %arg8[%swap3A_753, %swap3A_754] {strides = array<i32>} : memref<32x1280xf32, #tpu.memory_space<vmem>>, vector<1x16xf32>,
        %swap3A_756 = vector.shape_cast %swap3A_755 : vector<1x16xf32> to vector<16xf32>
        %swap3A_757 = vector.shape_cast %get3A_752 : vector<16xf32> to vector<1x16xf32>
        tpu.vector_store %arg8[%swap3A_753, %swap3A_754], %swap3A_757 {add = true, strides = array<i32>} : memref<32x1280xf32, #tpu.memory_space<vmem>>, vector<1x16xf32>,
        %get3A_758 = arith.index_cast %add3A_93 : i32 to index
        %get3A_759 = arith.constant 1184 : index
        %get3A_760 = tpu.vector_load %arg7[%get3A_758, %get3A_759] {strides = array<i32>} : memref<32x1280xf32, #tpu.memory_space<vmem>>, vector<1x16xf32>,
        %get3A_761 = vector.shape_cast %get3A_760 : vector<1x16xf32> to vector<16xf32>
        %swap3A_762 = arith.index_cast %add3A_93 : i32 to index
        %swap3A_763 = arith.constant 1184 : index
        %swap3A_764 = tpu.vector_load %arg8[%swap3A_762, %swap3A_763] {strides = array<i32>} : memref<32x1280xf32, #tpu.memory_space<vmem>>, vector<1x16xf32>,
        %swap3A_765 = vector.shape_cast %swap3A_764 : vector<1x16xf32> to vector<16xf32>
        %swap3A_766 = vector.shape_cast %get3A_761 : vector<16xf32> to vector<1x16xf32>
        tpu.vector_store %arg8[%swap3A_762, %swap3A_763], %swap3A_766 {add = true, strides = array<i32>} : memref<32x1280xf32, #tpu.memory_space<vmem>>, vector<1x16xf32>,
        %get3A_767 = arith.index_cast %add3A_93 : i32 to index
        %get3A_768 = arith.constant 1200 : index
        %get3A_769 = tpu.vector_load %arg7[%get3A_767, %get3A_768] {strides = array<i32>} : memref<32x1280xf32, #tpu.memory_space<vmem>>, vector<1x16xf32>,
        %get3A_770 = vector.shape_cast %get3A_769 : vector<1x16xf32> to vector<16xf32>
        %swap3A_771 = arith.index_cast %add3A_93 : i32 to index
        %swap3A_772 = arith.constant 1200 : index
        %swap3A_773 = tpu.vector_load %arg8[%swap3A_771, %swap3A_772] {strides = array<i32>} : memref<32x1280xf32, #tpu.memory_space<vmem>>, vector<1x16xf32>,
        %swap3A_774 = vector.shape_cast %swap3A_773 : vector<1x16xf32> to vector<16xf32>
        %swap3A_775 = vector.shape_cast %get3A_770 : vector<16xf32> to vector<1x16xf32>
        tpu.vector_store %arg8[%swap3A_771, %swap3A_772], %swap3A_775 {add = true, strides = array<i32>} : memref<32x1280xf32, #tpu.memory_space<vmem>>, vector<1x16xf32>,
        %get3A_776 = arith.index_cast %add3A_93 : i32 to index
        %get3A_777 = arith.constant 1216 : index
        %get3A_778 = tpu.vector_load %arg7[%get3A_776, %get3A_777] {strides = array<i32>} : memref<32x1280xf32, #tpu.memory_space<vmem>>, vector<1x16xf32>,
        %get3A_779 = vector.shape_cast %get3A_778 : vector<1x16xf32> to vector<16xf32>
        %swap3A_780 = arith.index_cast %add3A_93 : i32 to index
        %swap3A_781 = arith.constant 1216 : index
        %swap3A_782 = tpu.vector_load %arg8[%swap3A_780, %swap3A_781] {strides = array<i32>} : memref<32x1280xf32, #tpu.memory_space<vmem>>, vector<1x16xf32>,
        %swap3A_783 = vector.shape_cast %swap3A_782 : vector<1x16xf32> to vector<16xf32>
        %swap3A_784 = vector.shape_cast %get3A_779 : vector<16xf32> to vector<1x16xf32>
        tpu.vector_store %arg8[%swap3A_780, %swap3A_781], %swap3A_784 {add = true, strides = array<i32>} : memref<32x1280xf32, #tpu.memory_space<vmem>>, vector<1x16xf32>,
        %get3A_785 = arith.index_cast %add3A_93 : i32 to index
        %get3A_786 = arith.constant 1232 : index
        %get3A_787 = tpu.vector_load %arg7[%get3A_785, %get3A_786] {strides = array<i32>} : memref<32x1280xf32, #tpu.memory_space<vmem>>, vector<1x16xf32>,
        %get3A_788 = vector.shape_cast %get3A_787 : vector<1x16xf32> to vector<16xf32>
        %swap3A_789 = arith.index_cast %add3A_93 : i32 to index
        %swap3A_790 = arith.constant 1232 : index
        %swap3A_791 = tpu.vector_load %arg8[%swap3A_789, %swap3A_790] {strides = array<i32>} : memref<32x1280xf32, #tpu.memory_space<vmem>>, vector<1x16xf32>,
        %swap3A_792 = vector.shape_cast %swap3A_791 : vector<1x16xf32> to vector<16xf32>
        %swap3A_793 = vector.shape_cast %get3A_788 : vector<16xf32> to vector<1x16xf32>
        tpu.vector_store %arg8[%swap3A_789, %swap3A_790], %swap3A_793 {add = true, strides = array<i32>} : memref<32x1280xf32, #tpu.memory_space<vmem>>, vector<1x16xf32>,
        %get3A_794 = arith.index_cast %add3A_93 : i32 to index
        %get3A_795 = arith.constant 1248 : index
        %get3A_796 = tpu.vector_load %arg7[%get3A_794, %get3A_795] {strides = array<i32>} : memref<32x1280xf32, #tpu.memory_space<vmem>>, vector<1x16xf32>,
        %get3A_797 = vector.shape_cast %get3A_796 : vector<1x16xf32> to vector<16xf32>
        %swap3A_798 = arith.index_cast %add3A_93 : i32 to index
        %swap3A_799 = arith.constant 1248 : index
        %swap3A_800 = tpu.vector_load %arg8[%swap3A_798, %swap3A_799] {strides = array<i32>} : memref<32x1280xf32, #tpu.memory_space<vmem>>, vector<1x16xf32>,
        %swap3A_801 = vector.shape_cast %swap3A_800 : vector<1x16xf32> to vector<16xf32>
        %swap3A_802 = vector.shape_cast %get3A_797 : vector<16xf32> to vector<1x16xf32>
        tpu.vector_store %arg8[%swap3A_798, %swap3A_799], %swap3A_802 {add = true, strides = array<i32>} : memref<32x1280xf32, #tpu.memory_space<vmem>>, vector<1x16xf32>,
        %get3A_803 = arith.index_cast %add3A_93 : i32 to index
        %get3A_804 = arith.constant 1264 : index
        %get3A_805 = tpu.vector_load %arg7[%get3A_803, %get3A_804] {strides = array<i32>} : memref<32x1280xf32, #tpu.memory_space<vmem>>, vector<1x16xf32>,
        %get3A_806 = vector.shape_cast %get3A_805 : vector<1x16xf32> to vector<16xf32>
        %swap3A_807 = arith.index_cast %add3A_93 : i32 to index
        %swap3A_808 = arith.constant 1264 : index
        %swap3A_809 = tpu.vector_load %arg8[%swap3A_807, %swap3A_808] {strides = array<i32>} : memref<32x1280xf32, #tpu.memory_space<vmem>>, vector<1x16xf32>,
        %swap3A_810 = vector.shape_cast %swap3A_809 : vector<1x16xf32> to vector<16xf32>
        %swap3A_811 = vector.shape_cast %get3A_806 : vector<16xf32> to vector<1x16xf32>
        tpu.vector_store %arg8[%swap3A_807, %swap3A_808], %swap3A_811 {add = true, strides = array<i32>} : memref<32x1280xf32, #tpu.memory_space<vmem>>, vector<1x16xf32>,
      }
      %scan3A_55 = arith.constant 32 : i32
      %mul3A_56 = arith.constant 1024 : i32
      %mul3A_57 = arith.muli %add3A_34, %mul3A_56 : i32
      %add3A_58 = arith.addi %mul3A_57, %mul3A_2 : i32
      %dma_start3A_59 = arith.constant 0 : i32
      %dma_start3A_60 = tpu.memref_slice %arg5[%add3A_58, %dma_start3A_59] : memref<32768x1280xf32, #tpu.memory_space<hbm>> -> memref<32x1280xf32, #tpu.memory_space<hbm>>
      %dma_start3A_61 = arith.constant 0 : i32
      %dma_start3A_62 = tpu.memref_slice %arg5[%add3A_58, %dma_start3A_61] : memref<32768x1280xf32, #tpu.memory_space<hbm>> -> memref<32x1280xf32, #tpu.memory_space<hbm>>
      tpu.enqueue_dma source(%arg8 : memref<32x1280xf32, #tpu.memory_space<vmem>>) target(%dma_start3A_62 : memref<32x1280xf32, #tpu.memory_space<hbm>>) target_semaphore(%arg12 : memref<!tpu.dma_semaphore, #tpu.memory_space<semaphore_mem>>)
      %mul3A_63 = arith.constant 2 : i32
      %mul3A_64 = arith.muli %mul3A_63, %add3A_30 : i32
      %add3A_65 = arith.constant 1 : i32
      %add3A_66 = arith.addi %mul3A_64, %add3A_65 : i32
      %mul3A_67 = arith.constant 32 : i32
      %mul3A_68 = arith.muli %add3A_66, %mul3A_67 : i32
      %dma_wait3A_69 = tpu.memref_slice %arg6[%mul3A_68] : memref<1024xi32, #tpu.memory_space<vmem>> -> memref<32xi32, #tpu.memory_space<vmem>>
      %dma_wait3A_70 = arith.constant 0 : i32
      %dma_wait3A_71 = arith.constant 0 : i32
      %dma_wait3A_72 = tpu.memref_slice %arg3[%dma_wait3A_70, %dma_wait3A_71] : memref<50257x1280xf32, #tpu.memory_space<hbm>> -> memref<50257x1280xf32, #tpu.memory_space<hbm>>
      tpu.wait_indirect_dma semaphore(%arg11 : memref<!tpu.dma_semaphore, #tpu.memory_space<semaphore_mem>>) src(%dma_wait3A_72 : memref<50257x1280xf32, #tpu.memory_space<hbm>>) dst(%arg9 : memref<32x1280xf32, #tpu.memory_space<vmem>>)
      %lt3A = arith.constant 15 : i32
      %lt3A_73 = arith.cmpi slt, %add3A_30, %lt3A : i32
      %convert_element_type3A_74 = arith.extui %lt3A_73 : i1 to i32
      %cond3A_75 = arith.constant 0 : i32
      %cond3A_76 = arith.cmpi ne, %convert_element_type3A_74, %cond3A_75 : i32
      scf.if %cond3A_76 {
        %sub3A = arith.constant 1 : i32
        %sub3A_89 = arith.subi %add3A_66, %sub3A : i32
        %mul3A_90 = arith.constant 1024 : i32
        %mul3A_91 = arith.muli %sub3A_89, %mul3A_90 : i32
        %add3A_92 = arith.addi %mul3A_91, %mul3A_2 : i32
        %dma_wait3A_93 = arith.constant 0 : i32
        %dma_wait3A_94 = tpu.memref_slice %arg5[%add3A_92, %dma_wait3A_93] : memref<32768x1280xf32, #tpu.memory_space<hbm>> -> memref<32x1280xf32, #tpu.memory_space<hbm>>
        %dma_wait3A_95 = arith.constant 0 : i32
        %dma_wait3A_96 = tpu.memref_slice %arg5[%add3A_92, %dma_wait3A_95] : memref<32768x1280xf32, #tpu.memory_space<hbm>> -> memref<32x1280xf32, #tpu.memory_space<hbm>>
        tpu.wait_dma2 semaphore(%arg12 : memref<!tpu.dma_semaphore, #tpu.memory_space<semaphore_mem>>) src(%arg8 : memref<32x1280xf32, #tpu.memory_space<vmem>>) dst(%dma_wait3A_96 : memref<32x1280xf32, #tpu.memory_space<hbm>>)
        %add3A_97 = arith.constant 1 : i32
        %add3A_98 = arith.addi %add3A_66, %add3A_97 : i32
        %mul3A_99 = arith.constant 32 : i32
        %mul3A_100 = arith.muli %add3A_98, %mul3A_99 : i32
        %dma_start3A_101 = tpu.memref_slice %arg6[%mul3A_100] : memref<1024xi32, #tpu.memory_space<vmem>> -> memref<32xi32, #tpu.memory_space<vmem>>
        %dma_start3A_102 = arith.constant 0 : i32
        %dma_start3A_103 = arith.constant 0 : i32
        %dma_start3A_104 = tpu.memref_slice %arg3[%dma_start3A_102, %dma_start3A_103] : memref<50257x1280xf32, #tpu.memory_space<hbm>> -> memref<50257x1280xf32, #tpu.memory_space<hbm>>
        tpu.enqueue_indirect_dma source(%dma_start3A_104 : memref<50257x1280xf32, #tpu.memory_space<hbm>>) target(%arg8 : memref<32x1280xf32, #tpu.memory_space<vmem>>) offsets(%dma_start3A_101 : memref<32xi32, #tpu.memory_space<vmem>>) semaphore(%arg10 : memref<!tpu.dma_semaphore, #tpu.memory_space<semaphore_mem>>)
      } else {
      }
      %scan3A_77 = arith.constant 0 : i32
      %scan3A_78 = arith.constant 32 : i32
      %scan3A_79 = arith.addi %scan3A_77, %scan3A_78 : i32
      %scan3A_80 = arith.constant 1 : i32
      scf.for %scan3A_89 = %scan3A_77 to %scan3A_79 step %scan3A_80  : i32 {
        %mul3A_90 = arith.constant 1 : i32
        %mul3A_91 = arith.muli %scan3A_89, %mul3A_90 : i32
        %add3A_92 = arith.constant 0 : i32
        %add3A_93 = arith.addi %add3A_92, %mul3A_91 : i32
        %get3A = arith.index_cast %add3A_93 : i32 to index
        %get3A_94 = arith.constant 0 : index
        %get3A_95 = tpu.vector_load %arg7[%get3A, %get3A_94] {strides = array<i32>} : memref<32x1280xf32, #tpu.memory_space<vmem>>, vector<1x16xf32>,
        %get3A_96 = vector.shape_cast %get3A_95 : vector<1x16xf32> to vector<16xf32>
        %swap3A = arith.index_cast %add3A_93 : i32 to index
        %swap3A_97 = arith.constant 0 : index
        %swap3A_98 = tpu.vector_load %arg9[%swap3A, %swap3A_97] {strides = array<i32>} : memref<32x1280xf32, #tpu.memory_space<vmem>>, vector<1x16xf32>,
        %swap3A_99 = vector.shape_cast %swap3A_98 : vector<1x16xf32> to vector<16xf32>
        %swap3A_100 = vector.shape_cast %get3A_96 : vector<16xf32> to vector<1x16xf32>
        tpu.vector_store %arg9[%swap3A, %swap3A_97], %swap3A_100 {add = true, strides = array<i32>} : memref<32x1280xf32, #tpu.memory_space<vmem>>, vector<1x16xf32>,
        %get3A_101 = arith.index_cast %add3A_93 : i32 to index
        %get3A_102 = arith.constant 16 : index
        %get3A_103 = tpu.vector_load %arg7[%get3A_101, %get3A_102] {strides = array<i32>} : memref<32x1280xf32, #tpu.memory_space<vmem>>, vector<1x16xf32>,
        %get3A_104 = vector.shape_cast %get3A_103 : vector<1x16xf32> to vector<16xf32>
        %swap3A_105 = arith.index_cast %add3A_93 : i32 to index
        %swap3A_106 = arith.constant 16 : index
        %swap3A_107 = tpu.vector_load %arg9[%swap3A_105, %swap3A_106] {strides = array<i32>} : memref<32x1280xf32, #tpu.memory_space<vmem>>, vector<1x16xf32>,
        %swap3A_108 = vector.shape_cast %swap3A_107 : vector<1x16xf32> to vector<16xf32>
        %swap3A_109 = vector.shape_cast %get3A_104 : vector<16xf32> to vector<1x16xf32>
        tpu.vector_store %arg9[%swap3A_105, %swap3A_106], %swap3A_109 {add = true, strides = array<i32>} : memref<32x1280xf32, #tpu.memory_space<vmem>>, vector<1x16xf32>,
        %get3A_110 = arith.index_cast %add3A_93 : i32 to index
        %get3A_111 = arith.constant 32 : index
        %get3A_112 = tpu.vector_load %arg7[%get3A_110, %get3A_111] {strides = array<i32>} : memref<32x1280xf32, #tpu.memory_space<vmem>>, vector<1x16xf32>,
        %get3A_113 = vector.shape_cast %get3A_112 : vector<1x16xf32> to vector<16xf32>
        %swap3A_114 = arith.index_cast %add3A_93 : i32 to index
        %swap3A_115 = arith.constant 32 : index
        %swap3A_116 = tpu.vector_load %arg9[%swap3A_114, %swap3A_115] {strides = array<i32>} : memref<32x1280xf32, #tpu.memory_space<vmem>>, vector<1x16xf32>,
        %swap3A_117 = vector.shape_cast %swap3A_116 : vector<1x16xf32> to vector<16xf32>
        %swap3A_118 = vector.shape_cast %get3A_113 : vector<16xf32> to vector<1x16xf32>
        tpu.vector_store %arg9[%swap3A_114, %swap3A_115], %swap3A_118 {add = true, strides = array<i32>} : memref<32x1280xf32, #tpu.memory_space<vmem>>, vector<1x16xf32>,
        %get3A_119 = arith.index_cast %add3A_93 : i32 to index
        %get3A_120 = arith.constant 48 : index
        %get3A_121 = tpu.vector_load %arg7[%get3A_119, %get3A_120] {strides = array<i32>} : memref<32x1280xf32, #tpu.memory_space<vmem>>, vector<1x16xf32>,
        %get3A_122 = vector.shape_cast %get3A_121 : vector<1x16xf32> to vector<16xf32>
        %swap3A_123 = arith.index_cast %add3A_93 : i32 to index
        %swap3A_124 = arith.constant 48 : index
        %swap3A_125 = tpu.vector_load %arg9[%swap3A_123, %swap3A_124] {strides = array<i32>} : memref<32x1280xf32, #tpu.memory_space<vmem>>, vector<1x16xf32>,
        %swap3A_126 = vector.shape_cast %swap3A_125 : vector<1x16xf32> to vector<16xf32>
        %swap3A_127 = vector.shape_cast %get3A_122 : vector<16xf32> to vector<1x16xf32>
        tpu.vector_store %arg9[%swap3A_123, %swap3A_124], %swap3A_127 {add = true, strides = array<i32>} : memref<32x1280xf32, #tpu.memory_space<vmem>>, vector<1x16xf32>,
        %get3A_128 = arith.index_cast %add3A_93 : i32 to index
        %get3A_129 = arith.constant 64 : index
        %get3A_130 = tpu.vector_load %arg7[%get3A_128, %get3A_129] {strides = array<i32>} : memref<32x1280xf32, #tpu.memory_space<vmem>>, vector<1x16xf32>,
        %get3A_131 = vector.shape_cast %get3A_130 : vector<1x16xf32> to vector<16xf32>
        %swap3A_132 = arith.index_cast %add3A_93 : i32 to index
        %swap3A_133 = arith.constant 64 : index
        %swap3A_134 = tpu.vector_load %arg9[%swap3A_132, %swap3A_133] {strides = array<i32>} : memref<32x1280xf32, #tpu.memory_space<vmem>>, vector<1x16xf32>,
        %swap3A_135 = vector.shape_cast %swap3A_134 : vector<1x16xf32> to vector<16xf32>
        %swap3A_136 = vector.shape_cast %get3A_131 : vector<16xf32> to vector<1x16xf32>
        tpu.vector_store %arg9[%swap3A_132, %swap3A_133], %swap3A_136 {add = true, strides = array<i32>} : memref<32x1280xf32, #tpu.memory_space<vmem>>, vector<1x16xf32>,
        %get3A_137 = arith.index_cast %add3A_93 : i32 to index
        %get3A_138 = arith.constant 80 : index
        %get3A_139 = tpu.vector_load %arg7[%get3A_137, %get3A_138] {strides = array<i32>} : memref<32x1280xf32, #tpu.memory_space<vmem>>, vector<1x16xf32>,
        %get3A_140 = vector.shape_cast %get3A_139 : vector<1x16xf32> to vector<16xf32>
        %swap3A_141 = arith.index_cast %add3A_93 : i32 to index
        %swap3A_142 = arith.constant 80 : index
        %swap3A_143 = tpu.vector_load %arg9[%swap3A_141, %swap3A_142] {strides = array<i32>} : memref<32x1280xf32, #tpu.memory_space<vmem>>, vector<1x16xf32>,
        %swap3A_144 = vector.shape_cast %swap3A_143 : vector<1x16xf32> to vector<16xf32>
        %swap3A_145 = vector.shape_cast %get3A_140 : vector<16xf32> to vector<1x16xf32>
        tpu.vector_store %arg9[%swap3A_141, %swap3A_142], %swap3A_145 {add = true, strides = array<i32>} : memref<32x1280xf32, #tpu.memory_space<vmem>>, vector<1x16xf32>,
        %get3A_146 = arith.index_cast %add3A_93 : i32 to index
        %get3A_147 = arith.constant 96 : index
        %get3A_148 = tpu.vector_load %arg7[%get3A_146, %get3A_147] {strides = array<i32>} : memref<32x1280xf32, #tpu.memory_space<vmem>>, vector<1x16xf32>,
        %get3A_149 = vector.shape_cast %get3A_148 : vector<1x16xf32> to vector<16xf32>
        %swap3A_150 = arith.index_cast %add3A_93 : i32 to index
        %swap3A_151 = arith.constant 96 : index
        %swap3A_152 = tpu.vector_load %arg9[%swap3A_150, %swap3A_151] {strides = array<i32>} : memref<32x1280xf32, #tpu.memory_space<vmem>>, vector<1x16xf32>,
        %swap3A_153 = vector.shape_cast %swap3A_152 : vector<1x16xf32> to vector<16xf32>
        %swap3A_154 = vector.shape_cast %get3A_149 : vector<16xf32> to vector<1x16xf32>
        tpu.vector_store %arg9[%swap3A_150, %swap3A_151], %swap3A_154 {add = true, strides = array<i32>} : memref<32x1280xf32, #tpu.memory_space<vmem>>, vector<1x16xf32>,
        %get3A_155 = arith.index_cast %add3A_93 : i32 to index
        %get3A_156 = arith.constant 112 : index
        %get3A_157 = tpu.vector_load %arg7[%get3A_155, %get3A_156] {strides = array<i32>} : memref<32x1280xf32, #tpu.memory_space<vmem>>, vector<1x16xf32>,
        %get3A_158 = vector.shape_cast %get3A_157 : vector<1x16xf32> to vector<16xf32>
        %swap3A_159 = arith.index_cast %add3A_93 : i32 to index
        %swap3A_160 = arith.constant 112 : index
        %swap3A_161 = tpu.vector_load %arg9[%swap3A_159, %swap3A_160] {strides = array<i32>} : memref<32x1280xf32, #tpu.memory_space<vmem>>, vector<1x16xf32>,
        %swap3A_162 = vector.shape_cast %swap3A_161 : vector<1x16xf32> to vector<16xf32>
        %swap3A_163 = vector.shape_cast %get3A_158 : vector<16xf32> to vector<1x16xf32>
        tpu.vector_store %arg9[%swap3A_159, %swap3A_160], %swap3A_163 {add = true, strides = array<i32>} : memref<32x1280xf32, #tpu.memory_space<vmem>>, vector<1x16xf32>,
        %get3A_164 = arith.index_cast %add3A_93 : i32 to index
        %get3A_165 = arith.constant 128 : index
        %get3A_166 = tpu.vector_load %arg7[%get3A_164, %get3A_165] {strides = array<i32>} : memref<32x1280xf32, #tpu.memory_space<vmem>>, vector<1x16xf32>,
        %get3A_167 = vector.shape_cast %get3A_166 : vector<1x16xf32> to vector<16xf32>
        %swap3A_168 = arith.index_cast %add3A_93 : i32 to index
        %swap3A_169 = arith.constant 128 : index
        %swap3A_170 = tpu.vector_load %arg9[%swap3A_168, %swap3A_169] {strides = array<i32>} : memref<32x1280xf32, #tpu.memory_space<vmem>>, vector<1x16xf32>,
        %swap3A_171 = vector.shape_cast %swap3A_170 : vector<1x16xf32> to vector<16xf32>
        %swap3A_172 = vector.shape_cast %get3A_167 : vector<16xf32> to vector<1x16xf32>
        tpu.vector_store %arg9[%swap3A_168, %swap3A_169], %swap3A_172 {add = true, strides = array<i32>} : memref<32x1280xf32, #tpu.memory_space<vmem>>, vector<1x16xf32>,
        %get3A_173 = arith.index_cast %add3A_93 : i32 to index
        %get3A_174 = arith.constant 144 : index
        %get3A_175 = tpu.vector_load %arg7[%get3A_173, %get3A_174] {strides = array<i32>} : memref<32x1280xf32, #tpu.memory_space<vmem>>, vector<1x16xf32>,
        %get3A_176 = vector.shape_cast %get3A_175 : vector<1x16xf32> to vector<16xf32>
        %swap3A_177 = arith.index_cast %add3A_93 : i32 to index
        %swap3A_178 = arith.constant 144 : index
        %swap3A_179 = tpu.vector_load %arg9[%swap3A_177, %swap3A_178] {strides = array<i32>} : memref<32x1280xf32, #tpu.memory_space<vmem>>, vector<1x16xf32>,
        %swap3A_180 = vector.shape_cast %swap3A_179 : vector<1x16xf32> to vector<16xf32>
        %swap3A_181 = vector.shape_cast %get3A_176 : vector<16xf32> to vector<1x16xf32>
        tpu.vector_store %arg9[%swap3A_177, %swap3A_178], %swap3A_181 {add = true, strides = array<i32>} : memref<32x1280xf32, #tpu.memory_space<vmem>>, vector<1x16xf32>,
        %get3A_182 = arith.index_cast %add3A_93 : i32 to index
        %get3A_183 = arith.constant 160 : index
        %get3A_184 = tpu.vector_load %arg7[%get3A_182, %get3A_183] {strides = array<i32>} : memref<32x1280xf32, #tpu.memory_space<vmem>>, vector<1x16xf32>,
        %get3A_185 = vector.shape_cast %get3A_184 : vector<1x16xf32> to vector<16xf32>
        %swap3A_186 = arith.index_cast %add3A_93 : i32 to index
        %swap3A_187 = arith.constant 160 : index
        %swap3A_188 = tpu.vector_load %arg9[%swap3A_186, %swap3A_187] {strides = array<i32>} : memref<32x1280xf32, #tpu.memory_space<vmem>>, vector<1x16xf32>,
        %swap3A_189 = vector.shape_cast %swap3A_188 : vector<1x16xf32> to vector<16xf32>
        %swap3A_190 = vector.shape_cast %get3A_185 : vector<16xf32> to vector<1x16xf32>
        tpu.vector_store %arg9[%swap3A_186, %swap3A_187], %swap3A_190 {add = true, strides = array<i32>} : memref<32x1280xf32, #tpu.memory_space<vmem>>, vector<1x16xf32>,
        %get3A_191 = arith.index_cast %add3A_93 : i32 to index
        %get3A_192 = arith.constant 176 : index
        %get3A_193 = tpu.vector_load %arg7[%get3A_191, %get3A_192] {strides = array<i32>} : memref<32x1280xf32, #tpu.memory_space<vmem>>, vector<1x16xf32>,
        %get3A_194 = vector.shape_cast %get3A_193 : vector<1x16xf32> to vector<16xf32>
        %swap3A_195 = arith.index_cast %add3A_93 : i32 to index
        %swap3A_196 = arith.constant 176 : index
        %swap3A_197 = tpu.vector_load %arg9[%swap3A_195, %swap3A_196] {strides = array<i32>} : memref<32x1280xf32, #tpu.memory_space<vmem>>, vector<1x16xf32>,
        %swap3A_198 = vector.shape_cast %swap3A_197 : vector<1x16xf32> to vector<16xf32>
        %swap3A_199 = vector.shape_cast %get3A_194 : vector<16xf32> to vector<1x16xf32>
        tpu.vector_store %arg9[%swap3A_195, %swap3A_196], %swap3A_199 {add = true, strides = array<i32>} : memref<32x1280xf32, #tpu.memory_space<vmem>>, vector<1x16xf32>,
        %get3A_200 = arith.index_cast %add3A_93 : i32 to index
        %get3A_201 = arith.constant 192 : index
        %get3A_202 = tpu.vector_load %arg7[%get3A_200, %get3A_201] {strides = array<i32>} : memref<32x1280xf32, #tpu.memory_space<vmem>>, vector<1x16xf32>,
        %get3A_203 = vector.shape_cast %get3A_202 : vector<1x16xf32> to vector<16xf32>
        %swap3A_204 = arith.index_cast %add3A_93 : i32 to index
        %swap3A_205 = arith.constant 192 : index
        %swap3A_206 = tpu.vector_load %arg9[%swap3A_204, %swap3A_205] {strides = array<i32>} : memref<32x1280xf32, #tpu.memory_space<vmem>>, vector<1x16xf32>,
        %swap3A_207 = vector.shape_cast %swap3A_206 : vector<1x16xf32> to vector<16xf32>
        %swap3A_208 = vector.shape_cast %get3A_203 : vector<16xf32> to vector<1x16xf32>
        tpu.vector_store %arg9[%swap3A_204, %swap3A_205], %swap3A_208 {add = true, strides = array<i32>} : memref<32x1280xf32, #tpu.memory_space<vmem>>, vector<1x16xf32>,
        %get3A_209 = arith.index_cast %add3A_93 : i32 to index
        %get3A_210 = arith.constant 208 : index
        %get3A_211 = tpu.vector_load %arg7[%get3A_209, %get3A_210] {strides = array<i32>} : memref<32x1280xf32, #tpu.memory_space<vmem>>, vector<1x16xf32>,
        %get3A_212 = vector.shape_cast %get3A_211 : vector<1x16xf32> to vector<16xf32>
        %swap3A_213 = arith.index_cast %add3A_93 : i32 to index
        %swap3A_214 = arith.constant 208 : index
        %swap3A_215 = tpu.vector_load %arg9[%swap3A_213, %swap3A_214] {strides = array<i32>} : memref<32x1280xf32, #tpu.memory_space<vmem>>, vector<1x16xf32>,
        %swap3A_216 = vector.shape_cast %swap3A_215 : vector<1x16xf32> to vector<16xf32>
        %swap3A_217 = vector.shape_cast %get3A_212 : vector<16xf32> to vector<1x16xf32>
        tpu.vector_store %arg9[%swap3A_213, %swap3A_214], %swap3A_217 {add = true, strides = array<i32>} : memref<32x1280xf32, #tpu.memory_space<vmem>>, vector<1x16xf32>,
        %get3A_218 = arith.index_cast %add3A_93 : i32 to index
        %get3A_219 = arith.constant 224 : index
        %get3A_220 = tpu.vector_load %arg7[%get3A_218, %get3A_219] {strides = array<i32>} : memref<32x1280xf32, #tpu.memory_space<vmem>>, vector<1x16xf32>,
        %get3A_221 = vector.shape_cast %get3A_220 : vector<1x16xf32> to vector<16xf32>
        %swap3A_222 = arith.index_cast %add3A_93 : i32 to index
        %swap3A_223 = arith.constant 224 : index
        %swap3A_224 = tpu.vector_load %arg9[%swap3A_222, %swap3A_223] {strides = array<i32>} : memref<32x1280xf32, #tpu.memory_space<vmem>>, vector<1x16xf32>,
        %swap3A_225 = vector.shape_cast %swap3A_224 : vector<1x16xf32> to vector<16xf32>
        %swap3A_226 = vector.shape_cast %get3A_221 : vector<16xf32> to vector<1x16xf32>
        tpu.vector_store %arg9[%swap3A_222, %swap3A_223], %swap3A_226 {add = true, strides = array<i32>} : memref<32x1280xf32, #tpu.memory_space<vmem>>, vector<1x16xf32>,
        %get3A_227 = arith.index_cast %add3A_93 : i32 to index
        %get3A_228 = arith.constant 240 : index
        %get3A_229 = tpu.vector_load %arg7[%get3A_227, %get3A_228] {strides = array<i32>} : memref<32x1280xf32, #tpu.memory_space<vmem>>, vector<1x16xf32>,
        %get3A_230 = vector.shape_cast %get3A_229 : vector<1x16xf32> to vector<16xf32>
        %swap3A_231 = arith.index_cast %add3A_93 : i32 to index
        %swap3A_232 = arith.constant 240 : index
        %swap3A_233 = tpu.vector_load %arg9[%swap3A_231, %swap3A_232] {strides = array<i32>} : memref<32x1280xf32, #tpu.memory_space<vmem>>, vector<1x16xf32>,
        %swap3A_234 = vector.shape_cast %swap3A_233 : vector<1x16xf32> to vector<16xf32>
        %swap3A_235 = vector.shape_cast %get3A_230 : vector<16xf32> to vector<1x16xf32>
        tpu.vector_store %arg9[%swap3A_231, %swap3A_232], %swap3A_235 {add = true, strides = array<i32>} : memref<32x1280xf32, #tpu.memory_space<vmem>>, vector<1x16xf32>,
        %get3A_236 = arith.index_cast %add3A_93 : i32 to index
        %get3A_237 = arith.constant 256 : index
        %get3A_238 = tpu.vector_load %arg7[%get3A_236, %get3A_237] {strides = array<i32>} : memref<32x1280xf32, #tpu.memory_space<vmem>>, vector<1x16xf32>,
        %get3A_239 = vector.shape_cast %get3A_238 : vector<1x16xf32> to vector<16xf32>
        %swap3A_240 = arith.index_cast %add3A_93 : i32 to index
        %swap3A_241 = arith.constant 256 : index
        %swap3A_242 = tpu.vector_load %arg9[%swap3A_240, %swap3A_241] {strides = array<i32>} : memref<32x1280xf32, #tpu.memory_space<vmem>>, vector<1x16xf32>,
        %swap3A_243 = vector.shape_cast %swap3A_242 : vector<1x16xf32> to vector<16xf32>
        %swap3A_244 = vector.shape_cast %get3A_239 : vector<16xf32> to vector<1x16xf32>
        tpu.vector_store %arg9[%swap3A_240, %swap3A_241], %swap3A_244 {add = true, strides = array<i32>} : memref<32x1280xf32, #tpu.memory_space<vmem>>, vector<1x16xf32>,
        %get3A_245 = arith.index_cast %add3A_93 : i32 to index
        %get3A_246 = arith.constant 272 : index
        %get3A_247 = tpu.vector_load %arg7[%get3A_245, %get3A_246] {strides = array<i32>} : memref<32x1280xf32, #tpu.memory_space<vmem>>, vector<1x16xf32>,
        %get3A_248 = vector.shape_cast %get3A_247 : vector<1x16xf32> to vector<16xf32>
        %swap3A_249 = arith.index_cast %add3A_93 : i32 to index
        %swap3A_250 = arith.constant 272 : index
        %swap3A_251 = tpu.vector_load %arg9[%swap3A_249, %swap3A_250] {strides = array<i32>} : memref<32x1280xf32, #tpu.memory_space<vmem>>, vector<1x16xf32>,
        %swap3A_252 = vector.shape_cast %swap3A_251 : vector<1x16xf32> to vector<16xf32>
        %swap3A_253 = vector.shape_cast %get3A_248 : vector<16xf32> to vector<1x16xf32>
        tpu.vector_store %arg9[%swap3A_249, %swap3A_250], %swap3A_253 {add = true, strides = array<i32>} : memref<32x1280xf32, #tpu.memory_space<vmem>>, vector<1x16xf32>,
        %get3A_254 = arith.index_cast %add3A_93 : i32 to index
        %get3A_255 = arith.constant 288 : index
        %get3A_256 = tpu.vector_load %arg7[%get3A_254, %get3A_255] {strides = array<i32>} : memref<32x1280xf32, #tpu.memory_space<vmem>>, vector<1x16xf32>,
        %get3A_257 = vector.shape_cast %get3A_256 : vector<1x16xf32> to vector<16xf32>
        %swap3A_258 = arith.index_cast %add3A_93 : i32 to index
        %swap3A_259 = arith.constant 288 : index
        %swap3A_260 = tpu.vector_load %arg9[%swap3A_258, %swap3A_259] {strides = array<i32>} : memref<32x1280xf32, #tpu.memory_space<vmem>>, vector<1x16xf32>,
        %swap3A_261 = vector.shape_cast %swap3A_260 : vector<1x16xf32> to vector<16xf32>
        %swap3A_262 = vector.shape_cast %get3A_257 : vector<16xf32> to vector<1x16xf32>
        tpu.vector_store %arg9[%swap3A_258, %swap3A_259], %swap3A_262 {add = true, strides = array<i32>} : memref<32x1280xf32, #tpu.memory_space<vmem>>, vector<1x16xf32>,
        %get3A_263 = arith.index_cast %add3A_93 : i32 to index
        %get3A_264 = arith.constant 304 : index
        %get3A_265 = tpu.vector_load %arg7[%get3A_263, %get3A_264] {strides = array<i32>} : memref<32x1280xf32, #tpu.memory_space<vmem>>, vector<1x16xf32>,
        %get3A_266 = vector.shape_cast %get3A_265 : vector<1x16xf32> to vector<16xf32>
        %swap3A_267 = arith.index_cast %add3A_93 : i32 to index
        %swap3A_268 = arith.constant 304 : index
        %swap3A_269 = tpu.vector_load %arg9[%swap3A_267, %swap3A_268] {strides = array<i32>} : memref<32x1280xf32, #tpu.memory_space<vmem>>, vector<1x16xf32>,
        %swap3A_270 = vector.shape_cast %swap3A_269 : vector<1x16xf32> to vector<16xf32>
        %swap3A_271 = vector.shape_cast %get3A_266 : vector<16xf32> to vector<1x16xf32>
        tpu.vector_store %arg9[%swap3A_267, %swap3A_268], %swap3A_271 {add = true, strides = array<i32>} : memref<32x1280xf32, #tpu.memory_space<vmem>>, vector<1x16xf32>,
        %get3A_272 = arith.index_cast %add3A_93 : i32 to index
        %get3A_273 = arith.constant 320 : index
        %get3A_274 = tpu.vector_load %arg7[%get3A_272, %get3A_273] {strides = array<i32>} : memref<32x1280xf32, #tpu.memory_space<vmem>>, vector<1x16xf32>,
        %get3A_275 = vector.shape_cast %get3A_274 : vector<1x16xf32> to vector<16xf32>
        %swap3A_276 = arith.index_cast %add3A_93 : i32 to index
        %swap3A_277 = arith.constant 320 : index
        %swap3A_278 = tpu.vector_load %arg9[%swap3A_276, %swap3A_277] {strides = array<i32>} : memref<32x1280xf32, #tpu.memory_space<vmem>>, vector<1x16xf32>,
        %swap3A_279 = vector.shape_cast %swap3A_278 : vector<1x16xf32> to vector<16xf32>
        %swap3A_280 = vector.shape_cast %get3A_275 : vector<16xf32> to vector<1x16xf32>
        tpu.vector_store %arg9[%swap3A_276, %swap3A_277], %swap3A_280 {add = true, strides = array<i32>} : memref<32x1280xf32, #tpu.memory_space<vmem>>, vector<1x16xf32>,
        %get3A_281 = arith.index_cast %add3A_93 : i32 to index
        %get3A_282 = arith.constant 336 : index
        %get3A_283 = tpu.vector_load %arg7[%get3A_281, %get3A_282] {strides = array<i32>} : memref<32x1280xf32, #tpu.memory_space<vmem>>, vector<1x16xf32>,
        %get3A_284 = vector.shape_cast %get3A_283 : vector<1x16xf32> to vector<16xf32>
        %swap3A_285 = arith.index_cast %add3A_93 : i32 to index
        %swap3A_286 = arith.constant 336 : index
        %swap3A_287 = tpu.vector_load %arg9[%swap3A_285, %swap3A_286] {strides = array<i32>} : memref<32x1280xf32, #tpu.memory_space<vmem>>, vector<1x16xf32>,
        %swap3A_288 = vector.shape_cast %swap3A_287 : vector<1x16xf32> to vector<16xf32>
        %swap3A_289 = vector.shape_cast %get3A_284 : vector<16xf32> to vector<1x16xf32>
        tpu.vector_store %arg9[%swap3A_285, %swap3A_286], %swap3A_289 {add = true, strides = array<i32>} : memref<32x1280xf32, #tpu.memory_space<vmem>>, vector<1x16xf32>,
        %get3A_290 = arith.index_cast %add3A_93 : i32 to index
        %get3A_291 = arith.constant 352 : index
        %get3A_292 = tpu.vector_load %arg7[%get3A_290, %get3A_291] {strides = array<i32>} : memref<32x1280xf32, #tpu.memory_space<vmem>>, vector<1x16xf32>,
        %get3A_293 = vector.shape_cast %get3A_292 : vector<1x16xf32> to vector<16xf32>
        %swap3A_294 = arith.index_cast %add3A_93 : i32 to index
        %swap3A_295 = arith.constant 352 : index
        %swap3A_296 = tpu.vector_load %arg9[%swap3A_294, %swap3A_295] {strides = array<i32>} : memref<32x1280xf32, #tpu.memory_space<vmem>>, vector<1x16xf32>,
        %swap3A_297 = vector.shape_cast %swap3A_296 : vector<1x16xf32> to vector<16xf32>
        %swap3A_298 = vector.shape_cast %get3A_293 : vector<16xf32> to vector<1x16xf32>
        tpu.vector_store %arg9[%swap3A_294, %swap3A_295], %swap3A_298 {add = true, strides = array<i32>} : memref<32x1280xf32, #tpu.memory_space<vmem>>, vector<1x16xf32>,
        %get3A_299 = arith.index_cast %add3A_93 : i32 to index
        %get3A_300 = arith.constant 368 : index
        %get3A_301 = tpu.vector_load %arg7[%get3A_299, %get3A_300] {strides = array<i32>} : memref<32x1280xf32, #tpu.memory_space<vmem>>, vector<1x16xf32>,
        %get3A_302 = vector.shape_cast %get3A_301 : vector<1x16xf32> to vector<16xf32>
        %swap3A_303 = arith.index_cast %add3A_93 : i32 to index
        %swap3A_304 = arith.constant 368 : index
        %swap3A_305 = tpu.vector_load %arg9[%swap3A_303, %swap3A_304] {strides = array<i32>} : memref<32x1280xf32, #tpu.memory_space<vmem>>, vector<1x16xf32>,
        %swap3A_306 = vector.shape_cast %swap3A_305 : vector<1x16xf32> to vector<16xf32>
        %swap3A_307 = vector.shape_cast %get3A_302 : vector<16xf32> to vector<1x16xf32>
        tpu.vector_store %arg9[%swap3A_303, %swap3A_304], %swap3A_307 {add = true, strides = array<i32>} : memref<32x1280xf32, #tpu.memory_space<vmem>>, vector<1x16xf32>,
        %get3A_308 = arith.index_cast %add3A_93 : i32 to index
        %get3A_309 = arith.constant 384 : index
        %get3A_310 = tpu.vector_load %arg7[%get3A_308, %get3A_309] {strides = array<i32>} : memref<32x1280xf32, #tpu.memory_space<vmem>>, vector<1x16xf32>,
        %get3A_311 = vector.shape_cast %get3A_310 : vector<1x16xf32> to vector<16xf32>
        %swap3A_312 = arith.index_cast %add3A_93 : i32 to index
        %swap3A_313 = arith.constant 384 : index
        %swap3A_314 = tpu.vector_load %arg9[%swap3A_312, %swap3A_313] {strides = array<i32>} : memref<32x1280xf32, #tpu.memory_space<vmem>>, vector<1x16xf32>,
        %swap3A_315 = vector.shape_cast %swap3A_314 : vector<1x16xf32> to vector<16xf32>
        %swap3A_316 = vector.shape_cast %get3A_311 : vector<16xf32> to vector<1x16xf32>
        tpu.vector_store %arg9[%swap3A_312, %swap3A_313], %swap3A_316 {add = true, strides = array<i32>} : memref<32x1280xf32, #tpu.memory_space<vmem>>, vector<1x16xf32>,
        %get3A_317 = arith.index_cast %add3A_93 : i32 to index
        %get3A_318 = arith.constant 400 : index
        %get3A_319 = tpu.vector_load %arg7[%get3A_317, %get3A_318] {strides = array<i32>} : memref<32x1280xf32, #tpu.memory_space<vmem>>, vector<1x16xf32>,
        %get3A_320 = vector.shape_cast %get3A_319 : vector<1x16xf32> to vector<16xf32>
        %swap3A_321 = arith.index_cast %add3A_93 : i32 to index
        %swap3A_322 = arith.constant 400 : index
        %swap3A_323 = tpu.vector_load %arg9[%swap3A_321, %swap3A_322] {strides = array<i32>} : memref<32x1280xf32, #tpu.memory_space<vmem>>, vector<1x16xf32>,
        %swap3A_324 = vector.shape_cast %swap3A_323 : vector<1x16xf32> to vector<16xf32>
        %swap3A_325 = vector.shape_cast %get3A_320 : vector<16xf32> to vector<1x16xf32>
        tpu.vector_store %arg9[%swap3A_321, %swap3A_322], %swap3A_325 {add = true, strides = array<i32>} : memref<32x1280xf32, #tpu.memory_space<vmem>>, vector<1x16xf32>,
        %get3A_326 = arith.index_cast %add3A_93 : i32 to index
        %get3A_327 = arith.constant 416 : index
        %get3A_328 = tpu.vector_load %arg7[%get3A_326, %get3A_327] {strides = array<i32>} : memref<32x1280xf32, #tpu.memory_space<vmem>>, vector<1x16xf32>,
        %get3A_329 = vector.shape_cast %get3A_328 : vector<1x16xf32> to vector<16xf32>
        %swap3A_330 = arith.index_cast %add3A_93 : i32 to index
        %swap3A_331 = arith.constant 416 : index
        %swap3A_332 = tpu.vector_load %arg9[%swap3A_330, %swap3A_331] {strides = array<i32>} : memref<32x1280xf32, #tpu.memory_space<vmem>>, vector<1x16xf32>,
        %swap3A_333 = vector.shape_cast %swap3A_332 : vector<1x16xf32> to vector<16xf32>
        %swap3A_334 = vector.shape_cast %get3A_329 : vector<16xf32> to vector<1x16xf32>
        tpu.vector_store %arg9[%swap3A_330, %swap3A_331], %swap3A_334 {add = true, strides = array<i32>} : memref<32x1280xf32, #tpu.memory_space<vmem>>, vector<1x16xf32>,
        %get3A_335 = arith.index_cast %add3A_93 : i32 to index
        %get3A_336 = arith.constant 432 : index
        %get3A_337 = tpu.vector_load %arg7[%get3A_335, %get3A_336] {strides = array<i32>} : memref<32x1280xf32, #tpu.memory_space<vmem>>, vector<1x16xf32>,
        %get3A_338 = vector.shape_cast %get3A_337 : vector<1x16xf32> to vector<16xf32>
        %swap3A_339 = arith.index_cast %add3A_93 : i32 to index
        %swap3A_340 = arith.constant 432 : index
        %swap3A_341 = tpu.vector_load %arg9[%swap3A_339, %swap3A_340] {strides = array<i32>} : memref<32x1280xf32, #tpu.memory_space<vmem>>, vector<1x16xf32>,
        %swap3A_342 = vector.shape_cast %swap3A_341 : vector<1x16xf32> to vector<16xf32>
        %swap3A_343 = vector.shape_cast %get3A_338 : vector<16xf32> to vector<1x16xf32>
        tpu.vector_store %arg9[%swap3A_339, %swap3A_340], %swap3A_343 {add = true, strides = array<i32>} : memref<32x1280xf32, #tpu.memory_space<vmem>>, vector<1x16xf32>,
        %get3A_344 = arith.index_cast %add3A_93 : i32 to index
        %get3A_345 = arith.constant 448 : index
        %get3A_346 = tpu.vector_load %arg7[%get3A_344, %get3A_345] {strides = array<i32>} : memref<32x1280xf32, #tpu.memory_space<vmem>>, vector<1x16xf32>,
        %get3A_347 = vector.shape_cast %get3A_346 : vector<1x16xf32> to vector<16xf32>
        %swap3A_348 = arith.index_cast %add3A_93 : i32 to index
        %swap3A_349 = arith.constant 448 : index
        %swap3A_350 = tpu.vector_load %arg9[%swap3A_348, %swap3A_349] {strides = array<i32>} : memref<32x1280xf32, #tpu.memory_space<vmem>>, vector<1x16xf32>,
        %swap3A_351 = vector.shape_cast %swap3A_350 : vector<1x16xf32> to vector<16xf32>
        %swap3A_352 = vector.shape_cast %get3A_347 : vector<16xf32> to vector<1x16xf32>
        tpu.vector_store %arg9[%swap3A_348, %swap3A_349], %swap3A_352 {add = true, strides = array<i32>} : memref<32x1280xf32, #tpu.memory_space<vmem>>, vector<1x16xf32>,
        %get3A_353 = arith.index_cast %add3A_93 : i32 to index
        %get3A_354 = arith.constant 464 : index
        %get3A_355 = tpu.vector_load %arg7[%get3A_353, %get3A_354] {strides = array<i32>} : memref<32x1280xf32, #tpu.memory_space<vmem>>, vector<1x16xf32>,
        %get3A_356 = vector.shape_cast %get3A_355 : vector<1x16xf32> to vector<16xf32>
        %swap3A_357 = arith.index_cast %add3A_93 : i32 to index
        %swap3A_358 = arith.constant 464 : index
        %swap3A_359 = tpu.vector_load %arg9[%swap3A_357, %swap3A_358] {strides = array<i32>} : memref<32x1280xf32, #tpu.memory_space<vmem>>, vector<1x16xf32>,
        %swap3A_360 = vector.shape_cast %swap3A_359 : vector<1x16xf32> to vector<16xf32>
        %swap3A_361 = vector.shape_cast %get3A_356 : vector<16xf32> to vector<1x16xf32>
        tpu.vector_store %arg9[%swap3A_357, %swap3A_358], %swap3A_361 {add = true, strides = array<i32>} : memref<32x1280xf32, #tpu.memory_space<vmem>>, vector<1x16xf32>,
        %get3A_362 = arith.index_cast %add3A_93 : i32 to index
        %get3A_363 = arith.constant 480 : index
        %get3A_364 = tpu.vector_load %arg7[%get3A_362, %get3A_363] {strides = array<i32>} : memref<32x1280xf32, #tpu.memory_space<vmem>>, vector<1x16xf32>,
        %get3A_365 = vector.shape_cast %get3A_364 : vector<1x16xf32> to vector<16xf32>
        %swap3A_366 = arith.index_cast %add3A_93 : i32 to index
        %swap3A_367 = arith.constant 480 : index
        %swap3A_368 = tpu.vector_load %arg9[%swap3A_366, %swap3A_367] {strides = array<i32>} : memref<32x1280xf32, #tpu.memory_space<vmem>>, vector<1x16xf32>,
        %swap3A_369 = vector.shape_cast %swap3A_368 : vector<1x16xf32> to vector<16xf32>
        %swap3A_370 = vector.shape_cast %get3A_365 : vector<16xf32> to vector<1x16xf32>
        tpu.vector_store %arg9[%swap3A_366, %swap3A_367], %swap3A_370 {add = true, strides = array<i32>} : memref<32x1280xf32, #tpu.memory_space<vmem>>, vector<1x16xf32>,
        %get3A_371 = arith.index_cast %add3A_93 : i32 to index
        %get3A_372 = arith.constant 496 : index
        %get3A_373 = tpu.vector_load %arg7[%get3A_371, %get3A_372] {strides = array<i32>} : memref<32x1280xf32, #tpu.memory_space<vmem>>, vector<1x16xf32>,
        %get3A_374 = vector.shape_cast %get3A_373 : vector<1x16xf32> to vector<16xf32>
        %swap3A_375 = arith.index_cast %add3A_93 : i32 to index
        %swap3A_376 = arith.constant 496 : index
        %swap3A_377 = tpu.vector_load %arg9[%swap3A_375, %swap3A_376] {strides = array<i32>} : memref<32x1280xf32, #tpu.memory_space<vmem>>, vector<1x16xf32>,
        %swap3A_378 = vector.shape_cast %swap3A_377 : vector<1x16xf32> to vector<16xf32>
        %swap3A_379 = vector.shape_cast %get3A_374 : vector<16xf32> to vector<1x16xf32>
        tpu.vector_store %arg9[%swap3A_375, %swap3A_376], %swap3A_379 {add = true, strides = array<i32>} : memref<32x1280xf32, #tpu.memory_space<vmem>>, vector<1x16xf32>,
        %get3A_380 = arith.index_cast %add3A_93 : i32 to index
        %get3A_381 = arith.constant 512 : index
        %get3A_382 = tpu.vector_load %arg7[%get3A_380, %get3A_381] {strides = array<i32>} : memref<32x1280xf32, #tpu.memory_space<vmem>>, vector<1x16xf32>,
        %get3A_383 = vector.shape_cast %get3A_382 : vector<1x16xf32> to vector<16xf32>
        %swap3A_384 = arith.index_cast %add3A_93 : i32 to index
        %swap3A_385 = arith.constant 512 : index
        %swap3A_386 = tpu.vector_load %arg9[%swap3A_384, %swap3A_385] {strides = array<i32>} : memref<32x1280xf32, #tpu.memory_space<vmem>>, vector<1x16xf32>,
        %swap3A_387 = vector.shape_cast %swap3A_386 : vector<1x16xf32> to vector<16xf32>
        %swap3A_388 = vector.shape_cast %get3A_383 : vector<16xf32> to vector<1x16xf32>
        tpu.vector_store %arg9[%swap3A_384, %swap3A_385], %swap3A_388 {add = true, strides = array<i32>} : memref<32x1280xf32, #tpu.memory_space<vmem>>, vector<1x16xf32>,
        %get3A_389 = arith.index_cast %add3A_93 : i32 to index
        %get3A_390 = arith.constant 528 : index
        %get3A_391 = tpu.vector_load %arg7[%get3A_389, %get3A_390] {strides = array<i32>} : memref<32x1280xf32, #tpu.memory_space<vmem>>, vector<1x16xf32>,
        %get3A_392 = vector.shape_cast %get3A_391 : vector<1x16xf32> to vector<16xf32>
        %swap3A_393 = arith.index_cast %add3A_93 : i32 to index
        %swap3A_394 = arith.constant 528 : index
        %swap3A_395 = tpu.vector_load %arg9[%swap3A_393, %swap3A_394] {strides = array<i32>} : memref<32x1280xf32, #tpu.memory_space<vmem>>, vector<1x16xf32>,
        %swap3A_396 = vector.shape_cast %swap3A_395 : vector<1x16xf32> to vector<16xf32>
        %swap3A_397 = vector.shape_cast %get3A_392 : vector<16xf32> to vector<1x16xf32>
        tpu.vector_store %arg9[%swap3A_393, %swap3A_394], %swap3A_397 {add = true, strides = array<i32>} : memref<32x1280xf32, #tpu.memory_space<vmem>>, vector<1x16xf32>,
        %get3A_398 = arith.index_cast %add3A_93 : i32 to index
        %get3A_399 = arith.constant 544 : index
        %get3A_400 = tpu.vector_load %arg7[%get3A_398, %get3A_399] {strides = array<i32>} : memref<32x1280xf32, #tpu.memory_space<vmem>>, vector<1x16xf32>,
        %get3A_401 = vector.shape_cast %get3A_400 : vector<1x16xf32> to vector<16xf32>
        %swap3A_402 = arith.index_cast %add3A_93 : i32 to index
        %swap3A_403 = arith.constant 544 : index
        %swap3A_404 = tpu.vector_load %arg9[%swap3A_402, %swap3A_403] {strides = array<i32>} : memref<32x1280xf32, #tpu.memory_space<vmem>>, vector<1x16xf32>,
        %swap3A_405 = vector.shape_cast %swap3A_404 : vector<1x16xf32> to vector<16xf32>
        %swap3A_406 = vector.shape_cast %get3A_401 : vector<16xf32> to vector<1x16xf32>
        tpu.vector_store %arg9[%swap3A_402, %swap3A_403], %swap3A_406 {add = true, strides = array<i32>} : memref<32x1280xf32, #tpu.memory_space<vmem>>, vector<1x16xf32>,
        %get3A_407 = arith.index_cast %add3A_93 : i32 to index
        %get3A_408 = arith.constant 560 : index
        %get3A_409 = tpu.vector_load %arg7[%get3A_407, %get3A_408] {strides = array<i32>} : memref<32x1280xf32, #tpu.memory_space<vmem>>, vector<1x16xf32>,
        %get3A_410 = vector.shape_cast %get3A_409 : vector<1x16xf32> to vector<16xf32>
        %swap3A_411 = arith.index_cast %add3A_93 : i32 to index
        %swap3A_412 = arith.constant 560 : index
        %swap3A_413 = tpu.vector_load %arg9[%swap3A_411, %swap3A_412] {strides = array<i32>} : memref<32x1280xf32, #tpu.memory_space<vmem>>, vector<1x16xf32>,
        %swap3A_414 = vector.shape_cast %swap3A_413 : vector<1x16xf32> to vector<16xf32>
        %swap3A_415 = vector.shape_cast %get3A_410 : vector<16xf32> to vector<1x16xf32>
        tpu.vector_store %arg9[%swap3A_411, %swap3A_412], %swap3A_415 {add = true, strides = array<i32>} : memref<32x1280xf32, #tpu.memory_space<vmem>>, vector<1x16xf32>,
        %get3A_416 = arith.index_cast %add3A_93 : i32 to index
        %get3A_417 = arith.constant 576 : index
        %get3A_418 = tpu.vector_load %arg7[%get3A_416, %get3A_417] {strides = array<i32>} : memref<32x1280xf32, #tpu.memory_space<vmem>>, vector<1x16xf32>,
        %get3A_419 = vector.shape_cast %get3A_418 : vector<1x16xf32> to vector<16xf32>
        %swap3A_420 = arith.index_cast %add3A_93 : i32 to index
        %swap3A_421 = arith.constant 576 : index
        %swap3A_422 = tpu.vector_load %arg9[%swap3A_420, %swap3A_421] {strides = array<i32>} : memref<32x1280xf32, #tpu.memory_space<vmem>>, vector<1x16xf32>,
        %swap3A_423 = vector.shape_cast %swap3A_422 : vector<1x16xf32> to vector<16xf32>
        %swap3A_424 = vector.shape_cast %get3A_419 : vector<16xf32> to vector<1x16xf32>
        tpu.vector_store %arg9[%swap3A_420, %swap3A_421], %swap3A_424 {add = true, strides = array<i32>} : memref<32x1280xf32, #tpu.memory_space<vmem>>, vector<1x16xf32>,
        %get3A_425 = arith.index_cast %add3A_93 : i32 to index
        %get3A_426 = arith.constant 592 : index
        %get3A_427 = tpu.vector_load %arg7[%get3A_425, %get3A_426] {strides = array<i32>} : memref<32x1280xf32, #tpu.memory_space<vmem>>, vector<1x16xf32>,
        %get3A_428 = vector.shape_cast %get3A_427 : vector<1x16xf32> to vector<16xf32>
        %swap3A_429 = arith.index_cast %add3A_93 : i32 to index
        %swap3A_430 = arith.constant 592 : index
        %swap3A_431 = tpu.vector_load %arg9[%swap3A_429, %swap3A_430] {strides = array<i32>} : memref<32x1280xf32, #tpu.memory_space<vmem>>, vector<1x16xf32>,
        %swap3A_432 = vector.shape_cast %swap3A_431 : vector<1x16xf32> to vector<16xf32>
        %swap3A_433 = vector.shape_cast %get3A_428 : vector<16xf32> to vector<1x16xf32>
        tpu.vector_store %arg9[%swap3A_429, %swap3A_430], %swap3A_433 {add = true, strides = array<i32>} : memref<32x1280xf32, #tpu.memory_space<vmem>>, vector<1x16xf32>,
        %get3A_434 = arith.index_cast %add3A_93 : i32 to index
        %get3A_435 = arith.constant 608 : index
        %get3A_436 = tpu.vector_load %arg7[%get3A_434, %get3A_435] {strides = array<i32>} : memref<32x1280xf32, #tpu.memory_space<vmem>>, vector<1x16xf32>,
        %get3A_437 = vector.shape_cast %get3A_436 : vector<1x16xf32> to vector<16xf32>
        %swap3A_438 = arith.index_cast %add3A_93 : i32 to index
        %swap3A_439 = arith.constant 608 : index
        %swap3A_440 = tpu.vector_load %arg9[%swap3A_438, %swap3A_439] {strides = array<i32>} : memref<32x1280xf32, #tpu.memory_space<vmem>>, vector<1x16xf32>,
        %swap3A_441 = vector.shape_cast %swap3A_440 : vector<1x16xf32> to vector<16xf32>
        %swap3A_442 = vector.shape_cast %get3A_437 : vector<16xf32> to vector<1x16xf32>
        tpu.vector_store %arg9[%swap3A_438, %swap3A_439], %swap3A_442 {add = true, strides = array<i32>} : memref<32x1280xf32, #tpu.memory_space<vmem>>, vector<1x16xf32>,
        %get3A_443 = arith.index_cast %add3A_93 : i32 to index
        %get3A_444 = arith.constant 624 : index
        %get3A_445 = tpu.vector_load %arg7[%get3A_443, %get3A_444] {strides = array<i32>} : memref<32x1280xf32, #tpu.memory_space<vmem>>, vector<1x16xf32>,
        %get3A_446 = vector.shape_cast %get3A_445 : vector<1x16xf32> to vector<16xf32>
        %swap3A_447 = arith.index_cast %add3A_93 : i32 to index
        %swap3A_448 = arith.constant 624 : index
        %swap3A_449 = tpu.vector_load %arg9[%swap3A_447, %swap3A_448] {strides = array<i32>} : memref<32x1280xf32, #tpu.memory_space<vmem>>, vector<1x16xf32>,
        %swap3A_450 = vector.shape_cast %swap3A_449 : vector<1x16xf32> to vector<16xf32>
        %swap3A_451 = vector.shape_cast %get3A_446 : vector<16xf32> to vector<1x16xf32>
        tpu.vector_store %arg9[%swap3A_447, %swap3A_448], %swap3A_451 {add = true, strides = array<i32>} : memref<32x1280xf32, #tpu.memory_space<vmem>>, vector<1x16xf32>,
        %get3A_452 = arith.index_cast %add3A_93 : i32 to index
        %get3A_453 = arith.constant 640 : index
        %get3A_454 = tpu.vector_load %arg7[%get3A_452, %get3A_453] {strides = array<i32>} : memref<32x1280xf32, #tpu.memory_space<vmem>>, vector<1x16xf32>,
        %get3A_455 = vector.shape_cast %get3A_454 : vector<1x16xf32> to vector<16xf32>
        %swap3A_456 = arith.index_cast %add3A_93 : i32 to index
        %swap3A_457 = arith.constant 640 : index
        %swap3A_458 = tpu.vector_load %arg9[%swap3A_456, %swap3A_457] {strides = array<i32>} : memref<32x1280xf32, #tpu.memory_space<vmem>>, vector<1x16xf32>,
        %swap3A_459 = vector.shape_cast %swap3A_458 : vector<1x16xf32> to vector<16xf32>
        %swap3A_460 = vector.shape_cast %get3A_455 : vector<16xf32> to vector<1x16xf32>
        tpu.vector_store %arg9[%swap3A_456, %swap3A_457], %swap3A_460 {add = true, strides = array<i32>} : memref<32x1280xf32, #tpu.memory_space<vmem>>, vector<1x16xf32>,
        %get3A_461 = arith.index_cast %add3A_93 : i32 to index
        %get3A_462 = arith.constant 656 : index
        %get3A_463 = tpu.vector_load %arg7[%get3A_461, %get3A_462] {strides = array<i32>} : memref<32x1280xf32, #tpu.memory_space<vmem>>, vector<1x16xf32>,
        %get3A_464 = vector.shape_cast %get3A_463 : vector<1x16xf32> to vector<16xf32>
        %swap3A_465 = arith.index_cast %add3A_93 : i32 to index
        %swap3A_466 = arith.constant 656 : index
        %swap3A_467 = tpu.vector_load %arg9[%swap3A_465, %swap3A_466] {strides = array<i32>} : memref<32x1280xf32, #tpu.memory_space<vmem>>, vector<1x16xf32>,
        %swap3A_468 = vector.shape_cast %swap3A_467 : vector<1x16xf32> to vector<16xf32>
        %swap3A_469 = vector.shape_cast %get3A_464 : vector<16xf32> to vector<1x16xf32>
        tpu.vector_store %arg9[%swap3A_465, %swap3A_466], %swap3A_469 {add = true, strides = array<i32>} : memref<32x1280xf32, #tpu.memory_space<vmem>>, vector<1x16xf32>,
        %get3A_470 = arith.index_cast %add3A_93 : i32 to index
        %get3A_471 = arith.constant 672 : index
        %get3A_472 = tpu.vector_load %arg7[%get3A_470, %get3A_471] {strides = array<i32>} : memref<32x1280xf32, #tpu.memory_space<vmem>>, vector<1x16xf32>,
        %get3A_473 = vector.shape_cast %get3A_472 : vector<1x16xf32> to vector<16xf32>
        %swap3A_474 = arith.index_cast %add3A_93 : i32 to index
        %swap3A_475 = arith.constant 672 : index
        %swap3A_476 = tpu.vector_load %arg9[%swap3A_474, %swap3A_475] {strides = array<i32>} : memref<32x1280xf32, #tpu.memory_space<vmem>>, vector<1x16xf32>,
        %swap3A_477 = vector.shape_cast %swap3A_476 : vector<1x16xf32> to vector<16xf32>
        %swap3A_478 = vector.shape_cast %get3A_473 : vector<16xf32> to vector<1x16xf32>
        tpu.vector_store %arg9[%swap3A_474, %swap3A_475], %swap3A_478 {add = true, strides = array<i32>} : memref<32x1280xf32, #tpu.memory_space<vmem>>, vector<1x16xf32>,
        %get3A_479 = arith.index_cast %add3A_93 : i32 to index
        %get3A_480 = arith.constant 688 : index
        %get3A_481 = tpu.vector_load %arg7[%get3A_479, %get3A_480] {strides = array<i32>} : memref<32x1280xf32, #tpu.memory_space<vmem>>, vector<1x16xf32>,
        %get3A_482 = vector.shape_cast %get3A_481 : vector<1x16xf32> to vector<16xf32>
        %swap3A_483 = arith.index_cast %add3A_93 : i32 to index
        %swap3A_484 = arith.constant 688 : index
        %swap3A_485 = tpu.vector_load %arg9[%swap3A_483, %swap3A_484] {strides = array<i32>} : memref<32x1280xf32, #tpu.memory_space<vmem>>, vector<1x16xf32>,
        %swap3A_486 = vector.shape_cast %swap3A_485 : vector<1x16xf32> to vector<16xf32>
        %swap3A_487 = vector.shape_cast %get3A_482 : vector<16xf32> to vector<1x16xf32>
        tpu.vector_store %arg9[%swap3A_483, %swap3A_484], %swap3A_487 {add = true, strides = array<i32>} : memref<32x1280xf32, #tpu.memory_space<vmem>>, vector<1x16xf32>,
        %get3A_488 = arith.index_cast %add3A_93 : i32 to index
        %get3A_489 = arith.constant 704 : index
        %get3A_490 = tpu.vector_load %arg7[%get3A_488, %get3A_489] {strides = array<i32>} : memref<32x1280xf32, #tpu.memory_space<vmem>>, vector<1x16xf32>,
        %get3A_491 = vector.shape_cast %get3A_490 : vector<1x16xf32> to vector<16xf32>
        %swap3A_492 = arith.index_cast %add3A_93 : i32 to index
        %swap3A_493 = arith.constant 704 : index
        %swap3A_494 = tpu.vector_load %arg9[%swap3A_492, %swap3A_493] {strides = array<i32>} : memref<32x1280xf32, #tpu.memory_space<vmem>>, vector<1x16xf32>,
        %swap3A_495 = vector.shape_cast %swap3A_494 : vector<1x16xf32> to vector<16xf32>
        %swap3A_496 = vector.shape_cast %get3A_491 : vector<16xf32> to vector<1x16xf32>
        tpu.vector_store %arg9[%swap3A_492, %swap3A_493], %swap3A_496 {add = true, strides = array<i32>} : memref<32x1280xf32, #tpu.memory_space<vmem>>, vector<1x16xf32>,
        %get3A_497 = arith.index_cast %add3A_93 : i32 to index
        %get3A_498 = arith.constant 720 : index
        %get3A_499 = tpu.vector_load %arg7[%get3A_497, %get3A_498] {strides = array<i32>} : memref<32x1280xf32, #tpu.memory_space<vmem>>, vector<1x16xf32>,
        %get3A_500 = vector.shape_cast %get3A_499 : vector<1x16xf32> to vector<16xf32>
        %swap3A_501 = arith.index_cast %add3A_93 : i32 to index
        %swap3A_502 = arith.constant 720 : index
        %swap3A_503 = tpu.vector_load %arg9[%swap3A_501, %swap3A_502] {strides = array<i32>} : memref<32x1280xf32, #tpu.memory_space<vmem>>, vector<1x16xf32>,
        %swap3A_504 = vector.shape_cast %swap3A_503 : vector<1x16xf32> to vector<16xf32>
        %swap3A_505 = vector.shape_cast %get3A_500 : vector<16xf32> to vector<1x16xf32>
        tpu.vector_store %arg9[%swap3A_501, %swap3A_502], %swap3A_505 {add = true, strides = array<i32>} : memref<32x1280xf32, #tpu.memory_space<vmem>>, vector<1x16xf32>,
        %get3A_506 = arith.index_cast %add3A_93 : i32 to index
        %get3A_507 = arith.constant 736 : index
        %get3A_508 = tpu.vector_load %arg7[%get3A_506, %get3A_507] {strides = array<i32>} : memref<32x1280xf32, #tpu.memory_space<vmem>>, vector<1x16xf32>,
        %get3A_509 = vector.shape_cast %get3A_508 : vector<1x16xf32> to vector<16xf32>
        %swap3A_510 = arith.index_cast %add3A_93 : i32 to index
        %swap3A_511 = arith.constant 736 : index
        %swap3A_512 = tpu.vector_load %arg9[%swap3A_510, %swap3A_511] {strides = array<i32>} : memref<32x1280xf32, #tpu.memory_space<vmem>>, vector<1x16xf32>,
        %swap3A_513 = vector.shape_cast %swap3A_512 : vector<1x16xf32> to vector<16xf32>
        %swap3A_514 = vector.shape_cast %get3A_509 : vector<16xf32> to vector<1x16xf32>
        tpu.vector_store %arg9[%swap3A_510, %swap3A_511], %swap3A_514 {add = true, strides = array<i32>} : memref<32x1280xf32, #tpu.memory_space<vmem>>, vector<1x16xf32>,
        %get3A_515 = arith.index_cast %add3A_93 : i32 to index
        %get3A_516 = arith.constant 752 : index
        %get3A_517 = tpu.vector_load %arg7[%get3A_515, %get3A_516] {strides = array<i32>} : memref<32x1280xf32, #tpu.memory_space<vmem>>, vector<1x16xf32>,
        %get3A_518 = vector.shape_cast %get3A_517 : vector<1x16xf32> to vector<16xf32>
        %swap3A_519 = arith.index_cast %add3A_93 : i32 to index
        %swap3A_520 = arith.constant 752 : index
        %swap3A_521 = tpu.vector_load %arg9[%swap3A_519, %swap3A_520] {strides = array<i32>} : memref<32x1280xf32, #tpu.memory_space<vmem>>, vector<1x16xf32>,
        %swap3A_522 = vector.shape_cast %swap3A_521 : vector<1x16xf32> to vector<16xf32>
        %swap3A_523 = vector.shape_cast %get3A_518 : vector<16xf32> to vector<1x16xf32>
        tpu.vector_store %arg9[%swap3A_519, %swap3A_520], %swap3A_523 {add = true, strides = array<i32>} : memref<32x1280xf32, #tpu.memory_space<vmem>>, vector<1x16xf32>,
        %get3A_524 = arith.index_cast %add3A_93 : i32 to index
        %get3A_525 = arith.constant 768 : index
        %get3A_526 = tpu.vector_load %arg7[%get3A_524, %get3A_525] {strides = array<i32>} : memref<32x1280xf32, #tpu.memory_space<vmem>>, vector<1x16xf32>,
        %get3A_527 = vector.shape_cast %get3A_526 : vector<1x16xf32> to vector<16xf32>
        %swap3A_528 = arith.index_cast %add3A_93 : i32 to index
        %swap3A_529 = arith.constant 768 : index
        %swap3A_530 = tpu.vector_load %arg9[%swap3A_528, %swap3A_529] {strides = array<i32>} : memref<32x1280xf32, #tpu.memory_space<vmem>>, vector<1x16xf32>,
        %swap3A_531 = vector.shape_cast %swap3A_530 : vector<1x16xf32> to vector<16xf32>
        %swap3A_532 = vector.shape_cast %get3A_527 : vector<16xf32> to vector<1x16xf32>
        tpu.vector_store %arg9[%swap3A_528, %swap3A_529], %swap3A_532 {add = true, strides = array<i32>} : memref<32x1280xf32, #tpu.memory_space<vmem>>, vector<1x16xf32>,
        %get3A_533 = arith.index_cast %add3A_93 : i32 to index
        %get3A_534 = arith.constant 784 : index
        %get3A_535 = tpu.vector_load %arg7[%get3A_533, %get3A_534] {strides = array<i32>} : memref<32x1280xf32, #tpu.memory_space<vmem>>, vector<1x16xf32>,
        %get3A_536 = vector.shape_cast %get3A_535 : vector<1x16xf32> to vector<16xf32>
        %swap3A_537 = arith.index_cast %add3A_93 : i32 to index
        %swap3A_538 = arith.constant 784 : index
        %swap3A_539 = tpu.vector_load %arg9[%swap3A_537, %swap3A_538] {strides = array<i32>} : memref<32x1280xf32, #tpu.memory_space<vmem>>, vector<1x16xf32>,
        %swap3A_540 = vector.shape_cast %swap3A_539 : vector<1x16xf32> to vector<16xf32>
        %swap3A_541 = vector.shape_cast %get3A_536 : vector<16xf32> to vector<1x16xf32>
        tpu.vector_store %arg9[%swap3A_537, %swap3A_538], %swap3A_541 {add = true, strides = array<i32>} : memref<32x1280xf32, #tpu.memory_space<vmem>>, vector<1x16xf32>,
        %get3A_542 = arith.index_cast %add3A_93 : i32 to index
        %get3A_543 = arith.constant 800 : index
        %get3A_544 = tpu.vector_load %arg7[%get3A_542, %get3A_543] {strides = array<i32>} : memref<32x1280xf32, #tpu.memory_space<vmem>>, vector<1x16xf32>,
        %get3A_545 = vector.shape_cast %get3A_544 : vector<1x16xf32> to vector<16xf32>
        %swap3A_546 = arith.index_cast %add3A_93 : i32 to index
        %swap3A_547 = arith.constant 800 : index
        %swap3A_548 = tpu.vector_load %arg9[%swap3A_546, %swap3A_547] {strides = array<i32>} : memref<32x1280xf32, #tpu.memory_space<vmem>>, vector<1x16xf32>,
        %swap3A_549 = vector.shape_cast %swap3A_548 : vector<1x16xf32> to vector<16xf32>
        %swap3A_550 = vector.shape_cast %get3A_545 : vector<16xf32> to vector<1x16xf32>
        tpu.vector_store %arg9[%swap3A_546, %swap3A_547], %swap3A_550 {add = true, strides = array<i32>} : memref<32x1280xf32, #tpu.memory_space<vmem>>, vector<1x16xf32>,
        %get3A_551 = arith.index_cast %add3A_93 : i32 to index
        %get3A_552 = arith.constant 816 : index
        %get3A_553 = tpu.vector_load %arg7[%get3A_551, %get3A_552] {strides = array<i32>} : memref<32x1280xf32, #tpu.memory_space<vmem>>, vector<1x16xf32>,
        %get3A_554 = vector.shape_cast %get3A_553 : vector<1x16xf32> to vector<16xf32>
        %swap3A_555 = arith.index_cast %add3A_93 : i32 to index
        %swap3A_556 = arith.constant 816 : index
        %swap3A_557 = tpu.vector_load %arg9[%swap3A_555, %swap3A_556] {strides = array<i32>} : memref<32x1280xf32, #tpu.memory_space<vmem>>, vector<1x16xf32>,
        %swap3A_558 = vector.shape_cast %swap3A_557 : vector<1x16xf32> to vector<16xf32>
        %swap3A_559 = vector.shape_cast %get3A_554 : vector<16xf32> to vector<1x16xf32>
        tpu.vector_store %arg9[%swap3A_555, %swap3A_556], %swap3A_559 {add = true, strides = array<i32>} : memref<32x1280xf32, #tpu.memory_space<vmem>>, vector<1x16xf32>,
        %get3A_560 = arith.index_cast %add3A_93 : i32 to index
        %get3A_561 = arith.constant 832 : index
        %get3A_562 = tpu.vector_load %arg7[%get3A_560, %get3A_561] {strides = array<i32>} : memref<32x1280xf32, #tpu.memory_space<vmem>>, vector<1x16xf32>,
        %get3A_563 = vector.shape_cast %get3A_562 : vector<1x16xf32> to vector<16xf32>
        %swap3A_564 = arith.index_cast %add3A_93 : i32 to index
        %swap3A_565 = arith.constant 832 : index
        %swap3A_566 = tpu.vector_load %arg9[%swap3A_564, %swap3A_565] {strides = array<i32>} : memref<32x1280xf32, #tpu.memory_space<vmem>>, vector<1x16xf32>,
        %swap3A_567 = vector.shape_cast %swap3A_566 : vector<1x16xf32> to vector<16xf32>
        %swap3A_568 = vector.shape_cast %get3A_563 : vector<16xf32> to vector<1x16xf32>
        tpu.vector_store %arg9[%swap3A_564, %swap3A_565], %swap3A_568 {add = true, strides = array<i32>} : memref<32x1280xf32, #tpu.memory_space<vmem>>, vector<1x16xf32>,
        %get3A_569 = arith.index_cast %add3A_93 : i32 to index
        %get3A_570 = arith.constant 848 : index
        %get3A_571 = tpu.vector_load %arg7[%get3A_569, %get3A_570] {strides = array<i32>} : memref<32x1280xf32, #tpu.memory_space<vmem>>, vector<1x16xf32>,
        %get3A_572 = vector.shape_cast %get3A_571 : vector<1x16xf32> to vector<16xf32>
        %swap3A_573 = arith.index_cast %add3A_93 : i32 to index
        %swap3A_574 = arith.constant 848 : index
        %swap3A_575 = tpu.vector_load %arg9[%swap3A_573, %swap3A_574] {strides = array<i32>} : memref<32x1280xf32, #tpu.memory_space<vmem>>, vector<1x16xf32>,
        %swap3A_576 = vector.shape_cast %swap3A_575 : vector<1x16xf32> to vector<16xf32>
        %swap3A_577 = vector.shape_cast %get3A_572 : vector<16xf32> to vector<1x16xf32>
        tpu.vector_store %arg9[%swap3A_573, %swap3A_574], %swap3A_577 {add = true, strides = array<i32>} : memref<32x1280xf32, #tpu.memory_space<vmem>>, vector<1x16xf32>,
        %get3A_578 = arith.index_cast %add3A_93 : i32 to index
        %get3A_579 = arith.constant 864 : index
        %get3A_580 = tpu.vector_load %arg7[%get3A_578, %get3A_579] {strides = array<i32>} : memref<32x1280xf32, #tpu.memory_space<vmem>>, vector<1x16xf32>,
        %get3A_581 = vector.shape_cast %get3A_580 : vector<1x16xf32> to vector<16xf32>
        %swap3A_582 = arith.index_cast %add3A_93 : i32 to index
        %swap3A_583 = arith.constant 864 : index
        %swap3A_584 = tpu.vector_load %arg9[%swap3A_582, %swap3A_583] {strides = array<i32>} : memref<32x1280xf32, #tpu.memory_space<vmem>>, vector<1x16xf32>,
        %swap3A_585 = vector.shape_cast %swap3A_584 : vector<1x16xf32> to vector<16xf32>
        %swap3A_586 = vector.shape_cast %get3A_581 : vector<16xf32> to vector<1x16xf32>
        tpu.vector_store %arg9[%swap3A_582, %swap3A_583], %swap3A_586 {add = true, strides = array<i32>} : memref<32x1280xf32, #tpu.memory_space<vmem>>, vector<1x16xf32>,
        %get3A_587 = arith.index_cast %add3A_93 : i32 to index
        %get3A_588 = arith.constant 880 : index
        %get3A_589 = tpu.vector_load %arg7[%get3A_587, %get3A_588] {strides = array<i32>} : memref<32x1280xf32, #tpu.memory_space<vmem>>, vector<1x16xf32>,
        %get3A_590 = vector.shape_cast %get3A_589 : vector<1x16xf32> to vector<16xf32>
        %swap3A_591 = arith.index_cast %add3A_93 : i32 to index
        %swap3A_592 = arith.constant 880 : index
        %swap3A_593 = tpu.vector_load %arg9[%swap3A_591, %swap3A_592] {strides = array<i32>} : memref<32x1280xf32, #tpu.memory_space<vmem>>, vector<1x16xf32>,
        %swap3A_594 = vector.shape_cast %swap3A_593 : vector<1x16xf32> to vector<16xf32>
        %swap3A_595 = vector.shape_cast %get3A_590 : vector<16xf32> to vector<1x16xf32>
        tpu.vector_store %arg9[%swap3A_591, %swap3A_592], %swap3A_595 {add = true, strides = array<i32>} : memref<32x1280xf32, #tpu.memory_space<vmem>>, vector<1x16xf32>,
        %get3A_596 = arith.index_cast %add3A_93 : i32 to index
        %get3A_597 = arith.constant 896 : index
        %get3A_598 = tpu.vector_load %arg7[%get3A_596, %get3A_597] {strides = array<i32>} : memref<32x1280xf32, #tpu.memory_space<vmem>>, vector<1x16xf32>,
        %get3A_599 = vector.shape_cast %get3A_598 : vector<1x16xf32> to vector<16xf32>
        %swap3A_600 = arith.index_cast %add3A_93 : i32 to index
        %swap3A_601 = arith.constant 896 : index
        %swap3A_602 = tpu.vector_load %arg9[%swap3A_600, %swap3A_601] {strides = array<i32>} : memref<32x1280xf32, #tpu.memory_space<vmem>>, vector<1x16xf32>,
        %swap3A_603 = vector.shape_cast %swap3A_602 : vector<1x16xf32> to vector<16xf32>
        %swap3A_604 = vector.shape_cast %get3A_599 : vector<16xf32> to vector<1x16xf32>
        tpu.vector_store %arg9[%swap3A_600, %swap3A_601], %swap3A_604 {add = true, strides = array<i32>} : memref<32x1280xf32, #tpu.memory_space<vmem>>, vector<1x16xf32>,
        %get3A_605 = arith.index_cast %add3A_93 : i32 to index
        %get3A_606 = arith.constant 912 : index
        %get3A_607 = tpu.vector_load %arg7[%get3A_605, %get3A_606] {strides = array<i32>} : memref<32x1280xf32, #tpu.memory_space<vmem>>, vector<1x16xf32>,
        %get3A_608 = vector.shape_cast %get3A_607 : vector<1x16xf32> to vector<16xf32>
        %swap3A_609 = arith.index_cast %add3A_93 : i32 to index
        %swap3A_610 = arith.constant 912 : index
        %swap3A_611 = tpu.vector_load %arg9[%swap3A_609, %swap3A_610] {strides = array<i32>} : memref<32x1280xf32, #tpu.memory_space<vmem>>, vector<1x16xf32>,
        %swap3A_612 = vector.shape_cast %swap3A_611 : vector<1x16xf32> to vector<16xf32>
        %swap3A_613 = vector.shape_cast %get3A_608 : vector<16xf32> to vector<1x16xf32>
        tpu.vector_store %arg9[%swap3A_609, %swap3A_610], %swap3A_613 {add = true, strides = array<i32>} : memref<32x1280xf32, #tpu.memory_space<vmem>>, vector<1x16xf32>,
        %get3A_614 = arith.index_cast %add3A_93 : i32 to index
        %get3A_615 = arith.constant 928 : index
        %get3A_616 = tpu.vector_load %arg7[%get3A_614, %get3A_615] {strides = array<i32>} : memref<32x1280xf32, #tpu.memory_space<vmem>>, vector<1x16xf32>,
        %get3A_617 = vector.shape_cast %get3A_616 : vector<1x16xf32> to vector<16xf32>
        %swap3A_618 = arith.index_cast %add3A_93 : i32 to index
        %swap3A_619 = arith.constant 928 : index
        %swap3A_620 = tpu.vector_load %arg9[%swap3A_618, %swap3A_619] {strides = array<i32>} : memref<32x1280xf32, #tpu.memory_space<vmem>>, vector<1x16xf32>,
        %swap3A_621 = vector.shape_cast %swap3A_620 : vector<1x16xf32> to vector<16xf32>
        %swap3A_622 = vector.shape_cast %get3A_617 : vector<16xf32> to vector<1x16xf32>
        tpu.vector_store %arg9[%swap3A_618, %swap3A_619], %swap3A_622 {add = true, strides = array<i32>} : memref<32x1280xf32, #tpu.memory_space<vmem>>, vector<1x16xf32>,
        %get3A_623 = arith.index_cast %add3A_93 : i32 to index
        %get3A_624 = arith.constant 944 : index
        %get3A_625 = tpu.vector_load %arg7[%get3A_623, %get3A_624] {strides = array<i32>} : memref<32x1280xf32, #tpu.memory_space<vmem>>, vector<1x16xf32>,
        %get3A_626 = vector.shape_cast %get3A_625 : vector<1x16xf32> to vector<16xf32>
        %swap3A_627 = arith.index_cast %add3A_93 : i32 to index
        %swap3A_628 = arith.constant 944 : index
        %swap3A_629 = tpu.vector_load %arg9[%swap3A_627, %swap3A_628] {strides = array<i32>} : memref<32x1280xf32, #tpu.memory_space<vmem>>, vector<1x16xf32>,
        %swap3A_630 = vector.shape_cast %swap3A_629 : vector<1x16xf32> to vector<16xf32>
        %swap3A_631 = vector.shape_cast %get3A_626 : vector<16xf32> to vector<1x16xf32>
        tpu.vector_store %arg9[%swap3A_627, %swap3A_628], %swap3A_631 {add = true, strides = array<i32>} : memref<32x1280xf32, #tpu.memory_space<vmem>>, vector<1x16xf32>,
        %get3A_632 = arith.index_cast %add3A_93 : i32 to index
        %get3A_633 = arith.constant 960 : index
        %get3A_634 = tpu.vector_load %arg7[%get3A_632, %get3A_633] {strides = array<i32>} : memref<32x1280xf32, #tpu.memory_space<vmem>>, vector<1x16xf32>,
        %get3A_635 = vector.shape_cast %get3A_634 : vector<1x16xf32> to vector<16xf32>
        %swap3A_636 = arith.index_cast %add3A_93 : i32 to index
        %swap3A_637 = arith.constant 960 : index
        %swap3A_638 = tpu.vector_load %arg9[%swap3A_636, %swap3A_637] {strides = array<i32>} : memref<32x1280xf32, #tpu.memory_space<vmem>>, vector<1x16xf32>,
        %swap3A_639 = vector.shape_cast %swap3A_638 : vector<1x16xf32> to vector<16xf32>
        %swap3A_640 = vector.shape_cast %get3A_635 : vector<16xf32> to vector<1x16xf32>
        tpu.vector_store %arg9[%swap3A_636, %swap3A_637], %swap3A_640 {add = true, strides = array<i32>} : memref<32x1280xf32, #tpu.memory_space<vmem>>, vector<1x16xf32>,
        %get3A_641 = arith.index_cast %add3A_93 : i32 to index
        %get3A_642 = arith.constant 976 : index
        %get3A_643 = tpu.vector_load %arg7[%get3A_641, %get3A_642] {strides = array<i32>} : memref<32x1280xf32, #tpu.memory_space<vmem>>, vector<1x16xf32>,
        %get3A_644 = vector.shape_cast %get3A_643 : vector<1x16xf32> to vector<16xf32>
        %swap3A_645 = arith.index_cast %add3A_93 : i32 to index
        %swap3A_646 = arith.constant 976 : index
        %swap3A_647 = tpu.vector_load %arg9[%swap3A_645, %swap3A_646] {strides = array<i32>} : memref<32x1280xf32, #tpu.memory_space<vmem>>, vector<1x16xf32>,
        %swap3A_648 = vector.shape_cast %swap3A_647 : vector<1x16xf32> to vector<16xf32>
        %swap3A_649 = vector.shape_cast %get3A_644 : vector<16xf32> to vector<1x16xf32>
        tpu.vector_store %arg9[%swap3A_645, %swap3A_646], %swap3A_649 {add = true, strides = array<i32>} : memref<32x1280xf32, #tpu.memory_space<vmem>>, vector<1x16xf32>,
        %get3A_650 = arith.index_cast %add3A_93 : i32 to index
        %get3A_651 = arith.constant 992 : index
        %get3A_652 = tpu.vector_load %arg7[%get3A_650, %get3A_651] {strides = array<i32>} : memref<32x1280xf32, #tpu.memory_space<vmem>>, vector<1x16xf32>,
        %get3A_653 = vector.shape_cast %get3A_652 : vector<1x16xf32> to vector<16xf32>
        %swap3A_654 = arith.index_cast %add3A_93 : i32 to index
        %swap3A_655 = arith.constant 992 : index
        %swap3A_656 = tpu.vector_load %arg9[%swap3A_654, %swap3A_655] {strides = array<i32>} : memref<32x1280xf32, #tpu.memory_space<vmem>>, vector<1x16xf32>,
        %swap3A_657 = vector.shape_cast %swap3A_656 : vector<1x16xf32> to vector<16xf32>
        %swap3A_658 = vector.shape_cast %get3A_653 : vector<16xf32> to vector<1x16xf32>
        tpu.vector_store %arg9[%swap3A_654, %swap3A_655], %swap3A_658 {add = true, strides = array<i32>} : memref<32x1280xf32, #tpu.memory_space<vmem>>, vector<1x16xf32>,
        %get3A_659 = arith.index_cast %add3A_93 : i32 to index
        %get3A_660 = arith.constant 1008 : index
        %get3A_661 = tpu.vector_load %arg7[%get3A_659, %get3A_660] {strides = array<i32>} : memref<32x1280xf32, #tpu.memory_space<vmem>>, vector<1x16xf32>,
        %get3A_662 = vector.shape_cast %get3A_661 : vector<1x16xf32> to vector<16xf32>
        %swap3A_663 = arith.index_cast %add3A_93 : i32 to index
        %swap3A_664 = arith.constant 1008 : index
        %swap3A_665 = tpu.vector_load %arg9[%swap3A_663, %swap3A_664] {strides = array<i32>} : memref<32x1280xf32, #tpu.memory_space<vmem>>, vector<1x16xf32>,
        %swap3A_666 = vector.shape_cast %swap3A_665 : vector<1x16xf32> to vector<16xf32>
        %swap3A_667 = vector.shape_cast %get3A_662 : vector<16xf32> to vector<1x16xf32>
        tpu.vector_store %arg9[%swap3A_663, %swap3A_664], %swap3A_667 {add = true, strides = array<i32>} : memref<32x1280xf32, #tpu.memory_space<vmem>>, vector<1x16xf32>,
        %get3A_668 = arith.index_cast %add3A_93 : i32 to index
        %get3A_669 = arith.constant 1024 : index
        %get3A_670 = tpu.vector_load %arg7[%get3A_668, %get3A_669] {strides = array<i32>} : memref<32x1280xf32, #tpu.memory_space<vmem>>, vector<1x16xf32>,
        %get3A_671 = vector.shape_cast %get3A_670 : vector<1x16xf32> to vector<16xf32>
        %swap3A_672 = arith.index_cast %add3A_93 : i32 to index
        %swap3A_673 = arith.constant 1024 : index
        %swap3A_674 = tpu.vector_load %arg9[%swap3A_672, %swap3A_673] {strides = array<i32>} : memref<32x1280xf32, #tpu.memory_space<vmem>>, vector<1x16xf32>,
        %swap3A_675 = vector.shape_cast %swap3A_674 : vector<1x16xf32> to vector<16xf32>
        %swap3A_676 = vector.shape_cast %get3A_671 : vector<16xf32> to vector<1x16xf32>
        tpu.vector_store %arg9[%swap3A_672, %swap3A_673], %swap3A_676 {add = true, strides = array<i32>} : memref<32x1280xf32, #tpu.memory_space<vmem>>, vector<1x16xf32>,
        %get3A_677 = arith.index_cast %add3A_93 : i32 to index
        %get3A_678 = arith.constant 1040 : index
        %get3A_679 = tpu.vector_load %arg7[%get3A_677, %get3A_678] {strides = array<i32>} : memref<32x1280xf32, #tpu.memory_space<vmem>>, vector<1x16xf32>,
        %get3A_680 = vector.shape_cast %get3A_679 : vector<1x16xf32> to vector<16xf32>
        %swap3A_681 = arith.index_cast %add3A_93 : i32 to index
        %swap3A_682 = arith.constant 1040 : index
        %swap3A_683 = tpu.vector_load %arg9[%swap3A_681, %swap3A_682] {strides = array<i32>} : memref<32x1280xf32, #tpu.memory_space<vmem>>, vector<1x16xf32>,
        %swap3A_684 = vector.shape_cast %swap3A_683 : vector<1x16xf32> to vector<16xf32>
        %swap3A_685 = vector.shape_cast %get3A_680 : vector<16xf32> to vector<1x16xf32>
        tpu.vector_store %arg9[%swap3A_681, %swap3A_682], %swap3A_685 {add = true, strides = array<i32>} : memref<32x1280xf32, #tpu.memory_space<vmem>>, vector<1x16xf32>,
        %get3A_686 = arith.index_cast %add3A_93 : i32 to index
        %get3A_687 = arith.constant 1056 : index
        %get3A_688 = tpu.vector_load %arg7[%get3A_686, %get3A_687] {strides = array<i32>} : memref<32x1280xf32, #tpu.memory_space<vmem>>, vector<1x16xf32>,
        %get3A_689 = vector.shape_cast %get3A_688 : vector<1x16xf32> to vector<16xf32>
        %swap3A_690 = arith.index_cast %add3A_93 : i32 to index
        %swap3A_691 = arith.constant 1056 : index
        %swap3A_692 = tpu.vector_load %arg9[%swap3A_690, %swap3A_691] {strides = array<i32>} : memref<32x1280xf32, #tpu.memory_space<vmem>>, vector<1x16xf32>,
        %swap3A_693 = vector.shape_cast %swap3A_692 : vector<1x16xf32> to vector<16xf32>
        %swap3A_694 = vector.shape_cast %get3A_689 : vector<16xf32> to vector<1x16xf32>
        tpu.vector_store %arg9[%swap3A_690, %swap3A_691], %swap3A_694 {add = true, strides = array<i32>} : memref<32x1280xf32, #tpu.memory_space<vmem>>, vector<1x16xf32>,
        %get3A_695 = arith.index_cast %add3A_93 : i32 to index
        %get3A_696 = arith.constant 1072 : index
        %get3A_697 = tpu.vector_load %arg7[%get3A_695, %get3A_696] {strides = array<i32>} : memref<32x1280xf32, #tpu.memory_space<vmem>>, vector<1x16xf32>,
        %get3A_698 = vector.shape_cast %get3A_697 : vector<1x16xf32> to vector<16xf32>
        %swap3A_699 = arith.index_cast %add3A_93 : i32 to index
        %swap3A_700 = arith.constant 1072 : index
        %swap3A_701 = tpu.vector_load %arg9[%swap3A_699, %swap3A_700] {strides = array<i32>} : memref<32x1280xf32, #tpu.memory_space<vmem>>, vector<1x16xf32>,
        %swap3A_702 = vector.shape_cast %swap3A_701 : vector<1x16xf32> to vector<16xf32>
        %swap3A_703 = vector.shape_cast %get3A_698 : vector<16xf32> to vector<1x16xf32>
        tpu.vector_store %arg9[%swap3A_699, %swap3A_700], %swap3A_703 {add = true, strides = array<i32>} : memref<32x1280xf32, #tpu.memory_space<vmem>>, vector<1x16xf32>,
        %get3A_704 = arith.index_cast %add3A_93 : i32 to index
        %get3A_705 = arith.constant 1088 : index
        %get3A_706 = tpu.vector_load %arg7[%get3A_704, %get3A_705] {strides = array<i32>} : memref<32x1280xf32, #tpu.memory_space<vmem>>, vector<1x16xf32>,
        %get3A_707 = vector.shape_cast %get3A_706 : vector<1x16xf32> to vector<16xf32>
        %swap3A_708 = arith.index_cast %add3A_93 : i32 to index
        %swap3A_709 = arith.constant 1088 : index
        %swap3A_710 = tpu.vector_load %arg9[%swap3A_708, %swap3A_709] {strides = array<i32>} : memref<32x1280xf32, #tpu.memory_space<vmem>>, vector<1x16xf32>,
        %swap3A_711 = vector.shape_cast %swap3A_710 : vector<1x16xf32> to vector<16xf32>
        %swap3A_712 = vector.shape_cast %get3A_707 : vector<16xf32> to vector<1x16xf32>
        tpu.vector_store %arg9[%swap3A_708, %swap3A_709], %swap3A_712 {add = true, strides = array<i32>} : memref<32x1280xf32, #tpu.memory_space<vmem>>, vector<1x16xf32>,
        %get3A_713 = arith.index_cast %add3A_93 : i32 to index
        %get3A_714 = arith.constant 1104 : index
        %get3A_715 = tpu.vector_load %arg7[%get3A_713, %get3A_714] {strides = array<i32>} : memref<32x1280xf32, #tpu.memory_space<vmem>>, vector<1x16xf32>,
        %get3A_716 = vector.shape_cast %get3A_715 : vector<1x16xf32> to vector<16xf32>
        %swap3A_717 = arith.index_cast %add3A_93 : i32 to index
        %swap3A_718 = arith.constant 1104 : index
        %swap3A_719 = tpu.vector_load %arg9[%swap3A_717, %swap3A_718] {strides = array<i32>} : memref<32x1280xf32, #tpu.memory_space<vmem>>, vector<1x16xf32>,
        %swap3A_720 = vector.shape_cast %swap3A_719 : vector<1x16xf32> to vector<16xf32>
        %swap3A_721 = vector.shape_cast %get3A_716 : vector<16xf32> to vector<1x16xf32>
        tpu.vector_store %arg9[%swap3A_717, %swap3A_718], %swap3A_721 {add = true, strides = array<i32>} : memref<32x1280xf32, #tpu.memory_space<vmem>>, vector<1x16xf32>,
        %get3A_722 = arith.index_cast %add3A_93 : i32 to index
        %get3A_723 = arith.constant 1120 : index
        %get3A_724 = tpu.vector_load %arg7[%get3A_722, %get3A_723] {strides = array<i32>} : memref<32x1280xf32, #tpu.memory_space<vmem>>, vector<1x16xf32>,
        %get3A_725 = vector.shape_cast %get3A_724 : vector<1x16xf32> to vector<16xf32>
        %swap3A_726 = arith.index_cast %add3A_93 : i32 to index
        %swap3A_727 = arith.constant 1120 : index
        %swap3A_728 = tpu.vector_load %arg9[%swap3A_726, %swap3A_727] {strides = array<i32>} : memref<32x1280xf32, #tpu.memory_space<vmem>>, vector<1x16xf32>,
        %swap3A_729 = vector.shape_cast %swap3A_728 : vector<1x16xf32> to vector<16xf32>
        %swap3A_730 = vector.shape_cast %get3A_725 : vector<16xf32> to vector<1x16xf32>
        tpu.vector_store %arg9[%swap3A_726, %swap3A_727], %swap3A_730 {add = true, strides = array<i32>} : memref<32x1280xf32, #tpu.memory_space<vmem>>, vector<1x16xf32>,
        %get3A_731 = arith.index_cast %add3A_93 : i32 to index
        %get3A_732 = arith.constant 1136 : index
        %get3A_733 = tpu.vector_load %arg7[%get3A_731, %get3A_732] {strides = array<i32>} : memref<32x1280xf32, #tpu.memory_space<vmem>>, vector<1x16xf32>,
        %get3A_734 = vector.shape_cast %get3A_733 : vector<1x16xf32> to vector<16xf32>
        %swap3A_735 = arith.index_cast %add3A_93 : i32 to index
        %swap3A_736 = arith.constant 1136 : index
        %swap3A_737 = tpu.vector_load %arg9[%swap3A_735, %swap3A_736] {strides = array<i32>} : memref<32x1280xf32, #tpu.memory_space<vmem>>, vector<1x16xf32>,
        %swap3A_738 = vector.shape_cast %swap3A_737 : vector<1x16xf32> to vector<16xf32>
        %swap3A_739 = vector.shape_cast %get3A_734 : vector<16xf32> to vector<1x16xf32>
        tpu.vector_store %arg9[%swap3A_735, %swap3A_736], %swap3A_739 {add = true, strides = array<i32>} : memref<32x1280xf32, #tpu.memory_space<vmem>>, vector<1x16xf32>,
        %get3A_740 = arith.index_cast %add3A_93 : i32 to index
        %get3A_741 = arith.constant 1152 : index
        %get3A_742 = tpu.vector_load %arg7[%get3A_740, %get3A_741] {strides = array<i32>} : memref<32x1280xf32, #tpu.memory_space<vmem>>, vector<1x16xf32>,
        %get3A_743 = vector.shape_cast %get3A_742 : vector<1x16xf32> to vector<16xf32>
        %swap3A_744 = arith.index_cast %add3A_93 : i32 to index
        %swap3A_745 = arith.constant 1152 : index
        %swap3A_746 = tpu.vector_load %arg9[%swap3A_744, %swap3A_745] {strides = array<i32>} : memref<32x1280xf32, #tpu.memory_space<vmem>>, vector<1x16xf32>,
        %swap3A_747 = vector.shape_cast %swap3A_746 : vector<1x16xf32> to vector<16xf32>
        %swap3A_748 = vector.shape_cast %get3A_743 : vector<16xf32> to vector<1x16xf32>
        tpu.vector_store %arg9[%swap3A_744, %swap3A_745], %swap3A_748 {add = true, strides = array<i32>} : memref<32x1280xf32, #tpu.memory_space<vmem>>, vector<1x16xf32>,
        %get3A_749 = arith.index_cast %add3A_93 : i32 to index
        %get3A_750 = arith.constant 1168 : index
        %get3A_751 = tpu.vector_load %arg7[%get3A_749, %get3A_750] {strides = array<i32>} : memref<32x1280xf32, #tpu.memory_space<vmem>>, vector<1x16xf32>,
        %get3A_752 = vector.shape_cast %get3A_751 : vector<1x16xf32> to vector<16xf32>
        %swap3A_753 = arith.index_cast %add3A_93 : i32 to index
        %swap3A_754 = arith.constant 1168 : index
        %swap3A_755 = tpu.vector_load %arg9[%swap3A_753, %swap3A_754] {strides = array<i32>} : memref<32x1280xf32, #tpu.memory_space<vmem>>, vector<1x16xf32>,
        %swap3A_756 = vector.shape_cast %swap3A_755 : vector<1x16xf32> to vector<16xf32>
        %swap3A_757 = vector.shape_cast %get3A_752 : vector<16xf32> to vector<1x16xf32>
        tpu.vector_store %arg9[%swap3A_753, %swap3A_754], %swap3A_757 {add = true, strides = array<i32>} : memref<32x1280xf32, #tpu.memory_space<vmem>>, vector<1x16xf32>,
        %get3A_758 = arith.index_cast %add3A_93 : i32 to index
        %get3A_759 = arith.constant 1184 : index
        %get3A_760 = tpu.vector_load %arg7[%get3A_758, %get3A_759] {strides = array<i32>} : memref<32x1280xf32, #tpu.memory_space<vmem>>, vector<1x16xf32>,
        %get3A_761 = vector.shape_cast %get3A_760 : vector<1x16xf32> to vector<16xf32>
        %swap3A_762 = arith.index_cast %add3A_93 : i32 to index
        %swap3A_763 = arith.constant 1184 : index
        %swap3A_764 = tpu.vector_load %arg9[%swap3A_762, %swap3A_763] {strides = array<i32>} : memref<32x1280xf32, #tpu.memory_space<vmem>>, vector<1x16xf32>,
        %swap3A_765 = vector.shape_cast %swap3A_764 : vector<1x16xf32> to vector<16xf32>
        %swap3A_766 = vector.shape_cast %get3A_761 : vector<16xf32> to vector<1x16xf32>
        tpu.vector_store %arg9[%swap3A_762, %swap3A_763], %swap3A_766 {add = true, strides = array<i32>} : memref<32x1280xf32, #tpu.memory_space<vmem>>, vector<1x16xf32>,
        %get3A_767 = arith.index_cast %add3A_93 : i32 to index
        %get3A_768 = arith.constant 1200 : index
        %get3A_769 = tpu.vector_load %arg7[%get3A_767, %get3A_768] {strides = array<i32>} : memref<32x1280xf32, #tpu.memory_space<vmem>>, vector<1x16xf32>,
        %get3A_770 = vector.shape_cast %get3A_769 : vector<1x16xf32> to vector<16xf32>
        %swap3A_771 = arith.index_cast %add3A_93 : i32 to index
        %swap3A_772 = arith.constant 1200 : index
        %swap3A_773 = tpu.vector_load %arg9[%swap3A_771, %swap3A_772] {strides = array<i32>} : memref<32x1280xf32, #tpu.memory_space<vmem>>, vector<1x16xf32>,
        %swap3A_774 = vector.shape_cast %swap3A_773 : vector<1x16xf32> to vector<16xf32>
        %swap3A_775 = vector.shape_cast %get3A_770 : vector<16xf32> to vector<1x16xf32>
        tpu.vector_store %arg9[%swap3A_771, %swap3A_772], %swap3A_775 {add = true, strides = array<i32>} : memref<32x1280xf32, #tpu.memory_space<vmem>>, vector<1x16xf32>,
        %get3A_776 = arith.index_cast %add3A_93 : i32 to index
        %get3A_777 = arith.constant 1216 : index
        %get3A_778 = tpu.vector_load %arg7[%get3A_776, %get3A_777] {strides = array<i32>} : memref<32x1280xf32, #tpu.memory_space<vmem>>, vector<1x16xf32>,
        %get3A_779 = vector.shape_cast %get3A_778 : vector<1x16xf32> to vector<16xf32>
        %swap3A_780 = arith.index_cast %add3A_93 : i32 to index
        %swap3A_781 = arith.constant 1216 : index
        %swap3A_782 = tpu.vector_load %arg9[%swap3A_780, %swap3A_781] {strides = array<i32>} : memref<32x1280xf32, #tpu.memory_space<vmem>>, vector<1x16xf32>,
        %swap3A_783 = vector.shape_cast %swap3A_782 : vector<1x16xf32> to vector<16xf32>
        %swap3A_784 = vector.shape_cast %get3A_779 : vector<16xf32> to vector<1x16xf32>
        tpu.vector_store %arg9[%swap3A_780, %swap3A_781], %swap3A_784 {add = true, strides = array<i32>} : memref<32x1280xf32, #tpu.memory_space<vmem>>, vector<1x16xf32>,
        %get3A_785 = arith.index_cast %add3A_93 : i32 to index
        %get3A_786 = arith.constant 1232 : index
        %get3A_787 = tpu.vector_load %arg7[%get3A_785, %get3A_786] {strides = array<i32>} : memref<32x1280xf32, #tpu.memory_space<vmem>>, vector<1x16xf32>,
        %get3A_788 = vector.shape_cast %get3A_787 : vector<1x16xf32> to vector<16xf32>
        %swap3A_789 = arith.index_cast %add3A_93 : i32 to index
        %swap3A_790 = arith.constant 1232 : index
        %swap3A_791 = tpu.vector_load %arg9[%swap3A_789, %swap3A_790] {strides = array<i32>} : memref<32x1280xf32, #tpu.memory_space<vmem>>, vector<1x16xf32>,
        %swap3A_792 = vector.shape_cast %swap3A_791 : vector<1x16xf32> to vector<16xf32>
        %swap3A_793 = vector.shape_cast %get3A_788 : vector<16xf32> to vector<1x16xf32>
        tpu.vector_store %arg9[%swap3A_789, %swap3A_790], %swap3A_793 {add = true, strides = array<i32>} : memref<32x1280xf32, #tpu.memory_space<vmem>>, vector<1x16xf32>,
        %get3A_794 = arith.index_cast %add3A_93 : i32 to index
        %get3A_795 = arith.constant 1248 : index
        %get3A_796 = tpu.vector_load %arg7[%get3A_794, %get3A_795] {strides = array<i32>} : memref<32x1280xf32, #tpu.memory_space<vmem>>, vector<1x16xf32>,
        %get3A_797 = vector.shape_cast %get3A_796 : vector<1x16xf32> to vector<16xf32>
        %swap3A_798 = arith.index_cast %add3A_93 : i32 to index
        %swap3A_799 = arith.constant 1248 : index
        %swap3A_800 = tpu.vector_load %arg9[%swap3A_798, %swap3A_799] {strides = array<i32>} : memref<32x1280xf32, #tpu.memory_space<vmem>>, vector<1x16xf32>,
        %swap3A_801 = vector.shape_cast %swap3A_800 : vector<1x16xf32> to vector<16xf32>
        %swap3A_802 = vector.shape_cast %get3A_797 : vector<16xf32> to vector<1x16xf32>
        tpu.vector_store %arg9[%swap3A_798, %swap3A_799], %swap3A_802 {add = true, strides = array<i32>} : memref<32x1280xf32, #tpu.memory_space<vmem>>, vector<1x16xf32>,
        %get3A_803 = arith.index_cast %add3A_93 : i32 to index
        %get3A_804 = arith.constant 1264 : index
        %get3A_805 = tpu.vector_load %arg7[%get3A_803, %get3A_804] {strides = array<i32>} : memref<32x1280xf32, #tpu.memory_space<vmem>>, vector<1x16xf32>,
        %get3A_806 = vector.shape_cast %get3A_805 : vector<1x16xf32> to vector<16xf32>
        %swap3A_807 = arith.index_cast %add3A_93 : i32 to index
        %swap3A_808 = arith.constant 1264 : index
        %swap3A_809 = tpu.vector_load %arg9[%swap3A_807, %swap3A_808] {strides = array<i32>} : memref<32x1280xf32, #tpu.memory_space<vmem>>, vector<1x16xf32>,
        %swap3A_810 = vector.shape_cast %swap3A_809 : vector<1x16xf32> to vector<16xf32>
        %swap3A_811 = vector.shape_cast %get3A_806 : vector<16xf32> to vector<1x16xf32>
        tpu.vector_store %arg9[%swap3A_807, %swap3A_808], %swap3A_811 {add = true, strides = array<i32>} : memref<32x1280xf32, #tpu.memory_space<vmem>>, vector<1x16xf32>,
      }
      %scan3A_81 = arith.constant 32 : i32
      %mul3A_82 = arith.constant 1024 : i32
      %mul3A_83 = arith.muli %add3A_66, %mul3A_82 : i32
      %add3A_84 = arith.addi %mul3A_83, %mul3A_2 : i32
      %dma_start3A_85 = arith.constant 0 : i32
      %dma_start3A_86 = tpu.memref_slice %arg5[%add3A_84, %dma_start3A_85] : memref<32768x1280xf32, #tpu.memory_space<hbm>> -> memref<32x1280xf32, #tpu.memory_space<hbm>>
      %dma_start3A_87 = arith.constant 0 : i32
      %dma_start3A_88 = tpu.memref_slice %arg5[%add3A_84, %dma_start3A_87] : memref<32768x1280xf32, #tpu.memory_space<hbm>> -> memref<32x1280xf32, #tpu.memory_space<hbm>>
      tpu.enqueue_dma source(%arg9 : memref<32x1280xf32, #tpu.memory_space<vmem>>) target(%dma_start3A_88 : memref<32x1280xf32, #tpu.memory_space<hbm>>) target_semaphore(%arg13 : memref<!tpu.dma_semaphore, #tpu.memory_space<semaphore_mem>>)
    }
    %scan3A_14 = arith.constant 16 : i32
    %add3A_15 = arith.constant 30720 : i32
    %add3A_16 = arith.addi %add3A_15, %mul3A_2 : i32
    %dma_wait3A = arith.constant 0 : i32
    %dma_wait3A_17 = tpu.memref_slice %arg5[%add3A_16, %dma_wait3A] : memref<32768x1280xf32, #tpu.memory_space<hbm>> -> memref<32x1280xf32, #tpu.memory_space<hbm>>
    %dma_wait3A_18 = arith.constant 0 : i32
    %dma_wait3A_19 = tpu.memref_slice %arg5[%add3A_16, %dma_wait3A_18] : memref<32768x1280xf32, #tpu.memory_space<hbm>> -> memref<32x1280xf32, #tpu.memory_space<hbm>>
    tpu.wait_dma2 semaphore(%arg12 : memref<!tpu.dma_semaphore, #tpu.memory_space<semaphore_mem>>) src(%arg8 : memref<32x1280xf32, #tpu.memory_space<vmem>>) dst(%dma_wait3A_19 : memref<32x1280xf32, #tpu.memory_space<hbm>>)
    %add3A_20 = arith.constant 31744 : i32
    %add3A_21 = arith.addi %add3A_20, %mul3A_2 : i32
    %dma_wait3A_22 = arith.constant 0 : i32
    %dma_wait3A_23 = tpu.memref_slice %arg5[%add3A_21, %dma_wait3A_22] : memref<32768x1280xf32, #tpu.memory_space<hbm>> -> memref<32x1280xf32, #tpu.memory_space<hbm>>
    %dma_wait3A_24 = arith.constant 0 : i32
    %dma_wait3A_25 = tpu.memref_slice %arg5[%add3A_21, %dma_wait3A_24] : memref<32768x1280xf32, #tpu.memory_space<hbm>> -> memref<32x1280xf32, #tpu.memory_space<hbm>>
    tpu.wait_dma2 semaphore(%arg13 : memref<!tpu.dma_semaphore, #tpu.memory_space<semaphore_mem>>) src(%arg9 : memref<32x1280xf32, #tpu.memory_space<vmem>>) dst(%dma_wait3A_25 : memref<32x1280xf32, #tpu.memory_space<hbm>>)
    return
  }
}

</mosaic_0001>

<sc_bundles>
// kernel: kernel.3.cloned.1.call-start
scs
__scs_entry_jumppad:
0x0: {  	(pc) =	sbr.rel $0x88, $3  }
0x1: {  	(tag) =	ssettag $0x0;
	lr =	simm.s32 $0x1  }
0x2: {  	[smem:$0x3F9E] =	sst lr;
	_ =	strace $0xD0000000  }
0x3: {  	_ = 	snop  }
0x4: {  	_ = 	snop  }
0x5: {  	_ = 	snop  }
0x6: {  	_ = 	snop  }
0x7: {  	_ = 	snop  }
__scs_overlays_trampoline_lowered:
0x8: {  	[smem:$0x3FAD] =	sst s0  }
0x9: {  	[smem:$0x3FAE] =	sst s1  }
0xa: {  	[smem:$0x3FAF] =	sst s2  }
0xb: {  	[smem:$0x3FB0] =	sst s3  }
0xc: {  	[smem:$0x3FB1] =	sst s4  }
0xd: {  	[smem:$0x3FB2] =	sst s5  }
0xe: {  	[smem:$0x3FB3] =	sst s6  }
0xf: {  	[smem:$0x3FB4] =	sst s7  }
0x10: {  	[smem:$0x3FB5] =	sst s8  }
0x11: {  	[smem:$0x3FB6] =	sst s9;
	s0 =	simm.s32 @!p0 $0x0  }
0x12: {  	s1 =	sld [smem:$0x3F9C];
	s0 =	simm.s32 @p0 $0x1  }
0x13: {  	[smem:$0x3FB7] =	sst s0;
	s0 =	simm.s32 @!p1 $0x0  }
0x14: {  	s2 =	sld [smem:$0x3F9B];
	s0 =	simm.s32 @p1 $0x1  }
0x15: {  	[smem:$0x3FB8] =	sst s0;
	s0 =	simm.s32 @!p2 $0x0  }
0x16: {  	s3 =	sld [smem:$0x3FDB];
	s0 =	simm.s32 @p2 $0x1  }
0x17: {  	s4 =	simm.s32 $0x1BF5;
	[smem:$0x3FBA] =	sst s0  }
0x18: {  	s0 =	sld [smem:$0x3F9D];
	_ =	swait.ge [sflag:s4], $0x0  }
0x19: {  	s7 =	sld [smem:$0x3F9E]  }
0x1a: {  	s8 =	sadd.s32 $0xFFFFE003, lr  }
0x1b: {  	s9 =	sadd.s32 $0xFFFFFEF7, lr;
	s5 =	simm.s32 $0xFFFFFFFF;
	p2 =	slt.u32 s8, $0xFFFFF086  }
0x1c: {  	p1 =	slt.u32 s9, $0xF7A;
	s5 =	simm.s32 @!p2 $0x0  }
0x1d: {  	s5 =	simm.s32 @p1 $0x1;
	p0 =	seq.s32 s7, s2  }
0x1e: {  	s7 =	smul.u32 @!p0 $0xF7A, s2;
	p2 =	seq.s32 @!p0 s5, $0x0  }
0x1f: {  	s9 =	smul.u32 $0xF7A, s1;
	s8 =	simm.s32 @!p0 $0x1BF5;
	p2 =	por !p2, p0  }
0x20: {  	[sflag:s8] =	ssyncset.s32 @!p0 $0xFFFFF086;
	s6 =	sadd.s32 @!p0 s3, s7;
	s7 =	simm.s32 @!p0 $0x108  }
0x21: {  	s3 =	sadd.s32 s3, s9;
	s6 =	sadd.s32 @!p0 $0x88, s6;
	s7 =	simm.s32 @p2 $0x1082  }
0x22: {  	[simem:s7], [sflag:s8] =	dma.local @!p0 [hbm:s6], $0xF7A  }
0x23: {  	s9 =	sor.u32 $0xD0000000, s2;
	s6 =	simm.s32 $0x108;
	_ =	swait.ge @!p0 [sflag:s8], $0x0  }
0x24: {  	s3 =	sadd.s32 $0x88, s3;
	s6 =	simm.s32 @!p1 $0x1082;
	[sflag:s4] =	ssyncset.s32 $0xFFFFF086  }
0x25: {  	[simem:s6], [sflag:s4] =	dma.local [hbm:s3], $0xF7A  }
0x26: {  	[smem:$0x3F9E] =	sst s1;
	(tag) =	ssettag s2;
	_ =	strace s9  }
0x27: {  	s1 =	sld [smem:$0x3FAE]  }
0x28: {  	s2 =	sld [smem:$0x3FAF]  }
0x29: {  	s4 =	sld [smem:$0x3FB1]  }
0x2a: {  	p0 =	seq.s32 s5, $0x0;
	s5 =	sld [smem:$0x3FB2]  }
0x2b: {  	s6 =	sld [smem:$0x3FB3]  }
0x2c: {  	s7 =	sld [smem:$0x3FB4]  }
0x2d: {  	s3 =	simm.s32 $0x108;
	s8 =	sld [smem:$0x3FB5]  }
0x2e: {  	s3 =	simm.s32 @!p0 $0x1082;
	s9 =	sld [smem:$0x3FB6]  }
0x2f: {  	lr =	sadd.s32 s0, s3;
	s0 =	sld [smem:$0x3FAD]  }
0x30: {  	s3 =	sld [smem:$0x3FB0]  }
0x31: {  	[smem:$0x3FB9] =	sst s10  }
0x32: {  	s10 =	sld [smem:$0x3FB7];
	_ =	sdelay $0x3  }
0x33: {  	p0 =	seq.s32 s10, $0x1;
	s10 =	sld [smem:$0x3FB9];
	_ =	sdelay $0x3  }
0x34: {  	[smem:$0x3FB9] =	sst s10  }
0x35: {  	s10 =	sld [smem:$0x3FB8];
	_ =	sdelay $0x3  }
0x36: {  	p1 =	seq.s32 s10, $0x1;
	s10 =	sld [smem:$0x3FB9];
	_ =	sdelay $0x3  }
0x37: {  	[smem:$0x3FB9] =	sst s10  }
0x38: {  	s10 =	sld [smem:$0x3FBA]  }
0x39: {  	_ = 	snop;
	(pc) =	sbr.ind lr, $3  }
0x3a: {  	_ = 	snop  }
0x3b: {  	_ = 	snop  }
0x3c: {  	p2 =	seq.s32 s10, $0x1;
	s10 =	sld [smem:$0x3FB9]  }
0x3d: {  	_ =	shalt  }
0x3e: {  	_ =	shalt  }
0x3f: {  	_ =	shalt  }
0x40: {  	_ =	shalt  }
0x41: {  	_ =	shalt  }
0x42: {  	_ =	shalt  }
0x43: {  	_ =	shalt  }
0x44: {  	_ =	shalt  }
0x45: {  	_ =	shalt  }
0x46: {  	_ =	shalt  }
0x47: {  	_ =	shalt  }
0x48: {  	_ =	shalt  }
0x49: {  	_ =	shalt  }
0x4a: {  	_ =	shalt  }
0x4b: {  	_ =	shalt  }
0x4c: {  	_ =	shalt  }
0x4d: {  	_ =	shalt  }
0x4e: {  	_ =	shalt  }
0x4f: {  	_ =	shalt  }
0x50: {  	_ =	shalt  }
0x51: {  	_ =	shalt  }
0x52: {  	_ =	shalt  }
0x53: {  	_ =	shalt  }
0x54: {  	_ =	shalt  }
0x55: {  	_ =	shalt  }
0x56: {  	_ =	shalt  }
0x57: {  	_ =	shalt  }
0x58: {  	_ =	shalt  }
0x59: {  	_ =	shalt  }
0x5a: {  	_ =	shalt  }
0x5b: {  	_ =	shalt  }
0x5c: {  	_ =	shalt  }
0x5d: {  	_ =	shalt  }
0x5e: {  	_ =	shalt  }
0x5f: {  	_ =	shalt  }
0x60: {  	_ =	shalt  }
0x61: {  	_ =	shalt  }
0x62: {  	_ =	shalt  }
0x63: {  	_ =	shalt  }
0x64: {  	_ =	shalt  }
0x65: {  	_ =	shalt  }
0x66: {  	_ =	shalt  }
0x67: {  	_ =	shalt  }
0x68: {  	_ =	shalt  }
0x69: {  	_ =	shalt  }
0x6a: {  	_ =	shalt  }
0x6b: {  	_ =	shalt  }
0x6c: {  	_ =	shalt  }
0x6d: {  	_ =	shalt  }
0x6e: {  	_ =	shalt  }
0x6f: {  	_ =	shalt  }
0x70: {  	_ =	shalt  }
0x71: {  	_ =	shalt  }
0x72: {  	_ =	shalt  }
0x73: {  	_ =	shalt  }
0x74: {  	_ =	shalt  }
0x75: {  	_ =	shalt  }
0x76: {  	_ =	shalt  }
0x77: {  	_ =	shalt  }
0x78: {  	_ =	shalt  }
0x79: {  	_ =	shalt  }
0x7a: {  	_ =	shalt  }
0x7b: {  	_ =	shalt  }
0x7c: {  	_ =	shalt  }
0x7d: {  	_ =	shalt  }
0x7e: {  	_ =	shalt  }
0x7f: {  	_ =	shalt  }
0x80: {  	_ =	shalt  }
0x81: {  	_ =	shalt  }
0x82: {  	_ =	shalt  }
0x83: {  	_ =	shalt  }
0x84: {  	_ =	shalt  }
0x85: {  	_ =	shalt  }
0x86: {  	_ =	shalt  }
0x87: {  	_ =	shalt  }
.Lfunc_end0:
.L_simem_size_0:
called_computation_lowered:
.L_overlay_start_0:
0x88: {  	s2 =	sld [smem:$0x3FD9]  }
0x89: {  	s3 =	sld [smem:$0x3FFE];
	_ =	sdelay $0x1  }
0x8a: {  	s1 =	srdreg.scid  }
0x8b: {  	s0 =	sand.u32 $0x1, s1  }
0x8c: {  	s17 =	sshll.u32 s0, $0xA;
	s2 =	sadd.s32 s3, s2  }
0x8d: {  	s2 =	sadd.s32 s2, s17  }
0x8e: {  	[smem:$0x3FC5] =	sst s2  }
0x8f: {  	_ = 	snop  }
0x90: {  	s2 =	sld [smem:$0x3FC8]  }
0x91: {  	s18 =	sld [smem:$0x3FC7]  }
0x92: {  	s4 =	sld [smem:$0x3FD0];
	(tm) =	ssettm $0x1  }
0x93: {  	s5 =	sld [smem:$0x3FFB];
	_ =	sdelay $0x3  }
0x94: {  	_ =	strace s5  }
0x95: {  	s5 =	sld [smem:$0x3FFC];
	_ =	sdelay $0x3  }
0x96: {  	_ =	strace s5  }
0x97: {  	s5 =	sld [smem:$0x3FFD];
	_ =	sdelay $0x3  }
0x98: {  	_ =	strace s5  }
0x99: {  	_ =	strace $0x8FFFFFFF  }
0x9a: {  	s19 =	sld [smem:$0x3FDB];
	_ =	sdelay $0x1  }
0x9b: {  	s6 =	simm.s32 $_scs_section_size  }
0x9c: {  	s7 =	simm.s32 $_size__tile_overlayer_lowered;
	s8 =	simm.s32 $_tile_overlayer_lowered  }
0x9d: {  	s22 =	simm.s32 $0x1BFF;
	s21 =	sshll.u32 s8, $0x1;
	s5 =	sadd.s32 s6, s19  }
0x9e: {  	s9 =	simm.s32 $0x0;
	s20 =	sshll.u32 s7, $0x1;
	s7 =	sadd.s32 s21, s5  }
0x9f: {  	[timem:s9], [sflag:s22] =	dma.local [hbm:s7], s20  }
0xa0: {  	_ =	swait.ge [sflag:s22], s20  }
0xa1: {  	s6 =	ssub.s32 $0x0, s20;
	[sflag:s22] =	ssyncset.done $0x0  }
0xa2: {  	[sflag:s22] =	ssyncadd.s32 s6;
	_ =	sdelay $0x1  }
0xa3: {  	s23 =	simm.s32 $0x1B8B  }
0xa4: {  	_ =	swait.ge [sflag:s23], $0x1  }
0xa5: {  	[sflag:s23] =	ssyncset.done $0x0  }
0xa6: {  	s25 =	simm.s32 $0x1B8E;
	s24 =	sld [smem:$0x3FFE];
	[sflag:s23] =	ssyncadd.s32 $0xFFFFFFFF  }
0xa7: {  	s26 =	simm.s32 $execute0_lowered;
	[smem:$0x3FD2] =	sst s25  }
0xa8: {  	s7 =	sshll.u32 s26, $0x1;
	_ =	strace $0x80000046;
	[dreg:$0x1] =	wrdreg $0xFFFFFFFF  }
0xa9: {  	s28 =	simm.s32 $_size_execute0_lowered;
	s5 =	sadd.s32 s5, s7;
	[dreg:$0x0] =	wrdreg $0x0  }
0xaa: {  	s7 =	sshll.u32 s28, $0x1;
	[dreg:$0x2] =	wrdreg s5  }
0xab: {  	[dreg:$0x3] =	wrdreg s7  }
0xac: {  	[dreg:$0x4] =	wrdreg $0xC0  }
0xad: {  	_ =	task [dreg:s9], $0x5FFFF  }
0xae: {  	[dreg:$0x1] =	wrdreg $0xFFFFFFFF  }
0xaf: {  	[dreg:$0x0] =	wrdreg $0x60  }
0xb0: {  	[dreg:$0x2] =	wrdreg s24  }
0xb1: {  	[dreg:$0x3] =	wrdreg s2  }
0xb2: {  	[dreg:$0x4] =	wrdreg s18  }
0xb3: {  	[dreg:$0x5] =	wrdreg s4  }
0xb4: {  	[dreg:$0x6] =	wrdreg $0x9  }
0xb5: {  	_ =	task.clear_ibuf [dreg:s9], $0x7FFFF;
	_ =	strace $0x90000046  }
0xb6: {  	s29 =	simm.s32 $0x9;
	_ =	strace $0x80000048  }
0xb7: {  	_ =	swait.ge [sflag:s29], $0x1  }
0xb8: {  	[sflag:s29] =	ssyncadd.s32 $0xFFFFFFFF  }
0xb9: {  	_ =	strace $0x90000048  }
0xba: {  	_ =	sfence  }
0xbb: {  	s30 =	sld [smem:$0x0];
	_ =	sdelay $0x2  }
0xbc: {  	s31 =	sshll.u32 s1, $0xD;
	s1 =	sshrl.u32 s1, $0x2  }
0xbd: {  	s3 =	sand.u32 $0x4000, s31;
	s1 =	sadd.s32 s1, s30  }
0xbe: {  	s0 =	sor.u32 s3, s0;
	s1 =	sshll.u32 s1, $0x11  }
0xbf: {  	s0 =	sor.u32 s1, s0  }
0xc0: {  	s0 =	sadd.s32 $0x8F2B, s0  }
0xc1: {  	[sflag:s0] =	ssyncadd.remote.s32 $0x1  }
0xc2: {  	_ =	sfence.sel $0xFFFF  }
0xc3: {  	[dreg:$0x0] =	wrdreg $0xFFFFFFFF;
	(pc) =	sbr.abs _section_cstart, $3  }
0xc4: {  	[dreg:$0x1] =	wrdreg $0xFFFFFFFF  }
0xc5: {  	_ =	task.clear_ibuf [dreg:s9], $0x2FFFF;
	_ =	strace $0x9FFFFFFF  }
0xc6: {  	(tm) =	ssettm $0x7FFFFFFF  }
0xc7: {  	_ =	shalt  }
tec
execute0_lowered:
.L_overlay_start_1:
0x0: {  	(tag) =	ssettag $0x1  }
0x1: {  	s0 =	rddreg [dreg:$0x0]  }
0x2: {  	s1 =	rddreg [dreg:$0x1]  }
0x3: {  	s2 =	rddreg [dreg:$0x2]  }
0x4: {  	s3 =	rddreg [dreg:$0x3]  }
0x5: {  	s4 =	simm.s32 $0x0;
	s5 =	srdreg.scid;
	s6 =	stileid.u32  }
0x6: {  	s15 =	simm.s32 $0xA400;
	s12 =	simm.s32 $0x14400;
	s23 =	simm.s32 $0x18C00  }
0x7: {  	s28 =	simm.s32 $0x1AC00;
	s29 =	simm.s32 $0x1B400;
	s30 =	simm.s32 $0x1BC00  }
0x8: {  	s31 =	simm.s32 $0x1C400;
	s14 =	simm.s32 $0x1DC00;
	s13 =	simm.s32 $0x3  }
0x9: {  	s18 =	simm.s32 $0x0;
	[smem:$0x7FF] =	sst s4;
	s5 =	sand.u32 $0x1, s5  }
0xa: {  	s6 =	sshll.u32 s6, $0x1;
	s10 =	sadd.s32 $0x300, s1;
	s11 =	sadd.s32 $0x400, s1  }
0xb: {  	_ =	strace $0x80000047;
	s6 =	sor.u32 s5, s6;
	s5 =	ssub.s32 $0x2, s5  }
0xc: {  	s7 =	sshll.u32 s6, $0x7;
	s8 =	sshrl.u32 s5, $0x1;
	s9 =	smul.u32 $0x1400, s6  }
0xd: {  	s0 =	sadd.s32 s7, s0;
	s24 =	ssub.s32 s5, s8;
	s5 =	sshll.u32 s6, $0x5  }
0xe: {  	v0 =	vlaneseq.u32;
	s8 =	sadd.s32 $0x100, s1;
	s7 =	simm.s32 $0x1;
	s0 =	sadd.s32 $0x400, s0  }
0xf: {  	v1 =	vand.u32 $0x7, v0;
	v63 =	vshrl.u32 v0, $0x3;
	s6 =	simm.s32 $0x2;
	s25 =	sadd.s32 s2, s9;
	[dreg:$0x5] =	wrdreg s0  }
0x10: {  	v0 =	vor.u32 $0x8, v0;
	[tilespmem:$0x1FFD0] =	vst v1;
	v1 =	vmul.u32 $0x8, v63;
	s9 =	sadd.s32 $0x200, s1;
	s26 =	smax.u32 s24, $0x1;
	[dreg:$0x6] =	wrdreg s25  }
0x11: {  	[tilespmem:$0x1FFF0] =	vst v0;
	s24 =	simm.s32 $0x19400;
	s2 =	simm.s32 $0x1D400;
	[dreg:$0x7] =	wrdreg s26  }
0x12: {  	vm0 =	vmmov $0xffff;
	[tilespmem:$0x1FFE0] =	vst v1;
	s25 =	simm.s32 $0x19C00;
	s26 =	simm.s32 $0x1A400;
	s0 =	simm.s32 $0x1CC00  }
.LBB2_1:
0x13: {  	[dreg:$0x8] =	wrdreg s18  }
0x14: {  	s16 =	rddreg [dreg:$0x5];
	s17 =	simm.s32 $0x5  }
0x15: {  	[tilespmem:s4], [sflag:$0x5] =	stream.linear.gather [hbm4b:s16+s4], $0x400, $0x38;
	[tilespmem:$0x1E400] =	vst v63  }
0x16: {  	_ =	swait.ge [sflag:s17], $0x400  }
0x17: {  	[sflag:s17] =	ssyncset.done $0x0  }
0x18: {  	s21 =	simm.s32 $0x400;
	s20 =	rddreg [dreg:$0x6];
	[sflag:s17] =	ssyncadd.s32 $0xFFFFFC00  }
0x19: {  	[tilespmem:s21], [sflag:$0x5] =	stream.linear.gather [hbm4b:s20+s4], $0xA000, $0x38;
	[tilespmem:$0x1E400] =	vst v63  }
0x1a: {  	_ =	swait.ge [sflag:s17], $0xA000  }
0x1b: {  	[sflag:s17] =	ssyncset.done $0x0  }
0x1c: {  	[sflag:s17] =	ssyncadd.s32 $0xFFFF6000  }
0x1d: {  	v0 =	vld [tilespmem:$0x0];
	_ =	sdelay $0x3  }
0x1e: {  	v2 =	vld [tilespmem:$0x1FFD0]  }
0x1f: {  	v1 =	vshrl.u32 v0, $0x3  }
0x20: {  	v3 =	vld [tilespmem:$0x1FFE0];
	v1 =	vmul.u32 $0x50, v1  }
0x21: {  	v0 =	vand.u32 $0x7, v0  }
0x22: {  	v0 =	vor.u32 v0, v1  }
0x23: {  	v1 =	vperm.xlane v0, v2;
	_ =	sdelay $0x1  }
0x24: {  	v1 =	vadd.s32 v3, v1;
	_ =	sdelay $0x2  }
0x25: {  	v4 =	vld [tilespmem:$0x1FFF0];
	_ =	sdelay $0x1  }
0x26: {  	[tilespmem:s15], [sflag:$0x1] =	stream.indirect_vreg.gather [hbm4b:s1+s4], $0x80, v1, vm0, $0xb8;
	[tilespmem:$0x1E400] =	vst v63  }
0x27: {  	s22 =	simm.s32 $0xAC00  }
0x28: {  	[tilespmem:s22], [sflag:$0x1] =	stream.indirect_vreg.gather [hbm4b:s8+s4], $0x80, v1, vm0, $0xb8;
	[tilespmem:$0x1E400] =	vst v63  }
0x29: {  	s17 =	simm.s32 $0xB400;
	v0 =	vperm.xlane v0, v4  }
0x2a: {  	[tilespmem:s17], [sflag:$0x1] =	stream.indirect_vreg.gather [hbm4b:s9+s4], $0x80, v1, vm0, $0xb8;
	[tilespmem:$0x1E400] =	vst v63  }
0x2b: {  	s18 =	simm.s32 $0xBC00;
	v0 =	vadd.s32 v3, v0  }
0x2c: {  	[tilespmem:s18], [sflag:$0x1] =	stream.indirect_vreg.gather [hbm4b:s10+s4], $0x80, v1, vm0, $0xb8;
	[tilespmem:$0x1E400] =	vst v63  }
0x2d: {  	s19 =	simm.s32 $0xC400  }
0x2e: {  	[tilespmem:s19], [sflag:$0x1] =	stream.indirect_vreg.gather [hbm4b:s11+s4], $0x80, v1, vm0, $0xb8;
	[tilespmem:$0x1E400] =	vst v63  }
0x2f: {  	s20 =	simm.s32 $0xCC00  }
0x30: {  	[tilespmem:s20], [sflag:$0x1] =	stream.indirect_vreg.gather [hbm4b:s1+s4], $0x80, v0, vm0, $0xb8;
	[tilespmem:$0x1E400] =	vst v63  }
0x31: {  	s21 =	simm.s32 $0xD400  }
0x32: {  	[tilespmem:s21], [sflag:$0x1] =	stream.indirect_vreg.gather [hbm4b:s8+s4], $0x80, v0, vm0, $0xb8;
	[tilespmem:$0x1E400] =	vst v63  }
0x33: {  	s22 =	simm.s32 $0xDC00  }
0x34: {  	[tilespmem:s22], [sflag:$0x1] =	stream.indirect_vreg.gather [hbm4b:s9+s4], $0x80, v0, vm0, $0xb8;
	[tilespmem:$0x1E400] =	vst v63  }
0x35: {  	s17 =	simm.s32 $0xE400  }
0x36: {  	[tilespmem:s17], [sflag:$0x1] =	stream.indirect_vreg.gather [hbm4b:s10+s4], $0x80, v0, vm0, $0xb8;
	[tilespmem:$0x1E400] =	vst v63  }
0x37: {  	s18 =	simm.s32 $0xEC00  }
0x38: {  	[tilespmem:s18], [sflag:$0x1] =	stream.indirect_vreg.gather [hbm4b:s11+s4], $0x80, v0, vm0, $0xb8;
	[tilespmem:$0x1E400] =	vst v63  }
0x39: {  	v0 =	vld [tilespmem:$0x10];
	_ =	sdelay $0x4  }
0x3a: {  	v63 =	vshrl.u32 v0, $0x3  }
0x3b: {  	v1 =	vmul.u32 $0x50, v63  }
0x3c: {  	v0 =	vand.u32 $0x7, v0  }
0x3d: {  	v0 =	vor.u32 v0, v1  }
0x3e: {  	v1 =	vperm.xlane v0, v2;
	_ =	sdelay $0x1  }
0x3f: {  	v1 =	vadd.s32 v3, v1;
	_ =	sdelay $0x3  }
0x40: {  	s19 =	simm.s32 $0xF400  }
0x41: {  	[tilespmem:s19], [sflag:$0x1] =	stream.indirect_vreg.gather [hbm4b:s1+s4], $0x80, v1, vm0, $0xb8;
	[tilespmem:$0x1E400] =	vst v63  }
0x42: {  	s20 =	simm.s32 $0xFC00  }
0x43: {  	[tilespmem:s20], [sflag:$0x1] =	stream.indirect_vreg.gather [hbm4b:s8+s4], $0x80, v1, vm0, $0xb8;
	[tilespmem:$0x1E400] =	vst v63  }
0x44: {  	s21 =	simm.s32 $0x10400;
	v0 =	vperm.xlane v0, v4  }
0x45: {  	[tilespmem:s21], [sflag:$0x1] =	stream.indirect_vreg.gather [hbm4b:s9+s4], $0x80, v1, vm0, $0xb8;
	[tilespmem:$0x1E400] =	vst v63  }
0x46: {  	s22 =	simm.s32 $0x10C00;
	v0 =	vadd.s32 v3, v0  }
0x47: {  	[tilespmem:s22], [sflag:$0x1] =	stream.indirect_vreg.gather [hbm4b:s10+s4], $0x80, v1, vm0, $0xb8;
	[tilespmem:$0x1E400] =	vst v63  }
0x48: {  	s17 =	simm.s32 $0x11400  }
0x49: {  	[tilespmem:s17], [sflag:$0x1] =	stream.indirect_vreg.gather [hbm4b:s11+s4], $0x80, v1, vm0, $0xb8;
	[tilespmem:$0x1E400] =	vst v63  }
0x4a: {  	s18 =	simm.s32 $0x11C00  }
0x4b: {  	[tilespmem:s18], [sflag:$0x1] =	stream.indirect_vreg.gather [hbm4b:s1+s4], $0x80, v0, vm0, $0xb8;
	[tilespmem:$0x1E400] =	vst v63  }
0x4c: {  	s19 =	simm.s32 $0x12400  }
0x4d: {  	[tilespmem:s19], [sflag:$0x1] =	stream.indirect_vreg.gather [hbm4b:s8+s4], $0x80, v0, vm0, $0xb8;
	[tilespmem:$0x1E400] =	vst v63  }
0x4e: {  	s20 =	simm.s32 $0x12C00  }
0x4f: {  	[tilespmem:s20], [sflag:$0x1] =	stream.indirect_vreg.gather [hbm4b:s9+s4], $0x80, v0, vm0, $0xb8;
	[tilespmem:$0x1E400] =	vst v63  }
0x50: {  	s21 =	simm.s32 $0x13400  }
0x51: {  	[tilespmem:s21], [sflag:$0x1] =	stream.indirect_vreg.gather [hbm4b:s10+s4], $0x80, v0, vm0, $0xb8;
	[tilespmem:$0x1E400] =	vst v63  }
0x52: {  	s16 =	simm.s32 $0x0;
	s22 =	simm.s32 $0x13C00  }
0x53: {  	[tilespmem:s22], [sflag:$0x1] =	stream.indirect_vreg.gather [hbm4b:s11+s4], $0x80, v0, vm0, $0xb8;
	[tilespmem:$0x1E400] =	vst v63  }
.LBB2_2:
0x54: {  	_ =	swait.ge [sflag:s7], $0xA000  }
0x55: {  	p0 =	seq.s32 s16, $0x0;
	[sflag:s7] =	ssyncset.done $0x0  }
0x56: {  	s17 =	sshll.u32 s16, $0x1;
	s18 =	simm.s32 @!p0 $0x4;
	[sflag:s7] =	ssyncadd.s32 $0xFFFF6000  }
0x57: {  	s17 =	sor.u32 $0x1, s17;
	_ =	swait.ge @!p0 [sflag:s18], $0xA000  }
0x58: {  	s19 =	sshll.u32 s17, $0x5;
	[sflag:s18] =	ssyncset.done @!p0 $0x0  }
0x59: {  	s19 =	sand.u32 $0x3FFFFFE0, s19;
	[sflag:s18] =	ssyncadd.s32 @!p0 $0xFFFF6000  }
0x5a: {  	v0 =	vld [tilespmem:s19+$0x0];
	_ =	sdelay $0x3  }
0x5b: {  	v2 =	vld [tilespmem:$0x1FFD0]  }
0x5c: {  	v1 =	vshrl.u32 v0, $0x3  }
0x5d: {  	v3 =	vld [tilespmem:$0x1FFE0];
	v1 =	vmul.u32 $0x50, v1  }
0x5e: {  	v0 =	vand.u32 $0x7, v0  }
0x5f: {  	v0 =	vor.u32 v0, v1  }
0x60: {  	v1 =	vperm.xlane v0, v2;
	_ =	sdelay $0x1  }
0x61: {  	v1 =	vadd.s32 v3, v1;
	_ =	sdelay $0x2  }
0x62: {  	v4 =	vld [tilespmem:$0x1FFF0]  }
0x63: {  	s18 =	simm.s32 $0x0  }
0x64: {  	[tilespmem:s12], [sflag:$0x2] =	stream.indirect_vreg.gather [hbm4b:s1+s18], $0x80, v1, vm0, $0xb8;
	[tilespmem:$0x1E400] =	vst v63  }
0x65: {  	s20 =	simm.s32 $0x14C00  }
0x66: {  	[tilespmem:s20], [sflag:$0x2] =	stream.indirect_vreg.gather [hbm4b:s8+s18], $0x80, v1, vm0, $0xb8;
	[tilespmem:$0x1E400] =	vst v63  }
0x67: {  	s22 =	simm.s32 $0x15400;
	v0 =	vperm.xlane v0, v4  }
0x68: {  	[tilespmem:s22], [sflag:$0x2] =	stream.indirect_vreg.gather [hbm4b:s9+s18], $0x80, v1, vm0, $0xb8;
	[tilespmem:$0x1E400] =	vst v63  }
0x69: {  	s21 =	simm.s32 $0x15C00;
	v0 =	vadd.s32 v3, v0  }
0x6a: {  	[tilespmem:s21], [sflag:$0x2] =	stream.indirect_vreg.gather [hbm4b:s10+s18], $0x80, v1, vm0, $0xb8;
	[tilespmem:$0x1E400] =	vst v63  }
0x6b: {  	s22 =	simm.s32 $0x16400  }
0x6c: {  	[tilespmem:s22], [sflag:$0x2] =	stream.indirect_vreg.gather [hbm4b:s11+s18], $0x80, v1, vm0, $0xb8;
	[tilespmem:$0x1E400] =	vst v63  }
0x6d: {  	s21 =	simm.s32 $0x16C00  }
0x6e: {  	[tilespmem:s21], [sflag:$0x2] =	stream.indirect_vreg.gather [hbm4b:s1+s18], $0x80, v0, vm0, $0xb8;
	[tilespmem:$0x1E400] =	vst v63  }
0x6f: {  	s22 =	simm.s32 $0x17400  }
0x70: {  	[tilespmem:s22], [sflag:$0x2] =	stream.indirect_vreg.gather [hbm4b:s8+s18], $0x80, v0, vm0, $0xb8;
	[tilespmem:$0x1E400] =	vst v63  }
0x71: {  	s21 =	simm.s32 $0x17C00  }
0x72: {  	[tilespmem:s21], [sflag:$0x2] =	stream.indirect_vreg.gather [hbm4b:s9+s18], $0x80, v0, vm0, $0xb8;
	[tilespmem:$0x1E400] =	vst v63  }
0x73: {  	s22 =	simm.s32 $0x18400  }
0x74: {  	[tilespmem:s22], [sflag:$0x2] =	stream.indirect_vreg.gather [hbm4b:s10+s18], $0x80, v0, vm0, $0xb8;
	[tilespmem:$0x1E400] =	vst v63  }
0x75: {  	_ = 	snop  }
0x76: {  	[tilespmem:s23], [sflag:$0x2] =	stream.indirect_vreg.gather [hbm4b:s11+s18], $0x80, v0, vm0, $0xb8;
	[tilespmem:$0x1E400] =	vst v63  }
0x77: {  	v0 =	vld [tilespmem:s19+$0x10];
	_ =	sdelay $0x4  }
0x78: {  	v1 =	vshrl.u32 v0, $0x3  }
0x79: {  	v1 =	vmul.u32 $0x50, v1  }
0x7a: {  	v0 =	vand.u32 $0x7, v0  }
0x7b: {  	v0 =	vor.u32 v0, v1  }
0x7c: {  	v1 =	vperm.xlane v0, v2;
	_ =	sdelay $0x1  }
0x7d: {  	v1 =	vadd.s32 v3, v1;
	_ =	sdelay $0x4  }
0x7e: {  	[tilespmem:s24], [sflag:$0x2] =	stream.indirect_vreg.gather [hbm4b:s1+s18], $0x80, v1, vm0, $0xb8;
	[tilespmem:$0x1E400] =	vst v63  }
0x7f: {  	_ = 	snop  }
0x80: {  	[tilespmem:s25], [sflag:$0x2] =	stream.indirect_vreg.gather [hbm4b:s8+s18], $0x80, v1, vm0, $0xb8;
	[tilespmem:$0x1E400] =	vst v63  }
0x81: {  	v0 =	vperm.xlane v0, v4  }
0x82: {  	[tilespmem:s26], [sflag:$0x2] =	stream.indirect_vreg.gather [hbm4b:s9+s18], $0x80, v1, vm0, $0xb8;
	[tilespmem:$0x1E400] =	vst v63  }
0x83: {  	v0 =	vadd.s32 v3, v0  }
0x84: {  	[tilespmem:s28], [sflag:$0x2] =	stream.indirect_vreg.gather [hbm4b:s10+s18], $0x80, v1, vm0, $0xb8;
	[tilespmem:$0x1E400] =	vst v63  }
0x85: {  	_ = 	snop  }
0x86: {  	[tilespmem:s29], [sflag:$0x2] =	stream.indirect_vreg.gather [hbm4b:s11+s18], $0x80, v1, vm0, $0xb8;
	[tilespmem:$0x1E400] =	vst v63  }
0x87: {  	_ = 	snop  }
0x88: {  	[tilespmem:s30], [sflag:$0x2] =	stream.indirect_vreg.gather [hbm4b:s1+s18], $0x80, v0, vm0, $0xb8;
	[tilespmem:$0x1E400] =	vst v63  }
0x89: {  	_ = 	snop  }
0x8a: {  	[tilespmem:s31], [sflag:$0x2] =	stream.indirect_vreg.gather [hbm4b:s8+s18], $0x80, v0, vm0, $0xb8;
	[tilespmem:$0x1E400] =	vst v63  }
0x8b: {  	s21 =	simm.s32 $0x0  }
0x8c: {  	[tilespmem:s0], [sflag:$0x2] =	stream.indirect_vreg.gather [hbm4b:s9+s18], $0x80, v0, vm0, $0xb8;
	[tilespmem:$0x1E400] =	vst v63  }
0x8d: {  	s22 =	sand.u32 $0x380, s18;
	s19 =	smul.u32 $0x2800, s21  }
0x8e: {  	[tilespmem:s2], [sflag:$0x2] =	stream.indirect_vreg.gather [hbm4b:s10+s18], $0x80, v0, vm0, $0xb8;
	[tilespmem:$0x1E400] =	vst v63  }
0x8f: {  	s19 =	sor.u32 s22, s19  }
0x90: {  	[tilespmem:s14], [sflag:$0x2] =	stream.indirect_vreg.gather [hbm4b:s11+s18], $0x80, v0, vm0, $0xb8;
	[tilespmem:$0x1E400] =	vst v63  }
0x91: {  	v0 =	vld [tilespmem:s19+$0x2870]  }
0x92: {  	v1 =	vld [tilespmem:s19+$0x400]  }
0x93: {  	v8 =	vld [tilespmem:s19+$0x450]  }
0x94: {  	v9 =	vld [tilespmem:s19+$0x460]  }
0x95: {  	v10 =	vld [tilespmem:s19+$0x470]  }
0x96: {  	v11 =	vld [tilespmem:s19+$0x800]  }
0x97: {  	v12 =	vld [tilespmem:s19+$0x810]  }
0x98: {  	v13 =	vld [tilespmem:s19+$0x820]  }
0x99: {  	v14 =	vld [tilespmem:s19+$0x830]  }
0x9a: {  	v15 =	vld [tilespmem:s19+$0x840]  }
0x9b: {  	v16 =	vld [tilespmem:s19+$0x850]  }
0x9c: {  	v17 =	vld [tilespmem:s19+$0x860]  }
0x9d: {  	v18 =	vld [tilespmem:s19+$0x870]  }
0x9e: {  	v19 =	vld [tilespmem:s19+$0xC00]  }
0x9f: {  	v20 =	vld [tilespmem:s19+$0xC10]  }
0xa0: {  	v21 =	vld [tilespmem:s19+$0xC20]  }
0xa1: {  	[tilespmem:s19+$0xC870] =	vst.add.f32.msk $0xffff, v0  }
0xa2: {  	v0 =	vld [tilespmem:s19+$0x440]  }
0xa3: {  	v22 =	vld [tilespmem:s19+$0xC30]  }
0xa4: {  	v23 =	vld [tilespmem:s19+$0xC40]  }
0xa5: {  	v24 =	vld [tilespmem:s19+$0xC50]  }
0xa6: {  	v25 =	vld [tilespmem:s19+$0xC60]  }
0xa7: {  	[tilespmem:$0x1FF10] =	vst v0;
	v0 =	vld [tilespmem:s19+$0x2410]  }
0xa8: {  	v26 =	vld [tilespmem:s19+$0xC70]  }
0xa9: {  	v27 =	vld [tilespmem:s19+$0x1000]  }
0xaa: {  	v28 =	vld [tilespmem:s19+$0x1010]  }
0xab: {  	v29 =	vld [tilespmem:s19+$0x1020]  }
0xac: {  	[tilespmem:$0x1FF20] =	vst v0;
	v0 =	vld [tilespmem:s19+$0x2420]  }
0xad: {  	v30 =	vld [tilespmem:s19+$0x1030]  }
0xae: {  	v31 =	vld [tilespmem:s19+$0x1040]  }
0xaf: {  	v32 =	vld [tilespmem:s19+$0x1050]  }
0xb0: {  	v33 =	vld [tilespmem:s19+$0x1060]  }
0xb1: {  	[tilespmem:$0x1FF30] =	vst v0;
	v0 =	vld [tilespmem:s19+$0x2430]  }
0xb2: {  	v34 =	vld [tilespmem:s19+$0x1070]  }
0xb3: {  	v35 =	vld [tilespmem:s19+$0x1400]  }
0xb4: {  	v36 =	vld [tilespmem:s19+$0x1410]  }
0xb5: {  	v37 =	vld [tilespmem:s19+$0x1420]  }
0xb6: {  	[tilespmem:$0x1FF40] =	vst v0;
	v0 =	vld [tilespmem:s19+$0x2440]  }
0xb7: {  	v38 =	vld [tilespmem:s19+$0x1430]  }
0xb8: {  	v39 =	vld [tilespmem:s19+$0x1440]  }
0xb9: {  	v40 =	vld [tilespmem:s19+$0x1450]  }
0xba: {  	v41 =	vld [tilespmem:s19+$0x1460]  }
0xbb: {  	[tilespmem:$0x1FF50] =	vst v0;
	v0 =	vld [tilespmem:s19+$0x2450]  }
0xbc: {  	v42 =	vld [tilespmem:s19+$0x1470]  }
0xbd: {  	v43 =	vld [tilespmem:s19+$0x1800]  }
0xbe: {  	v44 =	vld [tilespmem:s19+$0x1810]  }
0xbf: {  	v45 =	vld [tilespmem:s19+$0x1820]  }
0xc0: {  	[tilespmem:$0x1FF60] =	vst v0;
	v0 =	vld [tilespmem:s19+$0x2460]  }
0xc1: {  	v46 =	vld [tilespmem:s19+$0x1830]  }
0xc2: {  	v47 =	vld [tilespmem:s19+$0x1840]  }
0xc3: {  	v48 =	vld [tilespmem:s19+$0x1850]  }
0xc4: {  	v49 =	vld [tilespmem:s19+$0x1860]  }
0xc5: {  	[tilespmem:$0x1FF70] =	vst v0;
	v0 =	vld [tilespmem:s19+$0x2470]  }
0xc6: {  	v50 =	vld [tilespmem:s19+$0x1870]  }
0xc7: {  	v51 =	vld [tilespmem:s19+$0x1C00]  }
0xc8: {  	v52 =	vld [tilespmem:s19+$0x1C10]  }
0xc9: {  	v53 =	vld [tilespmem:s19+$0x1C20]  }
0xca: {  	[tilespmem:$0x1FF80] =	vst v0;
	v0 =	vld [tilespmem:s19+$0x2800]  }
0xcb: {  	v54 =	vld [tilespmem:s19+$0x1C30]  }
0xcc: {  	v55 =	vld [tilespmem:s19+$0x1C40]  }
0xcd: {  	v56 =	vld [tilespmem:s19+$0x1C50]  }
0xce: {  	v57 =	vld [tilespmem:s19+$0x1C60]  }
0xcf: {  	[tilespmem:$0x1FF90] =	vst v0;
	v0 =	vld [tilespmem:s19+$0x2810]  }
0xd0: {  	v58 =	vld [tilespmem:s19+$0x1C70]  }
0xd1: {  	v59 =	vld [tilespmem:s19+$0x2000]  }
0xd2: {  	v60 =	vld [tilespmem:s19+$0x2010]  }
0xd3: {  	v61 =	vld [tilespmem:s19+$0x2020]  }
0xd4: {  	[tilespmem:$0x1FFA0] =	vst v0;
	v0 =	vld [tilespmem:s19+$0x2820]  }
0xd5: {  	v62 =	vld [tilespmem:s19+$0x2030]  }
0xd6: {  	v63 =	vld [tilespmem:s19+$0x2040]  }
0xd7: {  	v2 =	vld [tilespmem:s19+$0x2060]  }
0xd8: {  	v6 =	vld [tilespmem:s19+$0x2070]  }
0xd9: {  	[tilespmem:$0x1FFB0] =	vst v0;
	v0 =	vld [tilespmem:s19+$0x2830]  }
0xda: {  	v7 =	vld [tilespmem:s19+$0x2400]  }
0xdb: {  	v5 =	vld [tilespmem:s19+$0x2840]  }
0xdc: {  	v4 =	vld [tilespmem:s19+$0x2850]  }
0xdd: {  	[tilespmem:$0x1FED0] =	vst v1;
	v1 =	vld [tilespmem:s19+$0x410]  }
0xde: {  	[tilespmem:$0x1FFC0] =	vst v0;
	v0 =	vld [tilespmem:$0x1FED0]  }
0xdf: {  	[tilespmem:s19+$0xA450] =	vst.add.f32.msk $0xffff, v8  }
0xe0: {  	[tilespmem:s19+$0xA460] =	vst.add.f32.msk $0xffff, v9  }
0xe1: {  	[tilespmem:s19+$0xA470] =	vst.add.f32.msk $0xffff, v10  }
0xe2: {  	[tilespmem:$0x1FEE0] =	vst v1;
	v1 =	vld [tilespmem:s19+$0x420]  }
0xe3: {  	[tilespmem:s19+$0xA400] =	vst.add.f32.msk $0xffff, v0  }
0xe4: {  	v0 =	vld [tilespmem:$0x1FEE0]  }
0xe5: {  	[tilespmem:s19+$0xA800] =	vst.add.f32.msk $0xffff, v11  }
0xe6: {  	[tilespmem:s19+$0xA810] =	vst.add.f32.msk $0xffff, v12  }
0xe7: {  	[tilespmem:s19+$0xA820] =	vst.add.f32.msk $0xffff, v13  }
0xe8: {  	[tilespmem:$0x1FEF0] =	vst v1;
	v1 =	vld [tilespmem:s19+$0x430]  }
0xe9: {  	[tilespmem:s19+$0xA410] =	vst.add.f32.msk $0xffff, v0  }
0xea: {  	v0 =	vld [tilespmem:$0x1FEF0]  }
0xeb: {  	[tilespmem:s19+$0xA830] =	vst.add.f32.msk $0xffff, v14  }
0xec: {  	[tilespmem:s19+$0xA840] =	vst.add.f32.msk $0xffff, v15  }
0xed: {  	[tilespmem:s19+$0xA850] =	vst.add.f32.msk $0xffff, v16  }
0xee: {  	v3 =	vld [tilespmem:s19+$0x2860];
	[tilespmem:$0x1FF00] =	vst v1  }
0xef: {  	[tilespmem:s19+$0xA420] =	vst.add.f32.msk $0xffff, v0  }
0xf0: {  	v0 =	vld [tilespmem:$0x1FF00]  }
0xf1: {  	[tilespmem:s19+$0xA860] =	vst.add.f32.msk $0xffff, v17  }
0xf2: {  	[tilespmem:s19+$0xA870] =	vst.add.f32.msk $0xffff, v18  }
0xf3: {  	[tilespmem:s19+$0xAC00] =	vst.add.f32.msk $0xffff, v19  }
0xf4: {  	[tilespmem:s19+$0xAC10] =	vst.add.f32.msk $0xffff, v20  }
0xf5: {  	[tilespmem:s19+$0xA430] =	vst.add.f32.msk $0xffff, v0  }
0xf6: {  	v0 =	vld [tilespmem:$0x1FF10]  }
0xf7: {  	[tilespmem:s19+$0xAC20] =	vst.add.f32.msk $0xffff, v21  }
0xf8: {  	[tilespmem:s19+$0xAC30] =	vst.add.f32.msk $0xffff, v22  }
0xf9: {  	[tilespmem:s19+$0xAC40] =	vst.add.f32.msk $0xffff, v23  }
0xfa: {  	[tilespmem:s19+$0xAC50] =	vst.add.f32.msk $0xffff, v24  }
0xfb: {  	[tilespmem:s19+$0xA440] =	vst.add.f32.msk $0xffff, v0  }
0xfc: {  	v0 =	vld [tilespmem:$0x1FF20]  }
0xfd: {  	[tilespmem:s19+$0xAC60] =	vst.add.f32.msk $0xffff, v25  }
0xfe: {  	[tilespmem:s19+$0xAC70] =	vst.add.f32.msk $0xffff, v26  }
0xff: {  	[tilespmem:s19+$0xB000] =	vst.add.f32.msk $0xffff, v27  }
0x100: {  	[tilespmem:s19+$0xB010] =	vst.add.f32.msk $0xffff, v28  }
0x101: {  	[tilespmem:s19+$0xC410] =	vst.add.f32.msk $0xffff, v0  }
0x102: {  	v0 =	vld [tilespmem:$0x1FF30]  }
0x103: {  	[tilespmem:s19+$0xB020] =	vst.add.f32.msk $0xffff, v29  }
0x104: {  	[tilespmem:s19+$0xB030] =	vst.add.f32.msk $0xffff, v30  }
0x105: {  	[tilespmem:s19+$0xB040] =	vst.add.f32.msk $0xffff, v31  }
0x106: {  	[tilespmem:s19+$0xB050] =	vst.add.f32.msk $0xffff, v32  }
0x107: {  	[tilespmem:s19+$0xC420] =	vst.add.f32.msk $0xffff, v0  }
0x108: {  	v0 =	vld [tilespmem:$0x1FF40]  }
0x109: {  	[tilespmem:s19+$0xB060] =	vst.add.f32.msk $0xffff, v33  }
0x10a: {  	[tilespmem:s19+$0xB070] =	vst.add.f32.msk $0xffff, v34  }
0x10b: {  	[tilespmem:s19+$0xB400] =	vst.add.f32.msk $0xffff, v35  }
0x10c: {  	[tilespmem:s19+$0xB410] =	vst.add.f32.msk $0xffff, v36  }
0x10d: {  	[tilespmem:s19+$0xC430] =	vst.add.f32.msk $0xffff, v0  }
0x10e: {  	v0 =	vld [tilespmem:$0x1FF50]  }
0x10f: {  	[tilespmem:s19+$0xB420] =	vst.add.f32.msk $0xffff, v37  }
0x110: {  	[tilespmem:s19+$0xB430] =	vst.add.f32.msk $0xffff, v38  }
0x111: {  	[tilespmem:s19+$0xB440] =	vst.add.f32.msk $0xffff, v39  }
0x112: {  	[tilespmem:s19+$0xB450] =	vst.add.f32.msk $0xffff, v40  }
0x113: {  	[tilespmem:s19+$0xC440] =	vst.add.f32.msk $0xffff, v0  }
0x114: {  	v0 =	vld [tilespmem:$0x1FF60]  }
0x115: {  	[tilespmem:s19+$0xB460] =	vst.add.f32.msk $0xffff, v41  }
0x116: {  	[tilespmem:s19+$0xB470] =	vst.add.f32.msk $0xffff, v42  }
0x117: {  	[tilespmem:s19+$0xB800] =	vst.add.f32.msk $0xffff, v43  }
0x118: {  	[tilespmem:s19+$0xB810] =	vst.add.f32.msk $0xffff, v44  }
0x119: {  	[tilespmem:s19+$0xC450] =	vst.add.f32.msk $0xffff, v0  }
0x11a: {  	v0 =	vld [tilespmem:$0x1FF70]  }
0x11b: {  	[tilespmem:s19+$0xB820] =	vst.add.f32.msk $0xffff, v45  }
0x11c: {  	[tilespmem:s19+$0xB830] =	vst.add.f32.msk $0xffff, v46  }
0x11d: {  	[tilespmem:s19+$0xB840] =	vst.add.f32.msk $0xffff, v47  }
0x11e: {  	[tilespmem:s19+$0xB850] =	vst.add.f32.msk $0xffff, v48  }
0x11f: {  	[tilespmem:s19+$0xC460] =	vst.add.f32.msk $0xffff, v0  }
0x120: {  	v0 =	vld [tilespmem:$0x1FF80]  }
0x121: {  	[tilespmem:s19+$0xB860] =	vst.add.f32.msk $0xffff, v49  }
0x122: {  	[tilespmem:s19+$0xB870] =	vst.add.f32.msk $0xffff, v50  }
0x123: {  	[tilespmem:s19+$0xBC00] =	vst.add.f32.msk $0xffff, v51  }
0x124: {  	[tilespmem:s19+$0xBC10] =	vst.add.f32.msk $0xffff, v52  }
0x125: {  	[tilespmem:s19+$0xC470] =	vst.add.f32.msk $0xffff, v0  }
0x126: {  	v0 =	vld [tilespmem:$0x1FF90]  }
0x127: {  	[tilespmem:s19+$0xBC20] =	vst.add.f32.msk $0xffff, v53  }
0x128: {  	[tilespmem:s19+$0xBC30] =	vst.add.f32.msk $0xffff, v54  }
0x129: {  	[tilespmem:s19+$0xBC40] =	vst.add.f32.msk $0xffff, v55  }
0x12a: {  	[tilespmem:s19+$0xBC50] =	vst.add.f32.msk $0xffff, v56  }
0x12b: {  	[tilespmem:s19+$0xC800] =	vst.add.f32.msk $0xffff, v0  }
0x12c: {  	v0 =	vld [tilespmem:$0x1FFA0]  }
0x12d: {  	[tilespmem:s19+$0xBC60] =	vst.add.f32.msk $0xffff, v57  }
0x12e: {  	[tilespmem:s19+$0xBC70] =	vst.add.f32.msk $0xffff, v58  }
0x12f: {  	[tilespmem:s19+$0xC000] =	vst.add.f32.msk $0xffff, v59  }
0x130: {  	[tilespmem:s19+$0xC010] =	vst.add.f32.msk $0xffff, v60  }
0x131: {  	[tilespmem:s19+$0xC810] =	vst.add.f32.msk $0xffff, v0  }
0x132: {  	v0 =	vld [tilespmem:$0x1FFB0]  }
0x133: {  	[tilespmem:s19+$0xC020] =	vst.add.f32.msk $0xffff, v61  }
0x134: {  	[tilespmem:s19+$0xC030] =	vst.add.f32.msk $0xffff, v62  }
0x135: {  	[tilespmem:s19+$0xC040] =	vst.add.f32.msk $0xffff, v63  }
0x136: {  	v1 =	vld [tilespmem:s19+$0x2050]  }
0x137: {  	[tilespmem:s19+$0xC820] =	vst.add.f32.msk $0xffff, v0  }
0x138: {  	v0 =	vld [tilespmem:$0x1FFC0]  }
0x139: {  	[tilespmem:s19+$0xC060] =	vst.add.f32.msk $0xffff, v2  }
0x13a: {  	[tilespmem:s19+$0xC070] =	vst.add.f32.msk $0xffff, v6  }
0x13b: {  	[tilespmem:s19+$0xC400] =	vst.add.f32.msk $0xffff, v7  }
0x13c: {  	[tilespmem:s19+$0xC050] =	vst.add.f32.msk $0xffff, v1  }
0x13d: {  	s20 =	simm.s32 $0x2;
	s21 =	simm.s32 $0x0;
	[tilespmem:s19+$0xC830] =	vst.add.f32.msk $0xffff, v0  }
.LBB2_3:
0x13e: {  	s21 =	smul.u32 $0x2800, s21;
	s18 =	sadd.s32 $0x80, s18;
	[tilespmem:s19+$0xC840] =	vst.add.f32.msk $0xffff, v5  }
0x13f: {  	s22 =	sand.u32 $0x380, s18;
	[tilespmem:s19+$0xC850] =	vst.add.f32.msk $0xffff, v4  }
0x140: {  	[tilespmem:s19+$0xC860] =	vst.add.f32.msk $0xffff, v3;
	s19 =	sor.u32 s22, s21  }
0x141: {  	v0 =	vld [tilespmem:s19+$0x2870]  }
0x142: {  	v1 =	vld [tilespmem:s19+$0x400]  }
0x143: {  	v11 =	vld [tilespmem:s19+$0x440]  }
0x144: {  	v12 =	vld [tilespmem:s19+$0x450]  }
0x145: {  	v13 =	vld [tilespmem:s19+$0x460]  }
0x146: {  	v14 =	vld [tilespmem:s19+$0x470]  }
0x147: {  	v15 =	vld [tilespmem:s19+$0x800]  }
0x148: {  	v16 =	vld [tilespmem:s19+$0x810]  }
0x149: {  	v17 =	vld [tilespmem:s19+$0x820]  }
0x14a: {  	v18 =	vld [tilespmem:s19+$0x830]  }
0x14b: {  	v19 =	vld [tilespmem:s19+$0x840]  }
0x14c: {  	v20 =	vld [tilespmem:s19+$0x850]  }
0x14d: {  	v21 =	vld [tilespmem:s19+$0x860]  }
0x14e: {  	v22 =	vld [tilespmem:s19+$0x870]  }
0x14f: {  	v23 =	vld [tilespmem:s19+$0xC00]  }
0x150: {  	v24 =	vld [tilespmem:s19+$0xC10]  }
0x151: {  	[tilespmem:s19+$0xC870] =	vst.add.f32.msk $0xffff, v0  }
0x152: {  	v0 =	vld [tilespmem:s19+$0x2010]  }
0x153: {  	v25 =	vld [tilespmem:s19+$0xC20]  }
0x154: {  	v26 =	vld [tilespmem:s19+$0xC30]  }
0x155: {  	v27 =	vld [tilespmem:s19+$0xC40]  }
0x156: {  	v28 =	vld [tilespmem:s19+$0xC50]  }
0x157: {  	[tilespmem:$0x1FE10] =	vst v0;
	v0 =	vld [tilespmem:s19+$0x2410]  }
0x158: {  	v29 =	vld [tilespmem:s19+$0xC60]  }
0x159: {  	v30 =	vld [tilespmem:s19+$0xC70]  }
0x15a: {  	v31 =	vld [tilespmem:s19+$0x1000]  }
0x15b: {  	v32 =	vld [tilespmem:s19+$0x1010]  }
0x15c: {  	[tilespmem:$0x1FE20] =	vst v0;
	v0 =	vld [tilespmem:s19+$0x2420]  }
0x15d: {  	v33 =	vld [tilespmem:s19+$0x1020]  }
0x15e: {  	v34 =	vld [tilespmem:s19+$0x1030]  }
0x15f: {  	v35 =	vld [tilespmem:s19+$0x1040]  }
0x160: {  	v36 =	vld [tilespmem:s19+$0x1050]  }
0x161: {  	[tilespmem:$0x1FE30] =	vst v0;
	v0 =	vld [tilespmem:s19+$0x2430]  }
0x162: {  	v37 =	vld [tilespmem:s19+$0x1060]  }
0x163: {  	v38 =	vld [tilespmem:s19+$0x1070]  }
0x164: {  	v39 =	vld [tilespmem:s19+$0x1400]  }
0x165: {  	v40 =	vld [tilespmem:s19+$0x1410]  }
0x166: {  	[tilespmem:$0x1FE40] =	vst v0;
	v0 =	vld [tilespmem:s19+$0x2440]  }
0x167: {  	v41 =	vld [tilespmem:s19+$0x1420]  }
0x168: {  	v42 =	vld [tilespmem:s19+$0x1430]  }
0x169: {  	v43 =	vld [tilespmem:s19+$0x1440]  }
0x16a: {  	v44 =	vld [tilespmem:s19+$0x1450]  }
0x16b: {  	[tilespmem:$0x1FE50] =	vst v0;
	v0 =	vld [tilespmem:s19+$0x2450]  }
0x16c: {  	v45 =	vld [tilespmem:s19+$0x1460]  }
0x16d: {  	v46 =	vld [tilespmem:s19+$0x1470]  }
0x16e: {  	v47 =	vld [tilespmem:s19+$0x1800]  }
0x16f: {  	v48 =	vld [tilespmem:s19+$0x1810]  }
0x170: {  	[tilespmem:$0x1FE60] =	vst v0;
	v0 =	vld [tilespmem:s19+$0x2460]  }
0x171: {  	v49 =	vld [tilespmem:s19+$0x1820]  }
0x172: {  	v50 =	vld [tilespmem:s19+$0x1830]  }
0x173: {  	v51 =	vld [tilespmem:s19+$0x1840]  }
0x174: {  	v52 =	vld [tilespmem:s19+$0x1850]  }
0x175: {  	[tilespmem:$0x1FE70] =	vst v0;
	v0 =	vld [tilespmem:s19+$0x2470]  }
0x176: {  	v53 =	vld [tilespmem:s19+$0x1860]  }
0x177: {  	v54 =	vld [tilespmem:s19+$0x1870]  }
0x178: {  	v55 =	vld [tilespmem:s19+$0x1C00]  }
0x179: {  	v56 =	vld [tilespmem:s19+$0x1C10]  }
0x17a: {  	[tilespmem:$0x1FE80] =	vst v0;
	v0 =	vld [tilespmem:s19+$0x2800]  }
0x17b: {  	v57 =	vld [tilespmem:s19+$0x1C20]  }
0x17c: {  	v58 =	vld [tilespmem:s19+$0x1C30]  }
0x17d: {  	v59 =	vld [tilespmem:s19+$0x1C40]  }
0x17e: {  	v60 =	vld [tilespmem:s19+$0x1C50]  }
0x17f: {  	[tilespmem:$0x1FE90] =	vst v0;
	v0 =	vld [tilespmem:s19+$0x2810]  }
0x180: {  	v61 =	vld [tilespmem:s19+$0x1C60]  }
0x181: {  	v62 =	vld [tilespmem:s19+$0x1C70]  }
0x182: {  	v63 =	vld [tilespmem:s19+$0x2000]  }
0x183: {  	v2 =	vld [tilespmem:s19+$0x2020]  }
0x184: {  	[tilespmem:$0x1FEA0] =	vst v0;
	v0 =	vld [tilespmem:s19+$0x2820]  }
0x185: {  	v6 =	vld [tilespmem:s19+$0x2040]  }
0x186: {  	v7 =	vld [tilespmem:s19+$0x2050]  }
0x187: {  	v8 =	vld [tilespmem:s19+$0x2060]  }
0x188: {  	v9 =	vld [tilespmem:s19+$0x2070]  }
0x189: {  	[tilespmem:$0x1FEB0] =	vst v0;
	v0 =	vld [tilespmem:s19+$0x2830]  }
0x18a: {  	v10 =	vld [tilespmem:s19+$0x2400]  }
0x18b: {  	v5 =	vld [tilespmem:s19+$0x2840]  }
0x18c: {  	v4 =	vld [tilespmem:s19+$0x2850]  }
0x18d: {  	[tilespmem:$0x1FDD0] =	vst v1;
	v1 =	vld [tilespmem:s19+$0x410]  }
0x18e: {  	[tilespmem:$0x1FEC0] =	vst v0;
	v0 =	vld [tilespmem:$0x1FDD0]  }
0x18f: {  	[tilespmem:s19+$0xA440] =	vst.add.f32.msk $0xffff, v11  }
0x190: {  	[tilespmem:s19+$0xA450] =	vst.add.f32.msk $0xffff, v12  }
0x191: {  	[tilespmem:s19+$0xA460] =	vst.add.f32.msk $0xffff, v13  }
0x192: {  	[tilespmem:$0x1FDE0] =	vst v1;
	v1 =	vld [tilespmem:s19+$0x420]  }
0x193: {  	[tilespmem:s19+$0xA400] =	vst.add.f32.msk $0xffff, v0  }
0x194: {  	v0 =	vld [tilespmem:$0x1FDE0]  }
0x195: {  	[tilespmem:s19+$0xA470] =	vst.add.f32.msk $0xffff, v14  }
0x196: {  	[tilespmem:s19+$0xA800] =	vst.add.f32.msk $0xffff, v15  }
0x197: {  	[tilespmem:s19+$0xA810] =	vst.add.f32.msk $0xffff, v16  }
0x198: {  	[tilespmem:$0x1FDF0] =	vst v1;
	v1 =	vld [tilespmem:s19+$0x430]  }
0x199: {  	[tilespmem:s19+$0xA410] =	vst.add.f32.msk $0xffff, v0  }
0x19a: {  	v0 =	vld [tilespmem:$0x1FDF0]  }
0x19b: {  	[tilespmem:s19+$0xA820] =	vst.add.f32.msk $0xffff, v17  }
0x19c: {  	[tilespmem:s19+$0xA830] =	vst.add.f32.msk $0xffff, v18  }
0x19d: {  	[tilespmem:s19+$0xA840] =	vst.add.f32.msk $0xffff, v19  }
0x19e: {  	v3 =	vld [tilespmem:s19+$0x2860];
	[tilespmem:$0x1FE00] =	vst v1  }
0x19f: {  	[tilespmem:s19+$0xA420] =	vst.add.f32.msk $0xffff, v0  }
0x1a0: {  	v0 =	vld [tilespmem:$0x1FE00]  }
0x1a1: {  	[tilespmem:s19+$0xA850] =	vst.add.f32.msk $0xffff, v20  }
0x1a2: {  	[tilespmem:s19+$0xA860] =	vst.add.f32.msk $0xffff, v21  }
0x1a3: {  	[tilespmem:s19+$0xA870] =	vst.add.f32.msk $0xffff, v22  }
0x1a4: {  	[tilespmem:s19+$0xAC00] =	vst.add.f32.msk $0xffff, v23  }
0x1a5: {  	[tilespmem:s19+$0xA430] =	vst.add.f32.msk $0xffff, v0  }
0x1a6: {  	v0 =	vld [tilespmem:$0x1FE10]  }
0x1a7: {  	[tilespmem:s19+$0xAC10] =	vst.add.f32.msk $0xffff, v24  }
0x1a8: {  	[tilespmem:s19+$0xAC20] =	vst.add.f32.msk $0xffff, v25  }
0x1a9: {  	[tilespmem:s19+$0xAC30] =	vst.add.f32.msk $0xffff, v26  }
0x1aa: {  	[tilespmem:s19+$0xAC40] =	vst.add.f32.msk $0xffff, v27  }
0x1ab: {  	[tilespmem:s19+$0xC010] =	vst.add.f32.msk $0xffff, v0  }
0x1ac: {  	v0 =	vld [tilespmem:$0x1FE20]  }
0x1ad: {  	[tilespmem:s19+$0xAC50] =	vst.add.f32.msk $0xffff, v28  }
0x1ae: {  	[tilespmem:s19+$0xAC60] =	vst.add.f32.msk $0xffff, v29  }
0x1af: {  	[tilespmem:s19+$0xAC70] =	vst.add.f32.msk $0xffff, v30  }
0x1b0: {  	[tilespmem:s19+$0xB000] =	vst.add.f32.msk $0xffff, v31  }
0x1b1: {  	[tilespmem:s19+$0xC410] =	vst.add.f32.msk $0xffff, v0  }
0x1b2: {  	v0 =	vld [tilespmem:$0x1FE30]  }
0x1b3: {  	[tilespmem:s19+$0xB010] =	vst.add.f32.msk $0xffff, v32  }
0x1b4: {  	[tilespmem:s19+$0xB020] =	vst.add.f32.msk $0xffff, v33  }
0x1b5: {  	[tilespmem:s19+$0xB030] =	vst.add.f32.msk $0xffff, v34  }
0x1b6: {  	[tilespmem:s19+$0xB040] =	vst.add.f32.msk $0xffff, v35  }
0x1b7: {  	[tilespmem:s19+$0xC420] =	vst.add.f32.msk $0xffff, v0  }
0x1b8: {  	v0 =	vld [tilespmem:$0x1FE40]  }
0x1b9: {  	[tilespmem:s19+$0xB050] =	vst.add.f32.msk $0xffff, v36  }
0x1ba: {  	[tilespmem:s19+$0xB060] =	vst.add.f32.msk $0xffff, v37  }
0x1bb: {  	[tilespmem:s19+$0xB070] =	vst.add.f32.msk $0xffff, v38  }
0x1bc: {  	[tilespmem:s19+$0xB400] =	vst.add.f32.msk $0xffff, v39  }
0x1bd: {  	[tilespmem:s19+$0xC430] =	vst.add.f32.msk $0xffff, v0  }
0x1be: {  	v0 =	vld [tilespmem:$0x1FE50]  }
0x1bf: {  	[tilespmem:s19+$0xB410] =	vst.add.f32.msk $0xffff, v40  }
0x1c0: {  	[tilespmem:s19+$0xB420] =	vst.add.f32.msk $0xffff, v41  }
0x1c1: {  	[tilespmem:s19+$0xB430] =	vst.add.f32.msk $0xffff, v42  }
0x1c2: {  	[tilespmem:s19+$0xB440] =	vst.add.f32.msk $0xffff, v43  }
0x1c3: {  	[tilespmem:s19+$0xC440] =	vst.add.f32.msk $0xffff, v0  }
0x1c4: {  	v0 =	vld [tilespmem:$0x1FE60]  }
0x1c5: {  	[tilespmem:s19+$0xB450] =	vst.add.f32.msk $0xffff, v44  }
0x1c6: {  	[tilespmem:s19+$0xB460] =	vst.add.f32.msk $0xffff, v45  }
0x1c7: {  	[tilespmem:s19+$0xB470] =	vst.add.f32.msk $0xffff, v46  }
0x1c8: {  	[tilespmem:s19+$0xB800] =	vst.add.f32.msk $0xffff, v47  }
0x1c9: {  	[tilespmem:s19+$0xC450] =	vst.add.f32.msk $0xffff, v0  }
0x1ca: {  	v0 =	vld [tilespmem:$0x1FE70]  }
0x1cb: {  	[tilespmem:s19+$0xB810] =	vst.add.f32.msk $0xffff, v48  }
0x1cc: {  	[tilespmem:s19+$0xB820] =	vst.add.f32.msk $0xffff, v49  }
0x1cd: {  	[tilespmem:s19+$0xB830] =	vst.add.f32.msk $0xffff, v50  }
0x1ce: {  	[tilespmem:s19+$0xB840] =	vst.add.f32.msk $0xffff, v51  }
0x1cf: {  	[tilespmem:s19+$0xC460] =	vst.add.f32.msk $0xffff, v0  }
0x1d0: {  	v0 =	vld [tilespmem:$0x1FE80]  }
0x1d1: {  	[tilespmem:s19+$0xB850] =	vst.add.f32.msk $0xffff, v52  }
0x1d2: {  	[tilespmem:s19+$0xB860] =	vst.add.f32.msk $0xffff, v53  }
0x1d3: {  	[tilespmem:s19+$0xB870] =	vst.add.f32.msk $0xffff, v54  }
0x1d4: {  	[tilespmem:s19+$0xBC00] =	vst.add.f32.msk $0xffff, v55  }
0x1d5: {  	[tilespmem:s19+$0xC470] =	vst.add.f32.msk $0xffff, v0  }
0x1d6: {  	v0 =	vld [tilespmem:$0x1FE90]  }
0x1d7: {  	[tilespmem:s19+$0xBC10] =	vst.add.f32.msk $0xffff, v56  }
0x1d8: {  	[tilespmem:s19+$0xBC20] =	vst.add.f32.msk $0xffff, v57  }
0x1d9: {  	[tilespmem:s19+$0xBC30] =	vst.add.f32.msk $0xffff, v58  }
0x1da: {  	[tilespmem:s19+$0xBC40] =	vst.add.f32.msk $0xffff, v59  }
0x1db: {  	[tilespmem:s19+$0xC800] =	vst.add.f32.msk $0xffff, v0  }
0x1dc: {  	v0 =	vld [tilespmem:$0x1FEA0]  }
0x1dd: {  	[tilespmem:s19+$0xBC50] =	vst.add.f32.msk $0xffff, v60  }
0x1de: {  	[tilespmem:s19+$0xBC60] =	vst.add.f32.msk $0xffff, v61  }
0x1df: {  	[tilespmem:s19+$0xBC70] =	vst.add.f32.msk $0xffff, v62  }
0x1e0: {  	[tilespmem:s19+$0xC000] =	vst.add.f32.msk $0xffff, v63  }
0x1e1: {  	[tilespmem:s19+$0xC810] =	vst.add.f32.msk $0xffff, v0  }
0x1e2: {  	v0 =	vld [tilespmem:$0x1FEB0]  }
0x1e3: {  	[tilespmem:s19+$0xC020] =	vst.add.f32.msk $0xffff, v2  }
0x1e4: {  	[tilespmem:s19+$0xC040] =	vst.add.f32.msk $0xffff, v6  }
0x1e5: {  	[tilespmem:s19+$0xC050] =	vst.add.f32.msk $0xffff, v7  }
0x1e6: {  	v1 =	vld [tilespmem:s19+$0x2030]  }
0x1e7: {  	[tilespmem:s19+$0xC820] =	vst.add.f32.msk $0xffff, v0  }
0x1e8: {  	p0 =	sne.s32 s20, $0x1F;
	v0 =	vld [tilespmem:$0x1FEC0]  }
.Ltmp0:
0x1e9: {  	[tilespmem:s19+$0xC060] =	vst.add.f32.msk $0xffff, v8;
	(pc) =	sbr.rel @p0 .LBB2_3-.Ltmp0, $4  }
0x1ea: {  	[tilespmem:s19+$0xC070] =	vst.add.f32.msk $0xffff, v9  }
0x1eb: {  	[tilespmem:s19+$0xC400] =	vst.add.f32.msk $0xffff, v10  }
0x1ec: {  	[tilespmem:s19+$0xC030] =	vst.add.f32.msk $0xffff, v1  }
0x1ed: {  	s21 =	sshrl.u32 s20, $0x3;
	s20 =	sadd.s32 $0x1, s20;
	[tilespmem:s19+$0xC830] =	vst.add.f32.msk $0xffff, v0  }
0x1ee: {  	s20 =	smul.u32 $0x2800, s21;
	[tilespmem:s19+$0xC840] =	vst.add.f32.msk $0xffff, v5;
	s18 =	sadd.s32 $0x80, s18  }
0x1ef: {  	[tilespmem:s19+$0xC850] =	vst.add.f32.msk $0xffff, v4;
	s18 =	sand.u32 $0x380, s18  }
0x1f0: {  	[tilespmem:s19+$0xC860] =	vst.add.f32.msk $0xffff, v3;
	s18 =	sor.u32 s18, s20  }
0x1f1: {  	v0 =	vld [tilespmem:s18+$0x2870]  }
0x1f2: {  	v1 =	vld [tilespmem:s18+$0x400]  }
0x1f3: {  	v2 =	vld [tilespmem:s18+$0x410]  }
0x1f4: {  	v3 =	vld [tilespmem:s18+$0x420]  }
0x1f5: {  	v4 =	vld [tilespmem:s18+$0x430]  }
0x1f6: {  	v45 =	vld [tilespmem:s18+$0x440]  }
0x1f7: {  	v46 =	vld [tilespmem:s18+$0x450]  }
0x1f8: {  	v47 =	vld [tilespmem:s18+$0x460]  }
0x1f9: {  	v48 =	vld [tilespmem:s18+$0x470]  }
0x1fa: {  	v49 =	vld [tilespmem:s18+$0x800]  }
0x1fb: {  	v50 =	vld [tilespmem:s18+$0x810]  }
0x1fc: {  	v51 =	vld [tilespmem:s18+$0x820]  }
0x1fd: {  	v52 =	vld [tilespmem:s18+$0x830]  }
0x1fe: {  	v53 =	vld [tilespmem:s18+$0x840]  }
0x1ff: {  	v54 =	vld [tilespmem:s18+$0x850]  }
0x200: {  	v55 =	vld [tilespmem:s18+$0x860]  }
0x201: {  	v56 =	vld [tilespmem:s18+$0x870]  }
0x202: {  	v57 =	vld [tilespmem:s18+$0xC00]  }
0x203: {  	v58 =	vld [tilespmem:s18+$0xC10]  }
0x204: {  	v59 =	vld [tilespmem:s18+$0xC20]  }
0x205: {  	v60 =	vld [tilespmem:s18+$0xC30]  }
0x206: {  	v61 =	vld [tilespmem:s18+$0xC40]  }
0x207: {  	v62 =	vld [tilespmem:s18+$0xC50]  }
0x208: {  	v63 =	vld [tilespmem:s18+$0xC60]  }
0x209: {  	v8 =	vld [tilespmem:s18+$0xC70]  }
0x20a: {  	v9 =	vld [tilespmem:s18+$0x1000]  }
0x20b: {  	v10 =	vld [tilespmem:s18+$0x1010]  }
0x20c: {  	v11 =	vld [tilespmem:s18+$0x1020]  }
0x20d: {  	v12 =	vld [tilespmem:s18+$0x1030]  }
0x20e: {  	v13 =	vld [tilespmem:s18+$0x1040]  }
0x20f: {  	v14 =	vld [tilespmem:s18+$0x1050]  }
0x210: {  	v15 =	vld [tilespmem:s18+$0x1060]  }
0x211: {  	v16 =	vld [tilespmem:s18+$0x1070]  }
0x212: {  	v17 =	vld [tilespmem:s18+$0x1400]  }
0x213: {  	v18 =	vld [tilespmem:s18+$0x1410]  }
0x214: {  	v19 =	vld [tilespmem:s18+$0x1420]  }
0x215: {  	v20 =	vld [tilespmem:s18+$0x1430]  }
0x216: {  	v21 =	vld [tilespmem:s18+$0x1440]  }
0x217: {  	v22 =	vld [tilespmem:s18+$0x1450]  }
0x218: {  	v23 =	vld [tilespmem:s18+$0x1460]  }
0x219: {  	v24 =	vld [tilespmem:s18+$0x1470]  }
0x21a: {  	v25 =	vld [tilespmem:s18+$0x1800]  }
0x21b: {  	v26 =	vld [tilespmem:s18+$0x1810]  }
0x21c: {  	v27 =	vld [tilespmem:s18+$0x1820]  }
0x21d: {  	v28 =	vld [tilespmem:s18+$0x1830]  }
0x21e: {  	v29 =	vld [tilespmem:s18+$0x1840]  }
0x21f: {  	v30 =	vld [tilespmem:s18+$0x1850]  }
0x220: {  	v31 =	vld [tilespmem:s18+$0x1860]  }
0x221: {  	v32 =	vld [tilespmem:s18+$0x1870]  }
0x222: {  	v33 =	vld [tilespmem:s18+$0x1C00]  }
0x223: {  	v34 =	vld [tilespmem:s18+$0x1C10]  }
0x224: {  	v35 =	vld [tilespmem:s18+$0x1C20]  }
0x225: {  	v36 =	vld [tilespmem:s18+$0x1C30]  }
0x226: {  	v37 =	vld [tilespmem:s18+$0x1C40]  }
0x227: {  	v38 =	vld [tilespmem:s18+$0x1C50]  }
0x228: {  	v39 =	vld [tilespmem:s18+$0x1C60]  }
0x229: {  	v40 =	vld [tilespmem:s18+$0x1C70]  }
0x22a: {  	v41 =	vld [tilespmem:s18+$0x2000]  }
0x22b: {  	v42 =	vld [tilespmem:s18+$0x2010]  }
0x22c: {  	v43 =	vld [tilespmem:s18+$0x2020]  }
0x22d: {  	v44 =	vld [tilespmem:s18+$0x2030]  }
0x22e: {  	[tilespmem:s18+$0xC870] =	vst.add.f32.msk $0xffff, v0  }
0x22f: {  	[tilespmem:s18+$0xA400] =	vst.add.f32.msk $0xffff, v1  }
0x230: {  	[tilespmem:s18+$0xA410] =	vst.add.f32.msk $0xffff, v2  }
0x231: {  	[tilespmem:s18+$0xA420] =	vst.add.f32.msk $0xffff, v3  }
0x232: {  	[tilespmem:s18+$0xA430] =	vst.add.f32.msk $0xffff, v4  }
0x233: {  	[tilespmem:s18+$0xA440] =	vst.add.f32.msk $0xffff, v45  }
0x234: {  	[tilespmem:s18+$0xA450] =	vst.add.f32.msk $0xffff, v46  }
0x235: {  	[tilespmem:s18+$0xA460] =	vst.add.f32.msk $0xffff, v47  }
0x236: {  	[tilespmem:s18+$0xA470] =	vst.add.f32.msk $0xffff, v48  }
0x237: {  	[tilespmem:s18+$0xA800] =	vst.add.f32.msk $0xffff, v49  }
0x238: {  	[tilespmem:s18+$0xA810] =	vst.add.f32.msk $0xffff, v50  }
0x239: {  	[tilespmem:s18+$0xA820] =	vst.add.f32.msk $0xffff, v51  }
0x23a: {  	[tilespmem:s18+$0xA830] =	vst.add.f32.msk $0xffff, v52  }
0x23b: {  	[tilespmem:s18+$0xA840] =	vst.add.f32.msk $0xffff, v53  }
0x23c: {  	[tilespmem:s18+$0xA850] =	vst.add.f32.msk $0xffff, v54  }
0x23d: {  	[tilespmem:s18+$0xA860] =	vst.add.f32.msk $0xffff, v55  }
0x23e: {  	[tilespmem:s18+$0xA870] =	vst.add.f32.msk $0xffff, v56  }
0x23f: {  	[tilespmem:s18+$0xAC00] =	vst.add.f32.msk $0xffff, v57  }
0x240: {  	[tilespmem:s18+$0xAC10] =	vst.add.f32.msk $0xffff, v58  }
0x241: {  	[tilespmem:s18+$0xAC20] =	vst.add.f32.msk $0xffff, v59  }
0x242: {  	[tilespmem:s18+$0xAC30] =	vst.add.f32.msk $0xffff, v60  }
0x243: {  	[tilespmem:s18+$0xAC40] =	vst.add.f32.msk $0xffff, v61  }
0x244: {  	[tilespmem:s18+$0xAC50] =	vst.add.f32.msk $0xffff, v62  }
0x245: {  	[tilespmem:s18+$0xAC60] =	vst.add.f32.msk $0xffff, v63  }
0x246: {  	[tilespmem:s18+$0xAC70] =	vst.add.f32.msk $0xffff, v8  }
0x247: {  	[tilespmem:s18+$0xB000] =	vst.add.f32.msk $0xffff, v9  }
0x248: {  	[tilespmem:s18+$0xB010] =	vst.add.f32.msk $0xffff, v10  }
0x249: {  	[tilespmem:s18+$0xB020] =	vst.add.f32.msk $0xffff, v11  }
0x24a: {  	[tilespmem:s18+$0xB030] =	vst.add.f32.msk $0xffff, v12  }
0x24b: {  	[tilespmem:s18+$0xB040] =	vst.add.f32.msk $0xffff, v13  }
0x24c: {  	[tilespmem:s18+$0xB050] =	vst.add.f32.msk $0xffff, v14  }
0x24d: {  	[tilespmem:s18+$0xB060] =	vst.add.f32.msk $0xffff, v15  }
0x24e: {  	[tilespmem:s18+$0xB070] =	vst.add.f32.msk $0xffff, v16  }
0x24f: {  	[tilespmem:s18+$0xB400] =	vst.add.f32.msk $0xffff, v17  }
0x250: {  	[tilespmem:s18+$0xB410] =	vst.add.f32.msk $0xffff, v18  }
0x251: {  	[tilespmem:s18+$0xB420] =	vst.add.f32.msk $0xffff, v19  }
0x252: {  	[tilespmem:s18+$0xB430] =	vst.add.f32.msk $0xffff, v20  }
0x253: {  	[tilespmem:s18+$0xB440] =	vst.add.f32.msk $0xffff, v21  }
0x254: {  	[tilespmem:s18+$0xB450] =	vst.add.f32.msk $0xffff, v22  }
0x255: {  	[tilespmem:s18+$0xB460] =	vst.add.f32.msk $0xffff, v23  }
0x256: {  	[tilespmem:s18+$0xB470] =	vst.add.f32.msk $0xffff, v24  }
0x257: {  	[tilespmem:s18+$0xB800] =	vst.add.f32.msk $0xffff, v25  }
0x258: {  	[tilespmem:s18+$0xB810] =	vst.add.f32.msk $0xffff, v26  }
0x259: {  	[tilespmem:s18+$0xB820] =	vst.add.f32.msk $0xffff, v27  }
0x25a: {  	[tilespmem:s18+$0xB830] =	vst.add.f32.msk $0xffff, v28  }
0x25b: {  	[tilespmem:s18+$0xB840] =	vst.add.f32.msk $0xffff, v29  }
0x25c: {  	[tilespmem:s18+$0xB850] =	vst.add.f32.msk $0xffff, v30  }
0x25d: {  	[tilespmem:s18+$0xB860] =	vst.add.f32.msk $0xffff, v31  }
0x25e: {  	[tilespmem:s18+$0xB870] =	vst.add.f32.msk $0xffff, v32  }
0x25f: {  	[tilespmem:s18+$0xBC00] =	vst.add.f32.msk $0xffff, v33  }
0x260: {  	[tilespmem:s18+$0xBC10] =	vst.add.f32.msk $0xffff, v34  }
0x261: {  	[tilespmem:s18+$0xBC20] =	vst.add.f32.msk $0xffff, v35  }
0x262: {  	[tilespmem:s18+$0xBC30] =	vst.add.f32.msk $0xffff, v36  }
0x263: {  	[tilespmem:s18+$0xBC40] =	vst.add.f32.msk $0xffff, v37  }
0x264: {  	[tilespmem:s18+$0xBC50] =	vst.add.f32.msk $0xffff, v38  }
0x265: {  	[tilespmem:s18+$0xBC60] =	vst.add.f32.msk $0xffff, v39  }
0x266: {  	[tilespmem:s18+$0xBC70] =	vst.add.f32.msk $0xffff, v40  }
0x267: {  	v45 =	vld [tilespmem:s18+$0x2040]  }
0x268: {  	[tilespmem:s18+$0xC000] =	vst.add.f32.msk $0xffff, v41  }
0x269: {  	v46 =	vld [tilespmem:s18+$0x2050]  }
0x26a: {  	[tilespmem:s18+$0xC010] =	vst.add.f32.msk $0xffff, v42  }
0x26b: {  	v47 =	vld [tilespmem:s18+$0x2060]  }
0x26c: {  	[tilespmem:s18+$0xC020] =	vst.add.f32.msk $0xffff, v43  }
0x26d: {  	v48 =	vld [tilespmem:s18+$0x2070]  }
0x26e: {  	[tilespmem:s18+$0xC030] =	vst.add.f32.msk $0xffff, v44  }
0x26f: {  	v49 =	vld [tilespmem:s18+$0x2400]  }
0x270: {  	v50 =	vld [tilespmem:s18+$0x2410]  }
0x271: {  	v51 =	vld [tilespmem:s18+$0x2420]  }
0x272: {  	v52 =	vld [tilespmem:s18+$0x2430]  }
0x273: {  	v53 =	vld [tilespmem:s18+$0x2440]  }
0x274: {  	v54 =	vld [tilespmem:s18+$0x2450]  }
0x275: {  	v55 =	vld [tilespmem:s18+$0x2460]  }
0x276: {  	v56 =	vld [tilespmem:s18+$0x2470]  }
0x277: {  	v57 =	vld [tilespmem:s18+$0x2800]  }
0x278: {  	v58 =	vld [tilespmem:s18+$0x2810]  }
0x279: {  	v59 =	vld [tilespmem:s18+$0x2820]  }
0x27a: {  	v60 =	vld [tilespmem:s18+$0x2830]  }
0x27b: {  	v61 =	vld [tilespmem:s18+$0x2840]  }
0x27c: {  	v62 =	vld [tilespmem:s18+$0x2850]  }
0x27d: {  	v63 =	vld [tilespmem:s18+$0x2860]  }
0x27e: {  	[tilespmem:s18+$0xC040] =	vst.add.f32.msk $0xffff, v45  }
0x27f: {  	[tilespmem:s18+$0xC050] =	vst.add.f32.msk $0xffff, v46  }
0x280: {  	[tilespmem:s18+$0xC060] =	vst.add.f32.msk $0xffff, v47  }
0x281: {  	[tilespmem:s18+$0xC070] =	vst.add.f32.msk $0xffff, v48  }
0x282: {  	[tilespmem:s18+$0xC400] =	vst.add.f32.msk $0xffff, v49  }
0x283: {  	[tilespmem:s18+$0xC410] =	vst.add.f32.msk $0xffff, v50  }
0x284: {  	[tilespmem:s18+$0xC420] =	vst.add.f32.msk $0xffff, v51  }
0x285: {  	[tilespmem:s18+$0xC430] =	vst.add.f32.msk $0xffff, v52  }
0x286: {  	[tilespmem:s18+$0xC440] =	vst.add.f32.msk $0xffff, v53  }
0x287: {  	[tilespmem:s18+$0xC450] =	vst.add.f32.msk $0xffff, v54  }
0x288: {  	[tilespmem:s18+$0xC460] =	vst.add.f32.msk $0xffff, v55  }
0x289: {  	[tilespmem:s18+$0xC470] =	vst.add.f32.msk $0xffff, v56  }
0x28a: {  	[tilespmem:s18+$0xC800] =	vst.add.f32.msk $0xffff, v57  }
0x28b: {  	s21 =	sshll.u32 s16, $0xB;
	[tilespmem:s18+$0xC810] =	vst.add.f32.msk $0xffff, v58  }
0x28c: {  	s19 =	sor.u32 s5, s21;
	[tilespmem:s18+$0xC820] =	vst.add.f32.msk $0xffff, v59  }
0x28d: {  	s19 =	sshrl.u32 s19, $0x3;
	[tilespmem:s18+$0xC830] =	vst.add.f32.msk $0xffff, v60  }
0x28e: {  	s19 =	smul.u32 $0x500, s19;
	[tilespmem:s18+$0xC840] =	vst.add.f32.msk $0xffff, v61  }
0x28f: {  	p0 =	seq.s32 s16, $0xF;
	[tilespmem:s18+$0xC850] =	vst.add.f32.msk $0xffff, v62  }
.Ltmp1:
0x290: {  	s22 =	sadd.s32 s3, s19;
	[tilespmem:s18+$0xC860] =	vst.add.f32.msk $0xffff, v63;
	(pc) =	sbr.rel @p0 .LBB2_6-.Ltmp1, $4  }
0x291: {  	[hbm4b:s22+s4] =	stream.linear.scatter [tilespmem:s15], [sflag:$0x3], $0xA000, $0x38;
	[tilespmem:$0x1E400] =	vst v63  }
0x292: {  	_ =	swait.ge [sflag:s6], $0xA000  }
0x293: {  	[sflag:s6] =	ssyncset.done $0x0  }
0x294: {  	[sflag:s6] =	ssyncadd.s32 $0xFFFF6000  }
0x295: {  	_ =	swait.ge [sflag:s13], $0xA000  }
0x296: {  	s18 =	sshll.u32 s16, $0x6;
	[sflag:s13] =	ssyncset.done $0x0  }
0x297: {  	s18 =	sand.u32 $0x3FFFFFC0, s18;
	[sflag:s13] =	ssyncadd.s32 $0xFFFF6000  }
0x298: {  	v0 =	vld [tilespmem:s18+$0x40];
	_ =	sdelay $0x3  }
0x299: {  	v2 =	vld [tilespmem:$0x1FFD0]  }
0x29a: {  	v1 =	vshrl.u32 v0, $0x3  }
0x29b: {  	v3 =	vld [tilespmem:$0x1FFE0];
	v1 =	vmul.u32 $0x50, v1  }
0x29c: {  	v0 =	vand.u32 $0x7, v0  }
0x29d: {  	v0 =	vor.u32 v0, v1  }
0x29e: {  	v1 =	vperm.xlane v0, v2;
	_ =	sdelay $0x1  }
0x29f: {  	v1 =	vadd.s32 v3, v1;
	_ =	sdelay $0x2  }
0x2a0: {  	v4 =	vld [tilespmem:$0x1FFF0];
	_ =	sdelay $0x1  }
0x2a1: {  	[tilespmem:s15], [sflag:$0x1] =	stream.indirect_vreg.gather [hbm4b:s1+s4], $0x80, v1, vm0, $0xb8;
	[tilespmem:$0x1E400] =	vst v63  }
0x2a2: {  	s19 =	simm.s32 $0xAC00  }
0x2a3: {  	[tilespmem:s19], [sflag:$0x1] =	stream.indirect_vreg.gather [hbm4b:s8+s4], $0x80, v1, vm0, $0xb8;
	[tilespmem:$0x1E400] =	vst v63  }
0x2a4: {  	s22 =	simm.s32 $0xB400;
	v0 =	vperm.xlane v0, v4  }
0x2a5: {  	[tilespmem:s22], [sflag:$0x1] =	stream.indirect_vreg.gather [hbm4b:s9+s4], $0x80, v1, vm0, $0xb8;
	[tilespmem:$0x1E400] =	vst v63  }
0x2a6: {  	s20 =	simm.s32 $0xBC00;
	v0 =	vadd.s32 v3, v0  }
0x2a7: {  	[tilespmem:s20], [sflag:$0x1] =	stream.indirect_vreg.gather [hbm4b:s10+s4], $0x80, v1, vm0, $0xb8;
	[tilespmem:$0x1E400] =	vst v63  }
0x2a8: {  	s21 =	simm.s32 $0xC400  }
0x2a9: {  	[tilespmem:s21], [sflag:$0x1] =	stream.indirect_vreg.gather [hbm4b:s11+s4], $0x80, v1, vm0, $0xb8;
	[tilespmem:$0x1E400] =	vst v63  }
0x2aa: {  	s22 =	simm.s32 $0xCC00  }
0x2ab: {  	[tilespmem:s22], [sflag:$0x1] =	stream.indirect_vreg.gather [hbm4b:s1+s4], $0x80, v0, vm0, $0xb8;
	[tilespmem:$0x1E400] =	vst v63  }
0x2ac: {  	s20 =	simm.s32 $0xD400  }
0x2ad: {  	[tilespmem:s20], [sflag:$0x1] =	stream.indirect_vreg.gather [hbm4b:s8+s4], $0x80, v0, vm0, $0xb8;
	[tilespmem:$0x1E400] =	vst v63  }
0x2ae: {  	s21 =	simm.s32 $0xDC00  }
0x2af: {  	[tilespmem:s21], [sflag:$0x1] =	stream.indirect_vreg.gather [hbm4b:s9+s4], $0x80, v0, vm0, $0xb8;
	[tilespmem:$0x1E400] =	vst v63  }
0x2b0: {  	s22 =	simm.s32 $0xE400  }
0x2b1: {  	[tilespmem:s22], [sflag:$0x1] =	stream.indirect_vreg.gather [hbm4b:s10+s4], $0x80, v0, vm0, $0xb8;
	[tilespmem:$0x1E400] =	vst v63  }
0x2b2: {  	s20 =	simm.s32 $0xEC00  }
0x2b3: {  	[tilespmem:s20], [sflag:$0x1] =	stream.indirect_vreg.gather [hbm4b:s11+s4], $0x80, v0, vm0, $0xb8;
	[tilespmem:$0x1E400] =	vst v63  }
0x2b4: {  	v0 =	vld [tilespmem:s18+$0x50];
	_ =	sdelay $0x4  }
0x2b5: {  	v63 =	vshrl.u32 v0, $0x3  }
0x2b6: {  	v1 =	vmul.u32 $0x50, v63  }
0x2b7: {  	v0 =	vand.u32 $0x7, v0  }
0x2b8: {  	v0 =	vor.u32 v0, v1  }
0x2b9: {  	v1 =	vperm.xlane v0, v2;
	_ =	sdelay $0x1  }
0x2ba: {  	v1 =	vadd.s32 v3, v1;
	_ =	sdelay $0x3  }
0x2bb: {  	s21 =	simm.s32 $0xF400  }
0x2bc: {  	[tilespmem:s21], [sflag:$0x1] =	stream.indirect_vreg.gather [hbm4b:s1+s4], $0x80, v1, vm0, $0xb8;
	[tilespmem:$0x1E400] =	vst v63  }
0x2bd: {  	s22 =	simm.s32 $0xFC00  }
0x2be: {  	[tilespmem:s22], [sflag:$0x1] =	stream.indirect_vreg.gather [hbm4b:s8+s4], $0x80, v1, vm0, $0xb8;
	[tilespmem:$0x1E400] =	vst v63  }
0x2bf: {  	s19 =	simm.s32 $0x10400;
	v0 =	vperm.xlane v0, v4  }
0x2c0: {  	[tilespmem:s19], [sflag:$0x1] =	stream.indirect_vreg.gather [hbm4b:s9+s4], $0x80, v1, vm0, $0xb8;
	[tilespmem:$0x1E400] =	vst v63  }
0x2c1: {  	s20 =	simm.s32 $0x10C00;
	v0 =	vadd.s32 v3, v0  }
0x2c2: {  	[tilespmem:s20], [sflag:$0x1] =	stream.indirect_vreg.gather [hbm4b:s10+s4], $0x80, v1, vm0, $0xb8;
	[tilespmem:$0x1E400] =	vst v63  }
0x2c3: {  	s21 =	simm.s32 $0x11400  }
0x2c4: {  	[tilespmem:s21], [sflag:$0x1] =	stream.indirect_vreg.gather [hbm4b:s11+s4], $0x80, v1, vm0, $0xb8;
	[tilespmem:$0x1E400] =	vst v63  }
0x2c5: {  	s22 =	simm.s32 $0x11C00  }
0x2c6: {  	[tilespmem:s22], [sflag:$0x1] =	stream.indirect_vreg.gather [hbm4b:s1+s4], $0x80, v0, vm0, $0xb8;
	[tilespmem:$0x1E400] =	vst v63  }
0x2c7: {  	s19 =	simm.s32 $0x12400  }
0x2c8: {  	[tilespmem:s19], [sflag:$0x1] =	stream.indirect_vreg.gather [hbm4b:s8+s4], $0x80, v0, vm0, $0xb8;
	[tilespmem:$0x1E400] =	vst v63  }
0x2c9: {  	s20 =	simm.s32 $0x12C00  }
0x2ca: {  	[tilespmem:s20], [sflag:$0x1] =	stream.indirect_vreg.gather [hbm4b:s9+s4], $0x80, v0, vm0, $0xb8;
	[tilespmem:$0x1E400] =	vst v63  }
0x2cb: {  	s21 =	simm.s32 $0x13400  }
0x2cc: {  	[tilespmem:s21], [sflag:$0x1] =	stream.indirect_vreg.gather [hbm4b:s10+s4], $0x80, v0, vm0, $0xb8;
	[tilespmem:$0x1E400] =	vst v63  }
0x2cd: {  	s22 =	simm.s32 $0x13C00  }
0x2ce: {  	[tilespmem:s22], [sflag:$0x1] =	stream.indirect_vreg.gather [hbm4b:s11+s4], $0x80, v0, vm0, $0xb8;
	[tilespmem:$0x1E400] =	vst v63  }
.LBB2_6:
0x2cf: {  	s18 =	simm.s32 $0x0  }
0x2d0: {  	s19 =	simm.s32 $0x0;
	s18 =	smul.u32 $0x2800, s18  }
0x2d1: {  	s20 =	sand.u32 $0x380, s19  }
0x2d2: {  	s18 =	sor.u32 s20, s18  }
0x2d3: {  	v0 =	vld [tilespmem:s18+$0x2870]  }
0x2d4: {  	v1 =	vld [tilespmem:s18+$0x400]  }
0x2d5: {  	v8 =	vld [tilespmem:s18+$0x450]  }
0x2d6: {  	v9 =	vld [tilespmem:s18+$0x460]  }
0x2d7: {  	v10 =	vld [tilespmem:s18+$0x470]  }
0x2d8: {  	v11 =	vld [tilespmem:s18+$0x800]  }
0x2d9: {  	v12 =	vld [tilespmem:s18+$0x810]  }
0x2da: {  	v13 =	vld [tilespmem:s18+$0x820]  }
0x2db: {  	v14 =	vld [tilespmem:s18+$0x830]  }
0x2dc: {  	v15 =	vld [tilespmem:s18+$0x840]  }
0x2dd: {  	v16 =	vld [tilespmem:s18+$0x850]  }
0x2de: {  	v17 =	vld [tilespmem:s18+$0x860]  }
0x2df: {  	v18 =	vld [tilespmem:s18+$0x870]  }
0x2e0: {  	v19 =	vld [tilespmem:s18+$0xC00]  }
0x2e1: {  	v20 =	vld [tilespmem:s18+$0xC10]  }
0x2e2: {  	v21 =	vld [tilespmem:s18+$0xC20]  }
0x2e3: {  	[tilespmem:s18+$0x16870] =	vst.add.f32.msk $0xffff, v0  }
0x2e4: {  	v0 =	vld [tilespmem:s18+$0x440]  }
0x2e5: {  	v22 =	vld [tilespmem:s18+$0xC30]  }
0x2e6: {  	v23 =	vld [tilespmem:s18+$0xC40]  }
0x2e7: {  	v24 =	vld [tilespmem:s18+$0xC50]  }
0x2e8: {  	v25 =	vld [tilespmem:s18+$0xC60]  }
0x2e9: {  	[tilespmem:$0x1FD10] =	vst v0;
	v0 =	vld [tilespmem:s18+$0x2410]  }
0x2ea: {  	v26 =	vld [tilespmem:s18+$0xC70]  }
0x2eb: {  	v27 =	vld [tilespmem:s18+$0x1000]  }
0x2ec: {  	v28 =	vld [tilespmem:s18+$0x1010]  }
0x2ed: {  	v29 =	vld [tilespmem:s18+$0x1020]  }
0x2ee: {  	[tilespmem:$0x1FD20] =	vst v0;
	v0 =	vld [tilespmem:s18+$0x2420]  }
0x2ef: {  	v30 =	vld [tilespmem:s18+$0x1030]  }
0x2f0: {  	v31 =	vld [tilespmem:s18+$0x1040]  }
0x2f1: {  	v32 =	vld [tilespmem:s18+$0x1050]  }
0x2f2: {  	v33 =	vld [tilespmem:s18+$0x1060]  }
0x2f3: {  	[tilespmem:$0x1FD30] =	vst v0;
	v0 =	vld [tilespmem:s18+$0x2430]  }
0x2f4: {  	v34 =	vld [tilespmem:s18+$0x1070]  }
0x2f5: {  	v35 =	vld [tilespmem:s18+$0x1400]  }
0x2f6: {  	v36 =	vld [tilespmem:s18+$0x1410]  }
0x2f7: {  	v37 =	vld [tilespmem:s18+$0x1420]  }
0x2f8: {  	[tilespmem:$0x1FD40] =	vst v0;
	v0 =	vld [tilespmem:s18+$0x2440]  }
0x2f9: {  	v38 =	vld [tilespmem:s18+$0x1430]  }
0x2fa: {  	v39 =	vld [tilespmem:s18+$0x1440]  }
0x2fb: {  	v40 =	vld [tilespmem:s18+$0x1450]  }
0x2fc: {  	v41 =	vld [tilespmem:s18+$0x1460]  }
0x2fd: {  	[tilespmem:$0x1FD50] =	vst v0;
	v0 =	vld [tilespmem:s18+$0x2450]  }
0x2fe: {  	v42 =	vld [tilespmem:s18+$0x1470]  }
0x2ff: {  	v43 =	vld [tilespmem:s18+$0x1800]  }
0x300: {  	v44 =	vld [tilespmem:s18+$0x1810]  }
0x301: {  	v45 =	vld [tilespmem:s18+$0x1820]  }
0x302: {  	[tilespmem:$0x1FD60] =	vst v0;
	v0 =	vld [tilespmem:s18+$0x2460]  }
0x303: {  	v46 =	vld [tilespmem:s18+$0x1830]  }
0x304: {  	v47 =	vld [tilespmem:s18+$0x1840]  }
0x305: {  	v48 =	vld [tilespmem:s18+$0x1850]  }
0x306: {  	v49 =	vld [tilespmem:s18+$0x1860]  }
0x307: {  	[tilespmem:$0x1FD70] =	vst v0;
	v0 =	vld [tilespmem:s18+$0x2470]  }
0x308: {  	v50 =	vld [tilespmem:s18+$0x1870]  }
0x309: {  	v51 =	vld [tilespmem:s18+$0x1C00]  }
0x30a: {  	v52 =	vld [tilespmem:s18+$0x1C10]  }
0x30b: {  	v53 =	vld [tilespmem:s18+$0x1C20]  }
0x30c: {  	[tilespmem:$0x1FD80] =	vst v0;
	v0 =	vld [tilespmem:s18+$0x2800]  }
0x30d: {  	v54 =	vld [tilespmem:s18+$0x1C30]  }
0x30e: {  	v55 =	vld [tilespmem:s18+$0x1C40]  }
0x30f: {  	v56 =	vld [tilespmem:s18+$0x1C50]  }
0x310: {  	v57 =	vld [tilespmem:s18+$0x1C60]  }
0x311: {  	[tilespmem:$0x1FD90] =	vst v0;
	v0 =	vld [tilespmem:s18+$0x2810]  }
0x312: {  	v58 =	vld [tilespmem:s18+$0x1C70]  }
0x313: {  	v59 =	vld [tilespmem:s18+$0x2000]  }
0x314: {  	v60 =	vld [tilespmem:s18+$0x2010]  }
0x315: {  	v61 =	vld [tilespmem:s18+$0x2020]  }
0x316: {  	[tilespmem:$0x1FDA0] =	vst v0;
	v0 =	vld [tilespmem:s18+$0x2820]  }
0x317: {  	v62 =	vld [tilespmem:s18+$0x2030]  }
0x318: {  	v63 =	vld [tilespmem:s18+$0x2040]  }
0x319: {  	v2 =	vld [tilespmem:s18+$0x2060]  }
0x31a: {  	v6 =	vld [tilespmem:s18+$0x2070]  }
0x31b: {  	[tilespmem:$0x1FDB0] =	vst v0;
	v0 =	vld [tilespmem:s18+$0x2830]  }
0x31c: {  	v7 =	vld [tilespmem:s18+$0x2400]  }
0x31d: {  	v5 =	vld [tilespmem:s18+$0x2840]  }
0x31e: {  	v4 =	vld [tilespmem:s18+$0x2850]  }
0x31f: {  	[tilespmem:$0x1FCD0] =	vst v1;
	v1 =	vld [tilespmem:s18+$0x410]  }
0x320: {  	[tilespmem:$0x1FDC0] =	vst v0;
	v0 =	vld [tilespmem:$0x1FCD0]  }
0x321: {  	[tilespmem:s18+$0x14450] =	vst.add.f32.msk $0xffff, v8  }
0x322: {  	[tilespmem:s18+$0x14460] =	vst.add.f32.msk $0xffff, v9  }
0x323: {  	[tilespmem:s18+$0x14470] =	vst.add.f32.msk $0xffff, v10  }
0x324: {  	[tilespmem:$0x1FCE0] =	vst v1;
	v1 =	vld [tilespmem:s18+$0x420]  }
0x325: {  	[tilespmem:s18+$0x14400] =	vst.add.f32.msk $0xffff, v0  }
0x326: {  	v0 =	vld [tilespmem:$0x1FCE0]  }
0x327: {  	[tilespmem:s18+$0x14800] =	vst.add.f32.msk $0xffff, v11  }
0x328: {  	[tilespmem:s18+$0x14810] =	vst.add.f32.msk $0xffff, v12  }
0x329: {  	[tilespmem:s18+$0x14820] =	vst.add.f32.msk $0xffff, v13  }
0x32a: {  	[tilespmem:$0x1FCF0] =	vst v1;
	v1 =	vld [tilespmem:s18+$0x430]  }
0x32b: {  	[tilespmem:s18+$0x14410] =	vst.add.f32.msk $0xffff, v0  }
0x32c: {  	v0 =	vld [tilespmem:$0x1FCF0]  }
0x32d: {  	[tilespmem:s18+$0x14830] =	vst.add.f32.msk $0xffff, v14  }
0x32e: {  	[tilespmem:s18+$0x14840] =	vst.add.f32.msk $0xffff, v15  }
0x32f: {  	[tilespmem:s18+$0x14850] =	vst.add.f32.msk $0xffff, v16  }
0x330: {  	v3 =	vld [tilespmem:s18+$0x2860];
	[tilespmem:$0x1FD00] =	vst v1  }
0x331: {  	[tilespmem:s18+$0x14420] =	vst.add.f32.msk $0xffff, v0  }
0x332: {  	v0 =	vld [tilespmem:$0x1FD00]  }
0x333: {  	[tilespmem:s18+$0x14860] =	vst.add.f32.msk $0xffff, v17  }
0x334: {  	[tilespmem:s18+$0x14870] =	vst.add.f32.msk $0xffff, v18  }
0x335: {  	[tilespmem:s18+$0x14C00] =	vst.add.f32.msk $0xffff, v19  }
0x336: {  	[tilespmem:s18+$0x14C10] =	vst.add.f32.msk $0xffff, v20  }
0x337: {  	[tilespmem:s18+$0x14430] =	vst.add.f32.msk $0xffff, v0  }
0x338: {  	v0 =	vld [tilespmem:$0x1FD10]  }
0x339: {  	[tilespmem:s18+$0x14C20] =	vst.add.f32.msk $0xffff, v21  }
0x33a: {  	[tilespmem:s18+$0x14C30] =	vst.add.f32.msk $0xffff, v22  }
0x33b: {  	[tilespmem:s18+$0x14C40] =	vst.add.f32.msk $0xffff, v23  }
0x33c: {  	[tilespmem:s18+$0x14C50] =	vst.add.f32.msk $0xffff, v24  }
0x33d: {  	[tilespmem:s18+$0x14440] =	vst.add.f32.msk $0xffff, v0  }
0x33e: {  	v0 =	vld [tilespmem:$0x1FD20]  }
0x33f: {  	[tilespmem:s18+$0x14C60] =	vst.add.f32.msk $0xffff, v25  }
0x340: {  	[tilespmem:s18+$0x14C70] =	vst.add.f32.msk $0xffff, v26  }
0x341: {  	[tilespmem:s18+$0x15000] =	vst.add.f32.msk $0xffff, v27  }
0x342: {  	[tilespmem:s18+$0x15010] =	vst.add.f32.msk $0xffff, v28  }
0x343: {  	[tilespmem:s18+$0x16410] =	vst.add.f32.msk $0xffff, v0  }
0x344: {  	v0 =	vld [tilespmem:$0x1FD30]  }
0x345: {  	[tilespmem:s18+$0x15020] =	vst.add.f32.msk $0xffff, v29  }
0x346: {  	[tilespmem:s18+$0x15030] =	vst.add.f32.msk $0xffff, v30  }
0x347: {  	[tilespmem:s18+$0x15040] =	vst.add.f32.msk $0xffff, v31  }
0x348: {  	[tilespmem:s18+$0x15050] =	vst.add.f32.msk $0xffff, v32  }
0x349: {  	[tilespmem:s18+$0x16420] =	vst.add.f32.msk $0xffff, v0  }
0x34a: {  	v0 =	vld [tilespmem:$0x1FD40]  }
0x34b: {  	[tilespmem:s18+$0x15060] =	vst.add.f32.msk $0xffff, v33  }
0x34c: {  	[tilespmem:s18+$0x15070] =	vst.add.f32.msk $0xffff, v34  }
0x34d: {  	[tilespmem:s18+$0x15400] =	vst.add.f32.msk $0xffff, v35  }
0x34e: {  	[tilespmem:s18+$0x15410] =	vst.add.f32.msk $0xffff, v36  }
0x34f: {  	[tilespmem:s18+$0x16430] =	vst.add.f32.msk $0xffff, v0  }
0x350: {  	v0 =	vld [tilespmem:$0x1FD50]  }
0x351: {  	[tilespmem:s18+$0x15420] =	vst.add.f32.msk $0xffff, v37  }
0x352: {  	[tilespmem:s18+$0x15430] =	vst.add.f32.msk $0xffff, v38  }
0x353: {  	[tilespmem:s18+$0x15440] =	vst.add.f32.msk $0xffff, v39  }
0x354: {  	[tilespmem:s18+$0x15450] =	vst.add.f32.msk $0xffff, v40  }
0x355: {  	[tilespmem:s18+$0x16440] =	vst.add.f32.msk $0xffff, v0  }
0x356: {  	v0 =	vld [tilespmem:$0x1FD60]  }
0x357: {  	[tilespmem:s18+$0x15460] =	vst.add.f32.msk $0xffff, v41  }
0x358: {  	[tilespmem:s18+$0x15470] =	vst.add.f32.msk $0xffff, v42  }
0x359: {  	[tilespmem:s18+$0x15800] =	vst.add.f32.msk $0xffff, v43  }
0x35a: {  	[tilespmem:s18+$0x15810] =	vst.add.f32.msk $0xffff, v44  }
0x35b: {  	[tilespmem:s18+$0x16450] =	vst.add.f32.msk $0xffff, v0  }
0x35c: {  	v0 =	vld [tilespmem:$0x1FD70]  }
0x35d: {  	[tilespmem:s18+$0x15820] =	vst.add.f32.msk $0xffff, v45  }
0x35e: {  	[tilespmem:s18+$0x15830] =	vst.add.f32.msk $0xffff, v46  }
0x35f: {  	[tilespmem:s18+$0x15840] =	vst.add.f32.msk $0xffff, v47  }
0x360: {  	[tilespmem:s18+$0x15850] =	vst.add.f32.msk $0xffff, v48  }
0x361: {  	[tilespmem:s18+$0x16460] =	vst.add.f32.msk $0xffff, v0  }
0x362: {  	v0 =	vld [tilespmem:$0x1FD80]  }
0x363: {  	[tilespmem:s18+$0x15860] =	vst.add.f32.msk $0xffff, v49  }
0x364: {  	[tilespmem:s18+$0x15870] =	vst.add.f32.msk $0xffff, v50  }
0x365: {  	[tilespmem:s18+$0x15C00] =	vst.add.f32.msk $0xffff, v51  }
0x366: {  	[tilespmem:s18+$0x15C10] =	vst.add.f32.msk $0xffff, v52  }
0x367: {  	[tilespmem:s18+$0x16470] =	vst.add.f32.msk $0xffff, v0  }
0x368: {  	v0 =	vld [tilespmem:$0x1FD90]  }
0x369: {  	[tilespmem:s18+$0x15C20] =	vst.add.f32.msk $0xffff, v53  }
0x36a: {  	[tilespmem:s18+$0x15C30] =	vst.add.f32.msk $0xffff, v54  }
0x36b: {  	[tilespmem:s18+$0x15C40] =	vst.add.f32.msk $0xffff, v55  }
0x36c: {  	[tilespmem:s18+$0x15C50] =	vst.add.f32.msk $0xffff, v56  }
0x36d: {  	[tilespmem:s18+$0x16800] =	vst.add.f32.msk $0xffff, v0  }
0x36e: {  	v0 =	vld [tilespmem:$0x1FDA0]  }
0x36f: {  	[tilespmem:s18+$0x15C60] =	vst.add.f32.msk $0xffff, v57  }
0x370: {  	[tilespmem:s18+$0x15C70] =	vst.add.f32.msk $0xffff, v58  }
0x371: {  	[tilespmem:s18+$0x16000] =	vst.add.f32.msk $0xffff, v59  }
0x372: {  	[tilespmem:s18+$0x16010] =	vst.add.f32.msk $0xffff, v60  }
0x373: {  	[tilespmem:s18+$0x16810] =	vst.add.f32.msk $0xffff, v0  }
0x374: {  	v0 =	vld [tilespmem:$0x1FDB0]  }
0x375: {  	[tilespmem:s18+$0x16020] =	vst.add.f32.msk $0xffff, v61  }
0x376: {  	[tilespmem:s18+$0x16030] =	vst.add.f32.msk $0xffff, v62  }
0x377: {  	[tilespmem:s18+$0x16040] =	vst.add.f32.msk $0xffff, v63  }
0x378: {  	v1 =	vld [tilespmem:s18+$0x2050]  }
0x379: {  	[tilespmem:s18+$0x16820] =	vst.add.f32.msk $0xffff, v0  }
0x37a: {  	v0 =	vld [tilespmem:$0x1FDC0]  }
0x37b: {  	[tilespmem:s18+$0x16060] =	vst.add.f32.msk $0xffff, v2  }
0x37c: {  	[tilespmem:s18+$0x16070] =	vst.add.f32.msk $0xffff, v6  }
0x37d: {  	[tilespmem:s18+$0x16400] =	vst.add.f32.msk $0xffff, v7  }
0x37e: {  	[tilespmem:s18+$0x16050] =	vst.add.f32.msk $0xffff, v1  }
0x37f: {  	s21 =	simm.s32 $0x0;
	s20 =	simm.s32 $0x2;
	[tilespmem:s18+$0x16830] =	vst.add.f32.msk $0xffff, v0  }
.LBB2_7:
0x380: {  	s21 =	smul.u32 $0x2800, s21;
	s19 =	sadd.s32 $0x80, s19;
	[tilespmem:s18+$0x16840] =	vst.add.f32.msk $0xffff, v5  }
0x381: {  	s22 =	sand.u32 $0x380, s19;
	[tilespmem:s18+$0x16850] =	vst.add.f32.msk $0xffff, v4  }
0x382: {  	[tilespmem:s18+$0x16860] =	vst.add.f32.msk $0xffff, v3;
	s18 =	sor.u32 s22, s21  }
0x383: {  	v0 =	vld [tilespmem:s18+$0x2870]  }
0x384: {  	v1 =	vld [tilespmem:s18+$0x400]  }
0x385: {  	v2 =	vld [tilespmem:s18+$0x460]  }
0x386: {  	v11 =	vld [tilespmem:s18+$0x470]  }
0x387: {  	v12 =	vld [tilespmem:s18+$0x800]  }
0x388: {  	v13 =	vld [tilespmem:s18+$0x810]  }
0x389: {  	v14 =	vld [tilespmem:s18+$0x820]  }
0x38a: {  	v15 =	vld [tilespmem:s18+$0x830]  }
0x38b: {  	v16 =	vld [tilespmem:s18+$0x840]  }
0x38c: {  	v17 =	vld [tilespmem:s18+$0x850]  }
0x38d: {  	v18 =	vld [tilespmem:s18+$0x860]  }
0x38e: {  	v19 =	vld [tilespmem:s18+$0x870]  }
0x38f: {  	v20 =	vld [tilespmem:s18+$0xC00]  }
0x390: {  	v21 =	vld [tilespmem:s18+$0xC10]  }
0x391: {  	v22 =	vld [tilespmem:s18+$0xC20]  }
0x392: {  	v23 =	vld [tilespmem:s18+$0xC30]  }
0x393: {  	[tilespmem:s18+$0x16870] =	vst.add.f32.msk $0xffff, v0  }
0x394: {  	v0 =	vld [tilespmem:s18+$0x440]  }
0x395: {  	v24 =	vld [tilespmem:s18+$0xC40]  }
0x396: {  	v25 =	vld [tilespmem:s18+$0xC50]  }
0x397: {  	v26 =	vld [tilespmem:s18+$0xC60]  }
0x398: {  	v27 =	vld [tilespmem:s18+$0xC70]  }
0x399: {  	[tilespmem:$0x1FC10] =	vst v0;
	v0 =	vld [tilespmem:s18+$0x2410]  }
0x39a: {  	v28 =	vld [tilespmem:s18+$0x1000]  }
0x39b: {  	v29 =	vld [tilespmem:s18+$0x1010]  }
0x39c: {  	v30 =	vld [tilespmem:s18+$0x1020]  }
0x39d: {  	v31 =	vld [tilespmem:s18+$0x1030]  }
0x39e: {  	[tilespmem:$0x1FC20] =	vst v0;
	v0 =	vld [tilespmem:s18+$0x2420]  }
0x39f: {  	v32 =	vld [tilespmem:s18+$0x1040]  }
0x3a0: {  	v33 =	vld [tilespmem:s18+$0x1050]  }
0x3a1: {  	v34 =	vld [tilespmem:s18+$0x1060]  }
0x3a2: {  	v35 =	vld [tilespmem:s18+$0x1070]  }
0x3a3: {  	[tilespmem:$0x1FC30] =	vst v0;
	v0 =	vld [tilespmem:s18+$0x2430]  }
0x3a4: {  	v36 =	vld [tilespmem:s18+$0x1400]  }
0x3a5: {  	v37 =	vld [tilespmem:s18+$0x1410]  }
0x3a6: {  	v38 =	vld [tilespmem:s18+$0x1420]  }
0x3a7: {  	v39 =	vld [tilespmem:s18+$0x1430]  }
0x3a8: {  	[tilespmem:$0x1FC40] =	vst v0;
	v0 =	vld [tilespmem:s18+$0x2440]  }
0x3a9: {  	v40 =	vld [tilespmem:s18+$0x1440]  }
0x3aa: {  	v41 =	vld [tilespmem:s18+$0x1450]  }
0x3ab: {  	v42 =	vld [tilespmem:s18+$0x1460]  }
0x3ac: {  	v43 =	vld [tilespmem:s18+$0x1470]  }
0x3ad: {  	[tilespmem:$0x1FC50] =	vst v0;
	v0 =	vld [tilespmem:s18+$0x2450]  }
0x3ae: {  	v44 =	vld [tilespmem:s18+$0x1800]  }
0x3af: {  	v45 =	vld [tilespmem:s18+$0x1810]  }
0x3b0: {  	v46 =	vld [tilespmem:s18+$0x1820]  }
0x3b1: {  	v47 =	vld [tilespmem:s18+$0x1830]  }
0x3b2: {  	[tilespmem:$0x1FC60] =	vst v0;
	v0 =	vld [tilespmem:s18+$0x2460]  }
0x3b3: {  	v48 =	vld [tilespmem:s18+$0x1840]  }
0x3b4: {  	v49 =	vld [tilespmem:s18+$0x1850]  }
0x3b5: {  	v50 =	vld [tilespmem:s18+$0x1860]  }
0x3b6: {  	v51 =	vld [tilespmem:s18+$0x1870]  }
0x3b7: {  	[tilespmem:$0x1FC70] =	vst v0;
	v0 =	vld [tilespmem:s18+$0x2470]  }
0x3b8: {  	v52 =	vld [tilespmem:s18+$0x1C00]  }
0x3b9: {  	v53 =	vld [tilespmem:s18+$0x1C10]  }
0x3ba: {  	v54 =	vld [tilespmem:s18+$0x1C20]  }
0x3bb: {  	v55 =	vld [tilespmem:s18+$0x1C30]  }
0x3bc: {  	[tilespmem:$0x1FC80] =	vst v0;
	v0 =	vld [tilespmem:s18+$0x2800]  }
0x3bd: {  	v56 =	vld [tilespmem:s18+$0x1C40]  }
0x3be: {  	v57 =	vld [tilespmem:s18+$0x1C50]  }
0x3bf: {  	v58 =	vld [tilespmem:s18+$0x1C60]  }
0x3c0: {  	v59 =	vld [tilespmem:s18+$0x1C70]  }
0x3c1: {  	[tilespmem:$0x1FC90] =	vst v0;
	v0 =	vld [tilespmem:s18+$0x2810]  }
0x3c2: {  	v60 =	vld [tilespmem:s18+$0x2000]  }
0x3c3: {  	v61 =	vld [tilespmem:s18+$0x2010]  }
0x3c4: {  	v62 =	vld [tilespmem:s18+$0x2020]  }
0x3c5: {  	v63 =	vld [tilespmem:s18+$0x2030]  }
0x3c6: {  	[tilespmem:$0x1FCA0] =	vst v0;
	v0 =	vld [tilespmem:s18+$0x2820]  }
0x3c7: {  	v6 =	vld [tilespmem:s18+$0x2040]  }
0x3c8: {  	v7 =	vld [tilespmem:s18+$0x2050]  }
0x3c9: {  	v8 =	vld [tilespmem:s18+$0x2060]  }
0x3ca: {  	v9 =	vld [tilespmem:s18+$0x2070]  }
0x3cb: {  	[tilespmem:$0x1FCB0] =	vst v0;
	v0 =	vld [tilespmem:s18+$0x2830]  }
0x3cc: {  	v10 =	vld [tilespmem:s18+$0x2400]  }
0x3cd: {  	v5 =	vld [tilespmem:s18+$0x2840]  }
0x3ce: {  	v4 =	vld [tilespmem:s18+$0x2850]  }
0x3cf: {  	[tilespmem:$0x1FBD0] =	vst v1;
	v1 =	vld [tilespmem:s18+$0x410]  }
0x3d0: {  	[tilespmem:$0x1FCC0] =	vst v0;
	v0 =	vld [tilespmem:$0x1FBD0]  }
0x3d1: {  	[tilespmem:s18+$0x14460] =	vst.add.f32.msk $0xffff, v2  }
0x3d2: {  	[tilespmem:s18+$0x14470] =	vst.add.f32.msk $0xffff, v11  }
0x3d3: {  	[tilespmem:s18+$0x14800] =	vst.add.f32.msk $0xffff, v12  }
0x3d4: {  	[tilespmem:$0x1FBE0] =	vst v1;
	v1 =	vld [tilespmem:s18+$0x420]  }
0x3d5: {  	[tilespmem:s18+$0x14400] =	vst.add.f32.msk $0xffff, v0  }
0x3d6: {  	v0 =	vld [tilespmem:$0x1FBE0]  }
0x3d7: {  	[tilespmem:s18+$0x14810] =	vst.add.f32.msk $0xffff, v13  }
0x3d8: {  	[tilespmem:s18+$0x14820] =	vst.add.f32.msk $0xffff, v14  }
0x3d9: {  	[tilespmem:s18+$0x14830] =	vst.add.f32.msk $0xffff, v15  }
0x3da: {  	[tilespmem:$0x1FBF0] =	vst v1;
	v1 =	vld [tilespmem:s18+$0x430]  }
0x3db: {  	[tilespmem:s18+$0x14410] =	vst.add.f32.msk $0xffff, v0  }
0x3dc: {  	v0 =	vld [tilespmem:$0x1FBF0]  }
0x3dd: {  	[tilespmem:s18+$0x14840] =	vst.add.f32.msk $0xffff, v16  }
0x3de: {  	[tilespmem:s18+$0x14850] =	vst.add.f32.msk $0xffff, v17  }
0x3df: {  	[tilespmem:s18+$0x14860] =	vst.add.f32.msk $0xffff, v18  }
0x3e0: {  	v3 =	vld [tilespmem:s18+$0x2860];
	[tilespmem:$0x1FC00] =	vst v1  }
0x3e1: {  	[tilespmem:s18+$0x14420] =	vst.add.f32.msk $0xffff, v0  }
0x3e2: {  	v0 =	vld [tilespmem:$0x1FC00]  }
0x3e3: {  	[tilespmem:s18+$0x14870] =	vst.add.f32.msk $0xffff, v19  }
0x3e4: {  	[tilespmem:s18+$0x14C00] =	vst.add.f32.msk $0xffff, v20  }
0x3e5: {  	[tilespmem:s18+$0x14C10] =	vst.add.f32.msk $0xffff, v21  }
0x3e6: {  	[tilespmem:s18+$0x14C20] =	vst.add.f32.msk $0xffff, v22  }
0x3e7: {  	[tilespmem:s18+$0x14430] =	vst.add.f32.msk $0xffff, v0  }
0x3e8: {  	v0 =	vld [tilespmem:$0x1FC10]  }
0x3e9: {  	[tilespmem:s18+$0x14C30] =	vst.add.f32.msk $0xffff, v23  }
0x3ea: {  	[tilespmem:s18+$0x14C40] =	vst.add.f32.msk $0xffff, v24  }
0x3eb: {  	[tilespmem:s18+$0x14C50] =	vst.add.f32.msk $0xffff, v25  }
0x3ec: {  	[tilespmem:s18+$0x14C60] =	vst.add.f32.msk $0xffff, v26  }
0x3ed: {  	[tilespmem:s18+$0x14440] =	vst.add.f32.msk $0xffff, v0  }
0x3ee: {  	v0 =	vld [tilespmem:$0x1FC20]  }
0x3ef: {  	[tilespmem:s18+$0x14C70] =	vst.add.f32.msk $0xffff, v27  }
0x3f0: {  	[tilespmem:s18+$0x15000] =	vst.add.f32.msk $0xffff, v28  }
0x3f1: {  	[tilespmem:s18+$0x15010] =	vst.add.f32.msk $0xffff, v29  }
0x3f2: {  	[tilespmem:s18+$0x15020] =	vst.add.f32.msk $0xffff, v30  }
0x3f3: {  	[tilespmem:s18+$0x16410] =	vst.add.f32.msk $0xffff, v0  }
0x3f4: {  	v0 =	vld [tilespmem:$0x1FC30]  }
0x3f5: {  	[tilespmem:s18+$0x15030] =	vst.add.f32.msk $0xffff, v31  }
0x3f6: {  	[tilespmem:s18+$0x15040] =	vst.add.f32.msk $0xffff, v32  }
0x3f7: {  	[tilespmem:s18+$0x15050] =	vst.add.f32.msk $0xffff, v33  }
0x3f8: {  	[tilespmem:s18+$0x15060] =	vst.add.f32.msk $0xffff, v34  }
0x3f9: {  	[tilespmem:s18+$0x16420] =	vst.add.f32.msk $0xffff, v0  }
0x3fa: {  	v0 =	vld [tilespmem:$0x1FC40]  }
0x3fb: {  	[tilespmem:s18+$0x15070] =	vst.add.f32.msk $0xffff, v35  }
0x3fc: {  	[tilespmem:s18+$0x15400] =	vst.add.f32.msk $0xffff, v36  }
0x3fd: {  	[tilespmem:s18+$0x15410] =	vst.add.f32.msk $0xffff, v37  }
0x3fe: {  	[tilespmem:s18+$0x15420] =	vst.add.f32.msk $0xffff, v38  }
0x3ff: {  	[tilespmem:s18+$0x16430] =	vst.add.f32.msk $0xffff, v0  }
0x400: {  	v0 =	vld [tilespmem:$0x1FC50]  }
0x401: {  	[tilespmem:s18+$0x15430] =	vst.add.f32.msk $0xffff, v39  }
0x402: {  	[tilespmem:s18+$0x15440] =	vst.add.f32.msk $0xffff, v40  }
0x403: {  	[tilespmem:s18+$0x15450] =	vst.add.f32.msk $0xffff, v41  }
0x404: {  	[tilespmem:s18+$0x15460] =	vst.add.f32.msk $0xffff, v42  }
0x405: {  	[tilespmem:s18+$0x16440] =	vst.add.f32.msk $0xffff, v0  }
0x406: {  	v0 =	vld [tilespmem:$0x1FC60]  }
0x407: {  	[tilespmem:s18+$0x15470] =	vst.add.f32.msk $0xffff, v43  }
0x408: {  	[tilespmem:s18+$0x15800] =	vst.add.f32.msk $0xffff, v44  }
0x409: {  	[tilespmem:s18+$0x15810] =	vst.add.f32.msk $0xffff, v45  }
0x40a: {  	[tilespmem:s18+$0x15820] =	vst.add.f32.msk $0xffff, v46  }
0x40b: {  	[tilespmem:s18+$0x16450] =	vst.add.f32.msk $0xffff, v0  }
0x40c: {  	v0 =	vld [tilespmem:$0x1FC70]  }
0x40d: {  	[tilespmem:s18+$0x15830] =	vst.add.f32.msk $0xffff, v47  }
0x40e: {  	[tilespmem:s18+$0x15840] =	vst.add.f32.msk $0xffff, v48  }
0x40f: {  	[tilespmem:s18+$0x15850] =	vst.add.f32.msk $0xffff, v49  }
0x410: {  	[tilespmem:s18+$0x15860] =	vst.add.f32.msk $0xffff, v50  }
0x411: {  	[tilespmem:s18+$0x16460] =	vst.add.f32.msk $0xffff, v0  }
0x412: {  	v0 =	vld [tilespmem:$0x1FC80]  }
0x413: {  	[tilespmem:s18+$0x15870] =	vst.add.f32.msk $0xffff, v51  }
0x414: {  	[tilespmem:s18+$0x15C00] =	vst.add.f32.msk $0xffff, v52  }
0x415: {  	[tilespmem:s18+$0x15C10] =	vst.add.f32.msk $0xffff, v53  }
0x416: {  	[tilespmem:s18+$0x15C20] =	vst.add.f32.msk $0xffff, v54  }
0x417: {  	[tilespmem:s18+$0x16470] =	vst.add.f32.msk $0xffff, v0  }
0x418: {  	v0 =	vld [tilespmem:$0x1FC90]  }
0x419: {  	[tilespmem:s18+$0x15C30] =	vst.add.f32.msk $0xffff, v55  }
0x41a: {  	[tilespmem:s18+$0x15C40] =	vst.add.f32.msk $0xffff, v56  }
0x41b: {  	[tilespmem:s18+$0x15C50] =	vst.add.f32.msk $0xffff, v57  }
0x41c: {  	[tilespmem:s18+$0x15C60] =	vst.add.f32.msk $0xffff, v58  }
0x41d: {  	[tilespmem:s18+$0x16800] =	vst.add.f32.msk $0xffff, v0  }
0x41e: {  	v0 =	vld [tilespmem:$0x1FCA0]  }
0x41f: {  	[tilespmem:s18+$0x15C70] =	vst.add.f32.msk $0xffff, v59  }
0x420: {  	[tilespmem:s18+$0x16000] =	vst.add.f32.msk $0xffff, v60  }
0x421: {  	[tilespmem:s18+$0x16010] =	vst.add.f32.msk $0xffff, v61  }
0x422: {  	[tilespmem:s18+$0x16020] =	vst.add.f32.msk $0xffff, v62  }
0x423: {  	[tilespmem:s18+$0x16810] =	vst.add.f32.msk $0xffff, v0  }
0x424: {  	v0 =	vld [tilespmem:$0x1FCB0]  }
0x425: {  	[tilespmem:s18+$0x16030] =	vst.add.f32.msk $0xffff, v63  }
0x426: {  	[tilespmem:s18+$0x16040] =	vst.add.f32.msk $0xffff, v6  }
0x427: {  	[tilespmem:s18+$0x16050] =	vst.add.f32.msk $0xffff, v7  }
0x428: {  	v1 =	vld [tilespmem:s18+$0x450]  }
0x429: {  	[tilespmem:s18+$0x16820] =	vst.add.f32.msk $0xffff, v0  }
0x42a: {  	p0 =	sne.s32 s20, $0x1F;
	v0 =	vld [tilespmem:$0x1FCC0]  }
.Ltmp2:
0x42b: {  	[tilespmem:s18+$0x16060] =	vst.add.f32.msk $0xffff, v8;
	(pc) =	sbr.rel @p0 .LBB2_7-.Ltmp2, $4  }
0x42c: {  	[tilespmem:s18+$0x16070] =	vst.add.f32.msk $0xffff, v9  }
0x42d: {  	[tilespmem:s18+$0x16400] =	vst.add.f32.msk $0xffff, v10  }
0x42e: {  	[tilespmem:s18+$0x14450] =	vst.add.f32.msk $0xffff, v1  }
0x42f: {  	s21 =	sshrl.u32 s20, $0x3;
	s20 =	sadd.s32 $0x1, s20;
	[tilespmem:s18+$0x16830] =	vst.add.f32.msk $0xffff, v0  }
0x430: {  	s20 =	smul.u32 $0x2800, s21;
	[tilespmem:s18+$0x16840] =	vst.add.f32.msk $0xffff, v5;
	s19 =	sadd.s32 $0x80, s19  }
0x431: {  	[tilespmem:s18+$0x16850] =	vst.add.f32.msk $0xffff, v4;
	s19 =	sand.u32 $0x380, s19  }
0x432: {  	[tilespmem:s18+$0x16860] =	vst.add.f32.msk $0xffff, v3;
	s19 =	sor.u32 s19, s20  }
0x433: {  	v0 =	vld [tilespmem:s19+$0x2870]  }
0x434: {  	v1 =	vld [tilespmem:s19+$0x400]  }
0x435: {  	v2 =	vld [tilespmem:s19+$0x410]  }
0x436: {  	v3 =	vld [tilespmem:s19+$0x420]  }
0x437: {  	v4 =	vld [tilespmem:s19+$0x430]  }
0x438: {  	v45 =	vld [tilespmem:s19+$0x440]  }
0x439: {  	v46 =	vld [tilespmem:s19+$0x450]  }
0x43a: {  	v47 =	vld [tilespmem:s19+$0x460]  }
0x43b: {  	v48 =	vld [tilespmem:s19+$0x470]  }
0x43c: {  	v49 =	vld [tilespmem:s19+$0x800]  }
0x43d: {  	v50 =	vld [tilespmem:s19+$0x810]  }
0x43e: {  	v51 =	vld [tilespmem:s19+$0x820]  }
0x43f: {  	v52 =	vld [tilespmem:s19+$0x830]  }
0x440: {  	v53 =	vld [tilespmem:s19+$0x840]  }
0x441: {  	v54 =	vld [tilespmem:s19+$0x850]  }
0x442: {  	v55 =	vld [tilespmem:s19+$0x860]  }
0x443: {  	v56 =	vld [tilespmem:s19+$0x870]  }
0x444: {  	v57 =	vld [tilespmem:s19+$0xC00]  }
0x445: {  	v58 =	vld [tilespmem:s19+$0xC10]  }
0x446: {  	v59 =	vld [tilespmem:s19+$0xC20]  }
0x447: {  	v60 =	vld [tilespmem:s19+$0xC30]  }
0x448: {  	v61 =	vld [tilespmem:s19+$0xC40]  }
0x449: {  	v62 =	vld [tilespmem:s19+$0xC50]  }
0x44a: {  	v63 =	vld [tilespmem:s19+$0xC60]  }
0x44b: {  	v8 =	vld [tilespmem:s19+$0xC70]  }
0x44c: {  	v9 =	vld [tilespmem:s19+$0x1000]  }
0x44d: {  	v10 =	vld [tilespmem:s19+$0x1010]  }
0x44e: {  	v11 =	vld [tilespmem:s19+$0x1020]  }
0x44f: {  	v12 =	vld [tilespmem:s19+$0x1030]  }
0x450: {  	v13 =	vld [tilespmem:s19+$0x1040]  }
0x451: {  	v14 =	vld [tilespmem:s19+$0x1050]  }
0x452: {  	v15 =	vld [tilespmem:s19+$0x1060]  }
0x453: {  	v16 =	vld [tilespmem:s19+$0x1070]  }
0x454: {  	v17 =	vld [tilespmem:s19+$0x1400]  }
0x455: {  	v18 =	vld [tilespmem:s19+$0x1410]  }
0x456: {  	v19 =	vld [tilespmem:s19+$0x1420]  }
0x457: {  	v20 =	vld [tilespmem:s19+$0x1430]  }
0x458: {  	v21 =	vld [tilespmem:s19+$0x1440]  }
0x459: {  	v22 =	vld [tilespmem:s19+$0x1450]  }
0x45a: {  	v23 =	vld [tilespmem:s19+$0x1460]  }
0x45b: {  	v24 =	vld [tilespmem:s19+$0x1470]  }
0x45c: {  	v25 =	vld [tilespmem:s19+$0x1800]  }
0x45d: {  	v26 =	vld [tilespmem:s19+$0x1810]  }
0x45e: {  	v27 =	vld [tilespmem:s19+$0x1820]  }
0x45f: {  	v28 =	vld [tilespmem:s19+$0x1830]  }
0x460: {  	v29 =	vld [tilespmem:s19+$0x1840]  }
0x461: {  	v30 =	vld [tilespmem:s19+$0x1850]  }
0x462: {  	v31 =	vld [tilespmem:s19+$0x1860]  }
0x463: {  	v32 =	vld [tilespmem:s19+$0x1870]  }
0x464: {  	v33 =	vld [tilespmem:s19+$0x1C00]  }
0x465: {  	v34 =	vld [tilespmem:s19+$0x1C10]  }
0x466: {  	v35 =	vld [tilespmem:s19+$0x1C20]  }
0x467: {  	v36 =	vld [tilespmem:s19+$0x1C30]  }
0x468: {  	v37 =	vld [tilespmem:s19+$0x1C40]  }
0x469: {  	v38 =	vld [tilespmem:s19+$0x1C50]  }
0x46a: {  	v39 =	vld [tilespmem:s19+$0x1C60]  }
0x46b: {  	v40 =	vld [tilespmem:s19+$0x1C70]  }
0x46c: {  	v41 =	vld [tilespmem:s19+$0x2000]  }
0x46d: {  	v42 =	vld [tilespmem:s19+$0x2010]  }
0x46e: {  	v43 =	vld [tilespmem:s19+$0x2020]  }
0x46f: {  	v44 =	vld [tilespmem:s19+$0x2030]  }
0x470: {  	[tilespmem:s19+$0x16870] =	vst.add.f32.msk $0xffff, v0  }
0x471: {  	[tilespmem:s19+$0x14400] =	vst.add.f32.msk $0xffff, v1  }
0x472: {  	[tilespmem:s19+$0x14410] =	vst.add.f32.msk $0xffff, v2  }
0x473: {  	[tilespmem:s19+$0x14420] =	vst.add.f32.msk $0xffff, v3  }
0x474: {  	[tilespmem:s19+$0x14430] =	vst.add.f32.msk $0xffff, v4  }
0x475: {  	[tilespmem:s19+$0x14440] =	vst.add.f32.msk $0xffff, v45  }
0x476: {  	[tilespmem:s19+$0x14450] =	vst.add.f32.msk $0xffff, v46  }
0x477: {  	[tilespmem:s19+$0x14460] =	vst.add.f32.msk $0xffff, v47  }
0x478: {  	[tilespmem:s19+$0x14470] =	vst.add.f32.msk $0xffff, v48  }
0x479: {  	[tilespmem:s19+$0x14800] =	vst.add.f32.msk $0xffff, v49  }
0x47a: {  	[tilespmem:s19+$0x14810] =	vst.add.f32.msk $0xffff, v50  }
0x47b: {  	[tilespmem:s19+$0x14820] =	vst.add.f32.msk $0xffff, v51  }
0x47c: {  	[tilespmem:s19+$0x14830] =	vst.add.f32.msk $0xffff, v52  }
0x47d: {  	[tilespmem:s19+$0x14840] =	vst.add.f32.msk $0xffff, v53  }
0x47e: {  	[tilespmem:s19+$0x14850] =	vst.add.f32.msk $0xffff, v54  }
0x47f: {  	[tilespmem:s19+$0x14860] =	vst.add.f32.msk $0xffff, v55  }
0x480: {  	[tilespmem:s19+$0x14870] =	vst.add.f32.msk $0xffff, v56  }
0x481: {  	[tilespmem:s19+$0x14C00] =	vst.add.f32.msk $0xffff, v57  }
0x482: {  	[tilespmem:s19+$0x14C10] =	vst.add.f32.msk $0xffff, v58  }
0x483: {  	[tilespmem:s19+$0x14C20] =	vst.add.f32.msk $0xffff, v59  }
0x484: {  	[tilespmem:s19+$0x14C30] =	vst.add.f32.msk $0xffff, v60  }
0x485: {  	[tilespmem:s19+$0x14C40] =	vst.add.f32.msk $0xffff, v61  }
0x486: {  	[tilespmem:s19+$0x14C50] =	vst.add.f32.msk $0xffff, v62  }
0x487: {  	[tilespmem:s19+$0x14C60] =	vst.add.f32.msk $0xffff, v63  }
0x488: {  	[tilespmem:s19+$0x14C70] =	vst.add.f32.msk $0xffff, v8  }
0x489: {  	[tilespmem:s19+$0x15000] =	vst.add.f32.msk $0xffff, v9  }
0x48a: {  	[tilespmem:s19+$0x15010] =	vst.add.f32.msk $0xffff, v10  }
0x48b: {  	[tilespmem:s19+$0x15020] =	vst.add.f32.msk $0xffff, v11  }
0x48c: {  	[tilespmem:s19+$0x15030] =	vst.add.f32.msk $0xffff, v12  }
0x48d: {  	[tilespmem:s19+$0x15040] =	vst.add.f32.msk $0xffff, v13  }
0x48e: {  	[tilespmem:s19+$0x15050] =	vst.add.f32.msk $0xffff, v14  }
0x48f: {  	[tilespmem:s19+$0x15060] =	vst.add.f32.msk $0xffff, v15  }
0x490: {  	[tilespmem:s19+$0x15070] =	vst.add.f32.msk $0xffff, v16  }
0x491: {  	[tilespmem:s19+$0x15400] =	vst.add.f32.msk $0xffff, v17  }
0x492: {  	[tilespmem:s19+$0x15410] =	vst.add.f32.msk $0xffff, v18  }
0x493: {  	[tilespmem:s19+$0x15420] =	vst.add.f32.msk $0xffff, v19  }
0x494: {  	[tilespmem:s19+$0x15430] =	vst.add.f32.msk $0xffff, v20  }
0x495: {  	[tilespmem:s19+$0x15440] =	vst.add.f32.msk $0xffff, v21  }
0x496: {  	[tilespmem:s19+$0x15450] =	vst.add.f32.msk $0xffff, v22  }
0x497: {  	[tilespmem:s19+$0x15460] =	vst.add.f32.msk $0xffff, v23  }
0x498: {  	[tilespmem:s19+$0x15470] =	vst.add.f32.msk $0xffff, v24  }
0x499: {  	[tilespmem:s19+$0x15800] =	vst.add.f32.msk $0xffff, v25  }
0x49a: {  	[tilespmem:s19+$0x15810] =	vst.add.f32.msk $0xffff, v26  }
0x49b: {  	[tilespmem:s19+$0x15820] =	vst.add.f32.msk $0xffff, v27  }
0x49c: {  	[tilespmem:s19+$0x15830] =	vst.add.f32.msk $0xffff, v28  }
0x49d: {  	[tilespmem:s19+$0x15840] =	vst.add.f32.msk $0xffff, v29  }
0x49e: {  	[tilespmem:s19+$0x15850] =	vst.add.f32.msk $0xffff, v30  }
0x49f: {  	[tilespmem:s19+$0x15860] =	vst.add.f32.msk $0xffff, v31  }
0x4a0: {  	[tilespmem:s19+$0x15870] =	vst.add.f32.msk $0xffff, v32  }
0x4a1: {  	[tilespmem:s19+$0x15C00] =	vst.add.f32.msk $0xffff, v33  }
0x4a2: {  	[tilespmem:s19+$0x15C10] =	vst.add.f32.msk $0xffff, v34  }
0x4a3: {  	[tilespmem:s19+$0x15C20] =	vst.add.f32.msk $0xffff, v35  }
0x4a4: {  	[tilespmem:s19+$0x15C30] =	vst.add.f32.msk $0xffff, v36  }
0x4a5: {  	[tilespmem:s19+$0x15C40] =	vst.add.f32.msk $0xffff, v37  }
0x4a6: {  	[tilespmem:s19+$0x15C50] =	vst.add.f32.msk $0xffff, v38  }
0x4a7: {  	[tilespmem:s19+$0x15C60] =	vst.add.f32.msk $0xffff, v39  }
0x4a8: {  	[tilespmem:s19+$0x15C70] =	vst.add.f32.msk $0xffff, v40  }
0x4a9: {  	v45 =	vld [tilespmem:s19+$0x2040]  }
0x4aa: {  	[tilespmem:s19+$0x16000] =	vst.add.f32.msk $0xffff, v41  }
0x4ab: {  	v46 =	vld [tilespmem:s19+$0x2050]  }
0x4ac: {  	[tilespmem:s19+$0x16010] =	vst.add.f32.msk $0xffff, v42  }
0x4ad: {  	v47 =	vld [tilespmem:s19+$0x2060]  }
0x4ae: {  	[tilespmem:s19+$0x16020] =	vst.add.f32.msk $0xffff, v43  }
0x4af: {  	v48 =	vld [tilespmem:s19+$0x2070]  }
0x4b0: {  	[tilespmem:s19+$0x16030] =	vst.add.f32.msk $0xffff, v44  }
0x4b1: {  	v49 =	vld [tilespmem:s19+$0x2400]  }
0x4b2: {  	v50 =	vld [tilespmem:s19+$0x2410]  }
0x4b3: {  	v51 =	vld [tilespmem:s19+$0x2420]  }
0x4b4: {  	v52 =	vld [tilespmem:s19+$0x2430]  }
0x4b5: {  	v53 =	vld [tilespmem:s19+$0x2440]  }
0x4b6: {  	v54 =	vld [tilespmem:s19+$0x2450]  }
0x4b7: {  	v55 =	vld [tilespmem:s19+$0x2460]  }
0x4b8: {  	v56 =	vld [tilespmem:s19+$0x2470]  }
0x4b9: {  	v57 =	vld [tilespmem:s19+$0x2800]  }
0x4ba: {  	v58 =	vld [tilespmem:s19+$0x2810]  }
0x4bb: {  	v59 =	vld [tilespmem:s19+$0x2820]  }
0x4bc: {  	v60 =	vld [tilespmem:s19+$0x2830]  }
0x4bd: {  	v61 =	vld [tilespmem:s19+$0x2840]  }
0x4be: {  	v62 =	vld [tilespmem:s19+$0x2850]  }
0x4bf: {  	v63 =	vld [tilespmem:s19+$0x2860]  }
0x4c0: {  	[tilespmem:s19+$0x16040] =	vst.add.f32.msk $0xffff, v45  }
0x4c1: {  	[tilespmem:s19+$0x16050] =	vst.add.f32.msk $0xffff, v46  }
0x4c2: {  	[tilespmem:s19+$0x16060] =	vst.add.f32.msk $0xffff, v47  }
0x4c3: {  	[tilespmem:s19+$0x16070] =	vst.add.f32.msk $0xffff, v48  }
0x4c4: {  	[tilespmem:s19+$0x16400] =	vst.add.f32.msk $0xffff, v49  }
0x4c5: {  	[tilespmem:s19+$0x16410] =	vst.add.f32.msk $0xffff, v50  }
0x4c6: {  	[tilespmem:s19+$0x16420] =	vst.add.f32.msk $0xffff, v51  }
0x4c7: {  	[tilespmem:s19+$0x16430] =	vst.add.f32.msk $0xffff, v52  }
0x4c8: {  	[tilespmem:s19+$0x16440] =	vst.add.f32.msk $0xffff, v53  }
0x4c9: {  	[tilespmem:s19+$0x16450] =	vst.add.f32.msk $0xffff, v54  }
0x4ca: {  	[tilespmem:s19+$0x16460] =	vst.add.f32.msk $0xffff, v55  }
0x4cb: {  	[tilespmem:s19+$0x16470] =	vst.add.f32.msk $0xffff, v56  }
0x4cc: {  	[tilespmem:s19+$0x16800] =	vst.add.f32.msk $0xffff, v57  }
0x4cd: {  	s17 =	sshll.u32 s17, $0xA;
	s16 =	sadd.s32 $0x1, s16;
	[tilespmem:s19+$0x16810] =	vst.add.f32.msk $0xffff, v58  }
0x4ce: {  	s17 =	sor.u32 s5, s17;
	p0 =	sne.s32 s16, $0x10;
	[tilespmem:s19+$0x16820] =	vst.add.f32.msk $0xffff, v59  }
.Ltmp3:
0x4cf: {  	s17 =	sshrl.u32 s17, $0x3;
	[tilespmem:s19+$0x16830] =	vst.add.f32.msk $0xffff, v60;
	(pc) =	sbr.rel @p0 .LBB2_2-.Ltmp3, $4  }
0x4d0: {  	s17 =	smul.u32 $0x500, s17;
	[tilespmem:s19+$0x16840] =	vst.add.f32.msk $0xffff, v61  }
0x4d1: {  	[tilespmem:s19+$0x16850] =	vst.add.f32.msk $0xffff, v62  }
0x4d2: {  	s17 =	sadd.s32 s3, s17;
	[tilespmem:s19+$0x16860] =	vst.add.f32.msk $0xffff, v63  }
0x4d3: {  	[hbm4b:s17+s4] =	stream.linear.scatter [tilespmem:s12], [sflag:$0x4], $0xA000, $0x38;
	[tilespmem:$0x1E400] =	vst v63  }
0x4d4: {  	_ =	swait.ge [sflag:s13], $0xA000  }
0x4d5: {  	[sflag:s13] =	ssyncset.done $0x0  }
0x4d6: {  	s17 =	simm.s32 $0x4;
	[sflag:s13] =	ssyncadd.s32 $0xFFFF6000  }
0x4d7: {  	_ =	swait.ge [sflag:s17], $0xA000  }
0x4d8: {  	s18 =	rddreg [dreg:$0x8]  }
0x4d9: {  	s16 =	rddreg [dreg:$0x7];
	s18 =	sadd.s32 $0x1, s18  }
0x4da: {  	p0 =	sne.s32 s18, s16  }
.Ltmp4:
0x4db: {  	_ = 	snop;
	(pc) =	sbr.rel @p0 .LBB2_1-.Ltmp4, $3  }
0x4dc: {  	_ =	sdelay $0x1  }
0x4dd: {  	[sflag:s17] =	ssyncset.done $0x0  }
0x4de: {  	[sflag:s17] =	ssyncadd.s32 $0xFFFF6000  }
0x4df: {  	_ =	sfence.sel $0x180000  }
0x4e0: {  	[bflag:$0x0] =	sbarrier.arrive $0xFFFF  }
0x4e1: {  	_ =	strace $0x90000047  }
0x4e2: {  	s0 =	stileid.u32;
	[bflag:$0x2] =	sbarrier.arrive $0xFFFF  }
0x4e3: {  	p0 =	sne.s32 s0, $0x0;
	s0 =	rddreg [dreg:$0x4]  }
0x4e4: {  	s0 =	sadd.s32 @!p0 $0x100000, s0  }
0x4e5: {  	[sflag:s0] =	ssyncadd.tile.s32 @!p0 $0x1;
	_ =	shalt  }
.Lfunc_end2:
_tile_overlayer_lowered:
.L_overlay_start_2:
0x4e6: {  	(tag) =	ssettag $0x2  }
0x4e7: {  	s0 =	rddreg [dreg:$0x0];
	s2 =	stileid.u32  }
0x4e8: {  	s1 =	rddreg [dreg:$0x1];
	p0 =	sne.s32 s2, $0x0  }
0x4e9: {  	s3 =	rddreg [dreg:$0x2];
	[bflag:$0x3] =	sbarrier.arrive $0xFFFF;
	s2 =	simm.s32 @!p0 $0x1C05  }
0x4ea: {  	[timem:s3], [sflag:s2] =	dma.local @!p0 [hbm:s0], s1  }
0x4eb: {  	s0 =	simm.s32 @!p0 $0x5  }
0x4ec: {  	_ =	swait.ge @!p0 [sflag:s0], s1  }
0x4ed: {  	s1 =	ssub.s32 @!p0 $0x0, s1;
	[sflag:s0] =	ssyncset.done @!p0 $0x0  }
0x4ee: {  	[sflag:s0] =	ssyncadd.s32 @!p0 s1  }
0x4ef: {  	[bflag:$0x3] =	sbarrier.arrive $0xFFFF  }
0x4f0: {  	_ =	shalt  }

</sc_bundles>
